<compile_context>
chip_gen: v7x
topology: tpu7x:2x2x1
jax: 0.10.2.dev20260603
libtpu: 0.0.44.dev20260713+nightly
codegen_flags: <defaults>
</compile_context>

<pallas_src>
import functools

import jax
import jax.numpy as jnp
from jax import lax
from jax.experimental import pallas as pl
from jax.experimental.pallas import tpu as pltpu
from jax.experimental.pallas import tpu_sc as plsc

N_NODES = 10000
N_PAD = 10240
N_EDGES = 320000
N_GRAPHS = 256
D_IN = 128
D0 = 64
D1 = 64
D2 = 128
D3 = 64
N_MOL = 200

NC = 2
NS = 16
NW = NC * NS
K = 128
C0 = 106
C1 = 54
NCHT = NS * (C0 + C1)
E_PAD = NCHT * K
RPT = N_PAD // NS


@functools.lru_cache(maxsize=None)
def _sc_kernels():
    mesh = plsc.VectorSubcoreMesh(core_axis_name="c", subcore_axis_name="s",
                                  num_cores=NC, num_subcores=NS)

    @functools.partial(
        pl.kernel,
        out_type=jax.ShapeDtypeStruct((2 * N_PAD, 16), jnp.float32),
        mesh=mesh,
        compiler_params=pltpu.CompilerParams(use_tc_tiling_on_sc=False),
        scratch_types=[
            pltpu.VMEM((C0, K), jnp.int32),
            pltpu.VMEM((K, 16), jnp.float32),
            pltpu.VMEM_SHARED((N_PAD, 16), jnp.float32),
            pltpu.SemaphoreType.DMA,
        ],
    )
    def deg_kernel(dst_hbm, ones_hbm, zeros_hbm, out_hbm, dst_all, ones_v,
                   acc, sem):
        cid = lax.axis_index("c")
        sid = lax.axis_index("s")
        nch = C0 - cid * (C0 - C1)
        cbase = cid * NS * C0 + sid * nch

        pltpu.sync_copy(ones_hbm, ones_v)

        @pl.when(cid == 0)
        def _():
            pltpu.sync_copy(dst_hbm.at[pl.ds(cbase, C0)],
                            dst_all.at[pl.ds(0, C0)])

        @pl.when(cid == 1)
        def _():
            pltpu.sync_copy(dst_hbm.at[pl.ds(cbase, C1)],
                            dst_all.at[pl.ds(0, C1)])

        pltpu.sync_copy(zeros_hbm.at[pl.ds(sid * RPT, RPT)],
                        acc.at[pl.ds(sid * RPT, RPT)])
        plsc.subcore_barrier()

        @pl.loop(0, nch)
        def _(i):
            pltpu.async_copy(ones_v, acc.at[dst_all.at[i]], sem, add=True)

        @pl.loop(0, nch)
        def _(i):
            pltpu.make_async_copy(ones_v, acc.at[dst_all.at[i]], sem).wait()

        plsc.subcore_barrier()
        pltpu.sync_copy(acc.at[pl.ds(sid * RPT, RPT)],
                        out_hbm.at[pl.ds(cid * N_PAD + sid * RPT, RPT)])

    @functools.partial(
        pl.kernel,
        out_type=jax.ShapeDtypeStruct((2 * N_PAD, D0), jnp.float32),
        mesh=mesh,
        compiler_params=pltpu.CompilerParams(use_tc_tiling_on_sc=False),
        scratch_types=[
            pltpu.VMEM((C0, K), jnp.int32),
            pltpu.VMEM((C0, K), jnp.int32),
            pltpu.VMEM((K, D0), jnp.float32),
            pltpu.VMEM((K, D0), jnp.float32),
            pltpu.VMEM_SHARED((N_PAD, D0), jnp.float32),
            pltpu.SemaphoreType.DMA,
            pltpu.SemaphoreType.DMA,
        ],
    )
    def spread_kernel(table_hbm, src_hbm, dst_hbm, zeros_hbm, out_hbm,
                      src_all, dst_all, rows0, rows1, acc, sem0, sem1):
        cid = lax.axis_index("c")
        sid = lax.axis_index("s")
        nch = C0 - cid * (C0 - C1)
        cbase = cid * NS * C0 + sid * nch

        @pl.when(cid == 0)
        def _():
            pltpu.sync_copy(src_hbm.at[pl.ds(cbase, C0)],
                            src_all.at[pl.ds(0, C0)])
            pltpu.sync_copy(dst_hbm.at[pl.ds(cbase, C0)],
                            dst_all.at[pl.ds(0, C0)])

        @pl.when(cid == 1)
        def _():
            pltpu.sync_copy(src_hbm.at[pl.ds(cbase, C1)],
                            src_all.at[pl.ds(0, C1)])
            pltpu.sync_copy(dst_hbm.at[pl.ds(cbase, C1)],
                            dst_all.at[pl.ds(0, C1)])

        pltpu.sync_copy(zeros_hbm.at[pl.ds(sid * RPT, RPT)],
                        acc.at[pl.ds(sid * RPT, RPT)])
        plsc.subcore_barrier()

        @pl.loop(0, nch // 2)
        def _(j):
            i0 = 2 * j
            g0 = pltpu.async_copy(table_hbm.at[src_all.at[i0]], rows0, sem0)

            @pl.when(j > 0)
            def _():
                pltpu.sync_copy(rows1, acc.at[dst_all.at[i0 - 1]], add=True)

            g0.wait()
            g1 = pltpu.async_copy(table_hbm.at[src_all.at[i0 + 1]], rows1,
                                  sem1)
            pltpu.sync_copy(rows0, acc.at[dst_all.at[i0]], add=True)
            g1.wait()

        pltpu.sync_copy(rows1, acc.at[dst_all.at[nch - 1]], add=True)
        plsc.subcore_barrier()
        pltpu.sync_copy(acc.at[pl.ds(sid * RPT, RPT)],
                        out_hbm.at[pl.ds(cid * N_PAD + sid * RPT, RPT)])

    return deg_kernel, spread_kernel



def _dinv(deg_ref):
    d = deg_ref[0, :, 0:1] + deg_ref[1, :, 0:1] + 1.0
    return lax.rsqrt(d)


def _silu(z):
    return z * (1.0 / (1.0 + jnp.exp(-z)))


def _m0_body(x_ref, w_ref, deg_ref, out_ref):
    dinv = _dinv(deg_ref)
    out_ref[...] = jnp.dot(x_ref[...], w_ref[...],
                           preferred_element_type=jnp.float32) * dinv


def _m1_body(s_ref, t_ref, deg_ref, b_ref, gam_ref, bet_ref, w_ref, out_ref):
    dinv = _dinv(deg_ref)
    z = dinv * (s_ref[0] + s_ref[1] + t_ref[...]) + b_ref[...]
    mask = (lax.broadcasted_iota(jnp.int32, (N_PAD, 1), 0) < N_NODES
            ).astype(jnp.float32)
    zm = z * mask
    mean = jnp.sum(zm, axis=0, keepdims=True) / N_NODES
    var = jnp.sum(zm * zm, axis=0, keepdims=True) / N_NODES - mean * mean
    zbn = gam_ref[...] * (z - mean) * lax.rsqrt(var + 1e-5) + bet_ref[...]
    h = _silu(zbn)
    out_ref[...] = jnp.dot(h, w_ref[...],
                           preferred_element_type=jnp.float32) * dinv


def _m2_body(s_ref, t_ref, deg_ref, b_ref, w_ref, out_ref):
    dinv = _dinv(deg_ref)
    z = dinv * (s_ref[0] + s_ref[1] + t_ref[...]) + b_ref[...]
    h = _silu(z)
    out_ref[...] = jnp.dot(h, w_ref[...],
                           preferred_element_type=jnp.float32) * dinv


def _head_body(s_ref, t_ref, deg_ref, bg2_ref, batch_ref, mol_ref,
               wm0_ref, bm0_ref, gamm_ref, betm_ref, wm1_ref, bm1_ref,
               wf0a_ref, wf0b_ref, bf0_ref, wf1_ref, bf1_ref,
               wf2_ref, bf2_ref, out_ref):
    dinv = _dinv(deg_ref)
    z2 = _silu(dinv * (s_ref[0] + s_ref[1] + t_ref[...]) + bg2_ref[...])

    CH = 1024
    gids = lax.broadcasted_iota(jnp.int32, (N_GRAPHS, CH), 0)

    hg = jnp.zeros((N_GRAPHS, D1), jnp.float32)
    for i in range(N_PAD // CH):
        nbase = i * CH
        b = batch_ref[0:1, nbase:nbase + CH]
        col = lax.broadcasted_iota(jnp.int32, (N_GRAPHS, CH), 1) + nbase
        oh = jnp.where((gids == b) & (col < N_NODES), 1.0, 0.0)
        hg = hg + jnp.dot(oh, z2[nbase:nbase + CH, :],
                          preferred_element_type=jnp.float32)

    hm = jnp.dot(mol_ref[...], wm0_ref[...],
                 preferred_element_type=jnp.float32) + bm0_ref[...]
    mean = jnp.mean(hm, axis=0, keepdims=True)
    var = jnp.mean(hm * hm, axis=0, keepdims=True) - mean * mean
    hm = gamm_ref[...] * (hm - mean) * lax.rsqrt(var + 1e-5) + betm_ref[...]
    hm = _silu(hm)
    hm = _silu(jnp.dot(hm, wm1_ref[...],
                       preferred_element_type=jnp.float32) + bm1_ref[...])

    h = _silu(jnp.dot(hg, wf0a_ref[...], preferred_element_type=jnp.float32)
              + jnp.dot(hm, wf0b_ref[...], preferred_element_type=jnp.float32)
              + bf0_ref[...])
    h = _silu(jnp.dot(h, wf1_ref[...],
                      preferred_element_type=jnp.float32) + bf1_ref[...])
    out_ref[...] = jnp.dot(h, wf2_ref[...],
                           preferred_element_type=jnp.float32) + bf2_ref[...]


def _tc_call(body, out_shape, *args):
    return pl.pallas_call(
        body, out_shape=jax.ShapeDtypeStruct(out_shape, jnp.float32))(*args)



def kernel(x, edge_index, batch, mol_feats, Wg0, bg0, Wg1, bg1, Wg2, bg2,
           gamma_gc, beta_gc, Wm0, bm0, gamma_m, beta_m, Wm1, bm1,
           Wf0, bf0, Wf1, bf1, Wf2, bf2):
    f32 = jnp.float32
    src = edge_index[0].astype(jnp.int32)
    dst = edge_index[1].astype(jnp.int32)
    src2d = jnp.zeros((E_PAD,), jnp.int32).at[:N_EDGES].set(src)
    src2d = src2d.reshape(NCHT, K)
    pad_dst = (jnp.arange(E_PAD - N_EDGES, dtype=jnp.int32) % 240) + N_NODES
    dst2d = jnp.concatenate([dst, pad_dst]).reshape(NCHT, K)

    x_pad = jnp.zeros((N_PAD, D_IN), f32).at[:N_NODES].set(x)
    batch_pad = jnp.zeros((1, N_PAD), jnp.int32).at[0, :N_NODES].set(
        batch.astype(jnp.int32))
    zeros64 = jnp.zeros((N_PAD, D0), f32)
    zeros16 = jnp.zeros((N_PAD, 16), f32)
    ones16 = jnp.ones((K, 16), f32)
    mol_pad = jnp.zeros((N_GRAPHS, 256), f32).at[:, :N_MOL].set(mol_feats)
    Wm0_pad = jnp.zeros((256, D0), f32).at[:N_MOL].set(Wm0)
    Wf2_pad = jnp.zeros((D3, 128), f32).at[:, :1].set(Wf2)
    bf2_pad = jnp.zeros((128,), f32).at[:1].set(bf2)

    deg_kernel, spread_kernel = _sc_kernels()
    deg = deg_kernel(dst2d, ones16, zeros16).reshape(2, N_PAD, 16)

    h2_0 = _tc_call(_m0_body, (N_PAD, D0), x_pad, Wg0, deg)
    s0 = spread_kernel(h2_0, src2d, dst2d, zeros64).reshape(2, N_PAD, D0)
    h2_1 = _tc_call(_m1_body, (N_PAD, D0), s0, h2_0, deg,
                    bg0, gamma_gc, beta_gc, Wg1)
    s1 = spread_kernel(h2_1, src2d, dst2d, zeros64).reshape(2, N_PAD, D0)
    h2_2 = _tc_call(_m2_body, (N_PAD, D1), s1, h2_1, deg, bg1, Wg2)
    s2 = spread_kernel(h2_2, src2d, dst2d, zeros64).reshape(2, N_PAD, D1)

    out = _tc_call(_head_body, (N_GRAPHS, 128), s2, h2_2, deg, bg2,
                   batch_pad, mol_pad, Wm0_pad, bm0, gamma_m, beta_m,
                   Wm1, bm1, Wf0[:D1], Wf0[D1:], bf0, Wf1, bf1,
                   Wf2_pad, bf2_pad)
    return out[:, :1]

# --- scband reference (transcript-rebuilt; emitter-appended) ---
"""Pipeline reference for scband-gcn-32169305047251 (READ-ONLY COPY).

The authoritative reference and input builder live on the scoring server;
editing this copy changes nothing except your own understanding.
"""

import jax, jax.numpy as jnp
import numpy as np

N_NODES = 10000
N_EDGES = 320000
N_GRAPHS = 256
D_IN = 128
D0 = 64
D1 = 64
D2 = 128
D3 = 64
D_OUT = 1
N_MOL = 200


def _w(key, fan_in, fan_out):
    return jax.random.normal(key, (fan_in, fan_out), jnp.float32) / np.sqrt(fan_in)


def setup_inputs(seed: int = 0) -> dict:
    key = jax.random.key(seed)
    ks = jax.random.split(key, 24)
    x = jax.random.normal(ks[0], (N_NODES, D_IN), jnp.float32)
    edge_index = jax.random.randint(ks[1], (2, N_EDGES), 0, N_NODES)
    batch = jnp.sort(jax.random.randint(ks[2], (N_NODES,), 0, N_GRAPHS))
    mol_feats = jax.random.normal(ks[3], (N_GRAPHS, N_MOL), jnp.float32)
    return {
        "x": x, "edge_index": edge_index, "batch": batch, "mol_feats": mol_feats,
        "Wg0": _w(ks[4], D_IN, D0), "bg0": jnp.zeros((D0,), jnp.float32),
        "Wg1": _w(ks[5], D0, D0), "bg1": jnp.zeros((D0,), jnp.float32),
        "Wg2": _w(ks[6], D0, D1), "bg2": jnp.zeros((D1,), jnp.float32),
        "gamma_gc": jnp.ones((D0,), jnp.float32), "beta_gc": jnp.zeros((D0,), jnp.float32),
        "Wm0": _w(ks[7], N_MOL, D0), "bm0": jnp.zeros((D0,), jnp.float32),
        "gamma_m": jnp.ones((D0,), jnp.float32), "beta_m": jnp.zeros((D0,), jnp.float32),
        "Wm1": _w(ks[8], D0, D1), "bm1": jnp.zeros((D1,), jnp.float32),
        "Wf0": _w(ks[9], D1 * 2, D2), "bf0": jnp.zeros((D2,), jnp.float32),
        "Wf1": _w(ks[10], D2, D3), "bf1": jnp.zeros((D3,), jnp.float32),
        "Wf2": _w(ks[11], D3, D_OUT), "bf2": jnp.zeros((D_OUT,), jnp.float32),
    }


def _bn(h, gamma, beta, eps=1e-5):
    mean = jnp.mean(h, axis=0)
    var = jnp.var(h, axis=0)
    return gamma * (h - mean) / jnp.sqrt(var + eps) + beta


def reference(x, edge_index, batch, mol_feats,
              Wg0, bg0, Wg1, bg1, Wg2, bg2, gamma_gc, beta_gc,
              Wm0, bm0, gamma_m, beta_m, Wm1, bm1,
              Wf0, bf0, Wf1, bf1, Wf2, bf2):
    loops = jnp.arange(N_NODES, dtype=edge_index.dtype)
    src = jnp.concatenate([edge_index[0], loops])
    dst = jnp.concatenate([edge_index[1], loops])
    deg = jax.ops.segment_sum(jnp.ones_like(src, jnp.float32), dst, num_segments=N_NODES)
    dinv = jnp.where(deg > 0, deg ** -0.5, 0.0)
    norm = dinv[src] * dinv[dst]

    def conv(h, W, b):
        h = h @ W
        msg = h[src] * norm[:, None]
        return jax.ops.segment_sum(msg, dst, num_segments=N_NODES) + b

    h = jax.nn.silu(_bn(conv(x, Wg0, bg0), gamma_gc, beta_gc))
    h = jax.nn.silu(conv(h, Wg1, bg1))
    h = jax.nn.silu(conv(h, Wg2, bg2))
    hg = jax.ops.segment_sum(h, batch, num_segments=N_GRAPHS)
    hm = jax.nn.silu(_bn(mol_feats @ Wm0 + bm0, gamma_m, beta_m))
    hm = jax.nn.silu(hm @ Wm1 + bm1)
    hg = jnp.concatenate([hg, hm], axis=1)
    hg = jax.nn.silu(hg @ Wf0 + bf0)
    hg = jax.nn.silu(hg @ Wf1 + bf1)
    out = hg @ Wf2 + bf2
    return out

if __name__ == "__main__":
    import jax
    _d = setup_inputs()
    print(jax.jit(kernel)(*tuple(_d.values())))

</pallas_src>

<mosaic_0001>
#map = affine_map<(d0, d1) -> (0, 0)>
module attributes {stable_mosaic.version = 14 : i64} {
  func.func @spread_kernel(%arg0: i32, %arg1: i32, %arg2: memref<10240x64xf32, #tpu.memory_space<hbm>>, %arg3: memref<2560x128xi32, #tpu.memory_space<hbm>>, %arg4: memref<2560x128xi32, #tpu.memory_space<hbm>>, %arg5: memref<10240x64xf32, #tpu.memory_space<hbm>>, %arg6: memref<20480x64xf32, #tpu.memory_space<hbm>>, %arg7: memref<106x128xi32, #tpu.memory_space<vmem>>, %arg8: memref<106x128xi32, #tpu.memory_space<vmem>>, %arg9: memref<128x64xf32, #tpu.memory_space<vmem>>, %arg10: memref<128x64xf32, #tpu.memory_space<vmem>>, %arg11: memref<10240x64xf32, #tpu.memory_space<vmem_shared>>, %arg12: memref<!tpu.dma_semaphore, #tpu.memory_space<semaphore_mem>>, %arg13: memref<!tpu.dma_semaphore, #tpu.memory_space<semaphore_mem>>) attributes {dimension_semantics = [#tpu.dimension_semantics<core_parallel>, #tpu.dimension_semantics<subcore_parallel>], iteration_bounds = array<i64: 2, 16>, scalar_prefetch = 0 : i64, scratch_operands = 7 : i64, tpu.core_type = #tpu.core_type<sc_vector_subcore>, window_params = [{transform_indices = #map}, {transform_indices = #map}, {transform_indices = #map}, {transform_indices = #map}, {transform_indices = #map}]} {
    %mul3A = arith.constant 52 : i32
    %mul3A_0 = arith.muli %arg0, %mul3A : i32
    %sub3A = arith.constant 106 : i32
    %sub3A_1 = arith.subi %sub3A, %mul3A_0 : i32
    %mul3A_2 = arith.constant 16 : i32
    %mul3A_3 = arith.muli %arg0, %mul3A_2 : i32
    %mul3A_4 = arith.constant 106 : i32
    %mul3A_5 = arith.muli %mul3A_3, %mul3A_4 : i32
    %mul3A_6 = arith.muli %arg1, %sub3A_1 : i32
    %add3A = arith.addi %mul3A_5, %mul3A_6 : i32
    %eq3A = arith.constant 0 : i32
    %eq3A_7 = arith.cmpi eq, %arg0, %eq3A : i32
    %convert_element_type3A = arith.extui %eq3A_7 : i1 to i32
    %cond3A = arith.constant 0 : i32
    %cond3A_8 = arith.cmpi ne, %convert_element_type3A, %cond3A : i32
    scf.if %cond3A_8 {
      "tpu.region"() ({
        %run_scoped3A = tpu.sem_alloc : memref<!tpu.dma_semaphore, #tpu.memory_space<semaphore_mem>>
        %dma_start3A = arith.constant 0 : i32
        %dma_start3A_63 = arith.constant 0 : i32
        %dma_start3A_64 = tpu.memref_slice %arg7[%dma_start3A, %dma_start3A_63] : memref<106x128xi32, #tpu.memory_space<vmem>> -> memref<106x128xi32, #tpu.memory_space<vmem>>
        %dma_start3A_65 = arith.constant 0 : i32
        %dma_start3A_66 = tpu.memref_slice %arg3[%add3A, %dma_start3A_65] : memref<2560x128xi32, #tpu.memory_space<hbm>> -> memref<106x128xi32, #tpu.memory_space<hbm>>
        %dma_start3A_67 = arith.constant 0 : i32
        %dma_start3A_68 = arith.constant 0 : i32
        %dma_start3A_69 = tpu.memref_slice %arg7[%dma_start3A_67, %dma_start3A_68] : memref<106x128xi32, #tpu.memory_space<vmem>> -> memref<106x128xi32, #tpu.memory_space<vmem>>
        %dma_start3A_70 = arith.constant 0 : i32
        %dma_start3A_71 = tpu.memref_slice %arg3[%add3A, %dma_start3A_70] : memref<2560x128xi32, #tpu.memory_space<hbm>> -> memref<106x128xi32, #tpu.memory_space<hbm>>
        tpu.enqueue_dma source(%dma_start3A_71 : memref<106x128xi32, #tpu.memory_space<hbm>>) target(%dma_start3A_69 : memref<106x128xi32, #tpu.memory_space<vmem>>) target_semaphore(%run_scoped3A : memref<!tpu.dma_semaphore, #tpu.memory_space<semaphore_mem>>)
        %dma_wait3A = arith.constant 0 : i32
        %dma_wait3A_72 = arith.constant 0 : i32
        %dma_wait3A_73 = tpu.memref_slice %arg7[%dma_wait3A, %dma_wait3A_72] : memref<106x128xi32, #tpu.memory_space<vmem>> -> memref<106x128xi32, #tpu.memory_space<vmem>>
        %dma_wait3A_74 = arith.constant 0 : i32
        %dma_wait3A_75 = tpu.memref_slice %arg3[%add3A, %dma_wait3A_74] : memref<2560x128xi32, #tpu.memory_space<hbm>> -> memref<106x128xi32, #tpu.memory_space<hbm>>
        %dma_wait3A_76 = arith.constant 0 : i32
        %dma_wait3A_77 = arith.constant 0 : i32
        %dma_wait3A_78 = tpu.memref_slice %arg7[%dma_wait3A_76, %dma_wait3A_77] : memref<106x128xi32, #tpu.memory_space<vmem>> -> memref<106x128xi32, #tpu.memory_space<vmem>>
        %dma_wait3A_79 = arith.constant 0 : i32
        %dma_wait3A_80 = tpu.memref_slice %arg3[%add3A, %dma_wait3A_79] : memref<2560x128xi32, #tpu.memory_space<hbm>> -> memref<106x128xi32, #tpu.memory_space<hbm>>
        tpu.wait_dma2 semaphore(%run_scoped3A : memref<!tpu.dma_semaphore, #tpu.memory_space<semaphore_mem>>) src(%dma_wait3A_80 : memref<106x128xi32, #tpu.memory_space<hbm>>) dst(%dma_wait3A_78 : memref<106x128xi32, #tpu.memory_space<vmem>>)
        tpu.yield
      }) : () -> ()
      "tpu.region"() ({
        %run_scoped3A = tpu.sem_alloc : memref<!tpu.dma_semaphore, #tpu.memory_space<semaphore_mem>>
        %dma_start3A = arith.constant 0 : i32
        %dma_start3A_63 = arith.constant 0 : i32
        %dma_start3A_64 = tpu.memref_slice %arg8[%dma_start3A, %dma_start3A_63] : memref<106x128xi32, #tpu.memory_space<vmem>> -> memref<106x128xi32, #tpu.memory_space<vmem>>
        %dma_start3A_65 = arith.constant 0 : i32
        %dma_start3A_66 = tpu.memref_slice %arg4[%add3A, %dma_start3A_65] : memref<2560x128xi32, #tpu.memory_space<hbm>> -> memref<106x128xi32, #tpu.memory_space<hbm>>
        %dma_start3A_67 = arith.constant 0 : i32
        %dma_start3A_68 = arith.constant 0 : i32
        %dma_start3A_69 = tpu.memref_slice %arg8[%dma_start3A_67, %dma_start3A_68] : memref<106x128xi32, #tpu.memory_space<vmem>> -> memref<106x128xi32, #tpu.memory_space<vmem>>
        %dma_start3A_70 = arith.constant 0 : i32
        %dma_start3A_71 = tpu.memref_slice %arg4[%add3A, %dma_start3A_70] : memref<2560x128xi32, #tpu.memory_space<hbm>> -> memref<106x128xi32, #tpu.memory_space<hbm>>
        tpu.enqueue_dma source(%dma_start3A_71 : memref<106x128xi32, #tpu.memory_space<hbm>>) target(%dma_start3A_69 : memref<106x128xi32, #tpu.memory_space<vmem>>) target_semaphore(%run_scoped3A : memref<!tpu.dma_semaphore, #tpu.memory_space<semaphore_mem>>)
        %dma_wait3A = arith.constant 0 : i32
        %dma_wait3A_72 = arith.constant 0 : i32
        %dma_wait3A_73 = tpu.memref_slice %arg8[%dma_wait3A, %dma_wait3A_72] : memref<106x128xi32, #tpu.memory_space<vmem>> -> memref<106x128xi32, #tpu.memory_space<vmem>>
        %dma_wait3A_74 = arith.constant 0 : i32
        %dma_wait3A_75 = tpu.memref_slice %arg4[%add3A, %dma_wait3A_74] : memref<2560x128xi32, #tpu.memory_space<hbm>> -> memref<106x128xi32, #tpu.memory_space<hbm>>
        %dma_wait3A_76 = arith.constant 0 : i32
        %dma_wait3A_77 = arith.constant 0 : i32
        %dma_wait3A_78 = tpu.memref_slice %arg8[%dma_wait3A_76, %dma_wait3A_77] : memref<106x128xi32, #tpu.memory_space<vmem>> -> memref<106x128xi32, #tpu.memory_space<vmem>>
        %dma_wait3A_79 = arith.constant 0 : i32
        %dma_wait3A_80 = tpu.memref_slice %arg4[%add3A, %dma_wait3A_79] : memref<2560x128xi32, #tpu.memory_space<hbm>> -> memref<106x128xi32, #tpu.memory_space<hbm>>
        tpu.wait_dma2 semaphore(%run_scoped3A : memref<!tpu.dma_semaphore, #tpu.memory_space<semaphore_mem>>) src(%dma_wait3A_80 : memref<106x128xi32, #tpu.memory_space<hbm>>) dst(%dma_wait3A_78 : memref<106x128xi32, #tpu.memory_space<vmem>>)
        tpu.yield
      }) : () -> ()
    } else {
    }
    %eq3A_9 = arith.constant 1 : i32
    %eq3A_10 = arith.cmpi eq, %arg0, %eq3A_9 : i32
    %convert_element_type3A_11 = arith.extui %eq3A_10 : i1 to i32
    %cond3A_12 = arith.constant 0 : i32
    %cond3A_13 = arith.cmpi ne, %convert_element_type3A_11, %cond3A_12 : i32
    scf.if %cond3A_13 {
      "tpu.region"() ({
        %run_scoped3A = tpu.sem_alloc : memref<!tpu.dma_semaphore, #tpu.memory_space<semaphore_mem>>
        %dma_start3A = arith.constant 0 : i32
        %dma_start3A_63 = arith.constant 0 : i32
        %dma_start3A_64 = tpu.memref_slice %arg7[%dma_start3A, %dma_start3A_63] : memref<106x128xi32, #tpu.memory_space<vmem>> -> memref<54x128xi32, #tpu.memory_space<vmem>>
        %dma_start3A_65 = arith.constant 0 : i32
        %dma_start3A_66 = tpu.memref_slice %arg3[%add3A, %dma_start3A_65] : memref<2560x128xi32, #tpu.memory_space<hbm>> -> memref<54x128xi32, #tpu.memory_space<hbm>>
        %dma_start3A_67 = arith.constant 0 : i32
        %dma_start3A_68 = arith.constant 0 : i32
        %dma_start3A_69 = tpu.memref_slice %arg7[%dma_start3A_67, %dma_start3A_68] : memref<106x128xi32, #tpu.memory_space<vmem>> -> memref<54x128xi32, #tpu.memory_space<vmem>>
        %dma_start3A_70 = arith.constant 0 : i32
        %dma_start3A_71 = tpu.memref_slice %arg3[%add3A, %dma_start3A_70] : memref<2560x128xi32, #tpu.memory_space<hbm>> -> memref<54x128xi32, #tpu.memory_space<hbm>>
        tpu.enqueue_dma source(%dma_start3A_71 : memref<54x128xi32, #tpu.memory_space<hbm>>) target(%dma_start3A_69 : memref<54x128xi32, #tpu.memory_space<vmem>>) target_semaphore(%run_scoped3A : memref<!tpu.dma_semaphore, #tpu.memory_space<semaphore_mem>>)
        %dma_wait3A = arith.constant 0 : i32
        %dma_wait3A_72 = arith.constant 0 : i32
        %dma_wait3A_73 = tpu.memref_slice %arg7[%dma_wait3A, %dma_wait3A_72] : memref<106x128xi32, #tpu.memory_space<vmem>> -> memref<54x128xi32, #tpu.memory_space<vmem>>
        %dma_wait3A_74 = arith.constant 0 : i32
        %dma_wait3A_75 = tpu.memref_slice %arg3[%add3A, %dma_wait3A_74] : memref<2560x128xi32, #tpu.memory_space<hbm>> -> memref<54x128xi32, #tpu.memory_space<hbm>>
        %dma_wait3A_76 = arith.constant 0 : i32
        %dma_wait3A_77 = arith.constant 0 : i32
        %dma_wait3A_78 = tpu.memref_slice %arg7[%dma_wait3A_76, %dma_wait3A_77] : memref<106x128xi32, #tpu.memory_space<vmem>> -> memref<54x128xi32, #tpu.memory_space<vmem>>
        %dma_wait3A_79 = arith.constant 0 : i32
        %dma_wait3A_80 = tpu.memref_slice %arg3[%add3A, %dma_wait3A_79] : memref<2560x128xi32, #tpu.memory_space<hbm>> -> memref<54x128xi32, #tpu.memory_space<hbm>>
        tpu.wait_dma2 semaphore(%run_scoped3A : memref<!tpu.dma_semaphore, #tpu.memory_space<semaphore_mem>>) src(%dma_wait3A_80 : memref<54x128xi32, #tpu.memory_space<hbm>>) dst(%dma_wait3A_78 : memref<54x128xi32, #tpu.memory_space<vmem>>)
        tpu.yield
      }) : () -> ()
      "tpu.region"() ({
        %run_scoped3A = tpu.sem_alloc : memref<!tpu.dma_semaphore, #tpu.memory_space<semaphore_mem>>
        %dma_start3A = arith.constant 0 : i32
        %dma_start3A_63 = arith.constant 0 : i32
        %dma_start3A_64 = tpu.memref_slice %arg8[%dma_start3A, %dma_start3A_63] : memref<106x128xi32, #tpu.memory_space<vmem>> -> memref<54x128xi32, #tpu.memory_space<vmem>>
        %dma_start3A_65 = arith.constant 0 : i32
        %dma_start3A_66 = tpu.memref_slice %arg4[%add3A, %dma_start3A_65] : memref<2560x128xi32, #tpu.memory_space<hbm>> -> memref<54x128xi32, #tpu.memory_space<hbm>>
        %dma_start3A_67 = arith.constant 0 : i32
        %dma_start3A_68 = arith.constant 0 : i32
        %dma_start3A_69 = tpu.memref_slice %arg8[%dma_start3A_67, %dma_start3A_68] : memref<106x128xi32, #tpu.memory_space<vmem>> -> memref<54x128xi32, #tpu.memory_space<vmem>>
        %dma_start3A_70 = arith.constant 0 : i32
        %dma_start3A_71 = tpu.memref_slice %arg4[%add3A, %dma_start3A_70] : memref<2560x128xi32, #tpu.memory_space<hbm>> -> memref<54x128xi32, #tpu.memory_space<hbm>>
        tpu.enqueue_dma source(%dma_start3A_71 : memref<54x128xi32, #tpu.memory_space<hbm>>) target(%dma_start3A_69 : memref<54x128xi32, #tpu.memory_space<vmem>>) target_semaphore(%run_scoped3A : memref<!tpu.dma_semaphore, #tpu.memory_space<semaphore_mem>>)
        %dma_wait3A = arith.constant 0 : i32
        %dma_wait3A_72 = arith.constant 0 : i32
        %dma_wait3A_73 = tpu.memref_slice %arg8[%dma_wait3A, %dma_wait3A_72] : memref<106x128xi32, #tpu.memory_space<vmem>> -> memref<54x128xi32, #tpu.memory_space<vmem>>
        %dma_wait3A_74 = arith.constant 0 : i32
        %dma_wait3A_75 = tpu.memref_slice %arg4[%add3A, %dma_wait3A_74] : memref<2560x128xi32, #tpu.memory_space<hbm>> -> memref<54x128xi32, #tpu.memory_space<hbm>>
        %dma_wait3A_76 = arith.constant 0 : i32
        %dma_wait3A_77 = arith.constant 0 : i32
        %dma_wait3A_78 = tpu.memref_slice %arg8[%dma_wait3A_76, %dma_wait3A_77] : memref<106x128xi32, #tpu.memory_space<vmem>> -> memref<54x128xi32, #tpu.memory_space<vmem>>
        %dma_wait3A_79 = arith.constant 0 : i32
        %dma_wait3A_80 = tpu.memref_slice %arg4[%add3A, %dma_wait3A_79] : memref<2560x128xi32, #tpu.memory_space<hbm>> -> memref<54x128xi32, #tpu.memory_space<hbm>>
        tpu.wait_dma2 semaphore(%run_scoped3A : memref<!tpu.dma_semaphore, #tpu.memory_space<semaphore_mem>>) src(%dma_wait3A_80 : memref<54x128xi32, #tpu.memory_space<hbm>>) dst(%dma_wait3A_78 : memref<54x128xi32, #tpu.memory_space<vmem>>)
        tpu.yield
      }) : () -> ()
    } else {
    }
    %mul3A_14 = arith.constant 640 : i32
    %mul3A_15 = arith.muli %arg1, %mul3A_14 : i32
    %mul3A_16 = arith.constant 640 : i32
    %mul3A_17 = arith.muli %arg1, %mul3A_16 : i32
    "tpu.region"() ({
      %run_scoped3A = tpu.sem_alloc : memref<!tpu.dma_semaphore, #tpu.memory_space<semaphore_mem>>
      %dma_start3A = arith.constant 0 : i32
      %dma_start3A_63 = tpu.memref_slice %arg11[%mul3A_17, %dma_start3A] : memref<10240x64xf32, #tpu.memory_space<vmem_shared>> -> memref<640x64xf32, #tpu.memory_space<vmem_shared>>
      %dma_start3A_64 = arith.constant 0 : i32
      %dma_start3A_65 = tpu.memref_slice %arg5[%mul3A_15, %dma_start3A_64] : memref<10240x64xf32, #tpu.memory_space<hbm>> -> memref<640x64xf32, #tpu.memory_space<hbm>>
      tpu.enqueue_dma source(%dma_start3A_65 : memref<640x64xf32, #tpu.memory_space<hbm>>) target(%dma_start3A_63 : memref<640x64xf32, #tpu.memory_space<vmem_shared>>) target_semaphore(%run_scoped3A : memref<!tpu.dma_semaphore, #tpu.memory_space<semaphore_mem>>)
      %dma_wait3A = arith.constant 0 : i32
      %dma_wait3A_66 = tpu.memref_slice %arg11[%mul3A_17, %dma_wait3A] : memref<10240x64xf32, #tpu.memory_space<vmem_shared>> -> memref<640x64xf32, #tpu.memory_space<vmem_shared>>
      %dma_wait3A_67 = arith.constant 0 : i32
      %dma_wait3A_68 = tpu.memref_slice %arg5[%mul3A_15, %dma_wait3A_67] : memref<10240x64xf32, #tpu.memory_space<hbm>> -> memref<640x64xf32, #tpu.memory_space<hbm>>
      tpu.wait_dma2 semaphore(%run_scoped3A : memref<!tpu.dma_semaphore, #tpu.memory_space<semaphore_mem>>) src(%dma_wait3A_68 : memref<640x64xf32, #tpu.memory_space<hbm>>) dst(%dma_wait3A_66 : memref<640x64xf32, #tpu.memory_space<vmem_shared>>)
      tpu.yield
    }) : () -> ()
    %barrier3A = arith.constant 0 : index
    tpu.barrier barrier_id(%barrier3A)
    %jit3A = arith.constant 2 : i32
    %div3A = arith.divsi %sub3A_1, %jit3A : i32
    %sign3A = arith.constant 0 : i32
    %sign3A_18 = arith.cmpi sgt, %sub3A_1, %sign3A : i32
    %sign3A_19 = arith.extui %sign3A_18 : i1 to i32
    %sign3A_20 = arith.constant 0 : i32
    %sign3A_21 = arith.cmpi slt, %sub3A_1, %sign3A_20 : i32
    %sign3A_22 = arith.extui %sign3A_21 : i1 to i32
    %sign3A_23 = arith.subi %sign3A_19, %sign3A_22 : i32
    %sign3A_24 = arith.constant 0 : i32
    %sign3A_25 = arith.cmpi sgt, %jit3A, %sign3A_24 : i32
    %sign3A_26 = arith.extui %sign3A_25 : i1 to i32
    %sign3A_27 = arith.constant 0 : i32
    %sign3A_28 = arith.cmpi slt, %jit3A, %sign3A_27 : i32
    %sign3A_29 = arith.extui %sign3A_28 : i1 to i32
    %sign3A_30 = arith.subi %sign3A_26, %sign3A_29 : i32
    %ne3A = arith.cmpi ne, %sign3A_23, %sign3A_30 : i32
    %rem3A = arith.remsi %sub3A_1, %jit3A : i32
    %ne3A_31 = arith.constant 0 : i32
    %ne3A_32 = arith.cmpi ne, %rem3A, %ne3A_31 : i32
    %and3A = arith.andi %ne3A, %ne3A_32 : i1
    %sub3A_33 = arith.constant 1 : i32
    %sub3A_34 = arith.subi %div3A, %sub3A_33 : i32
    %select_n3A = arith.select %and3A, %sub3A_34, %div3A : i32
    %sub3A_35 = arith.constant 0 : i32
    %sub3A_36 = arith.subi %select_n3A, %sub3A_35 : i32
    %sub3A_37 = arith.constant 1 : i32
    %sub3A_38 = arith.constant 1 : i32
    %sub3A_39 = arith.subi %sub3A_37, %sub3A_38 : i32
    %add3A_40 = arith.addi %sub3A_36, %sub3A_39 : i32
    %div3A_41 = arith.constant 1 : i32
    %div3A_42 = arith.divsi %add3A_40, %div3A_41 : i32
    %while3A = arith.constant 1 : i32
    %while3A_43 = arith.constant 0 : i32
    %while3A_44 = arith.constant 0 : i32
    %while3A_45 = arith.subi %div3A_42, %while3A_44 : i32
    %while3A_46 = arith.addi %while3A_44, %while3A_45 : i32
    %while3A_47 = arith.constant 1 : i32
    %while3A_48 = arith.divsi %while3A_45, %while3A_47 : i32
    %while3A_49 = arith.muli %while3A_48, %while3A_47 : i32
    %while3A_50 = arith.addi %while3A_44, %while3A_49 : i32
    %while3A_51 = arith.constant 1 : i32
    scf.for %while3A_63 = %while3A_44 to %while3A_50 step %while3A_51  : i32 {
      %mul3A_64 = arith.muli %while3A_63, %while3A : i32
      %add3A_65 = arith.addi %while3A_43, %mul3A_64 : i32
      %mul3A_66 = arith.constant 2 : i32
      %mul3A_67 = arith.muli %mul3A_66, %add3A_65 : i32
      %dma_start3A = arith.constant 0 : i32
      %dma_start3A_68 = tpu.memref_slice %arg7[%mul3A_67, %dma_start3A] : memref<106x128xi32, #tpu.memory_space<vmem>> -> memref<1x128xi32, #tpu.memory_space<vmem>>
      %dma_start3A_69 = tpu.memref_squeeze %dma_start3A_68 : memref<1x128xi32, #tpu.memory_space<vmem>> -> memref<128xi32, #tpu.memory_space<vmem>>
      %dma_start3A_70 = arith.constant 0 : i32
      %dma_start3A_71 = arith.constant 0 : i32
      %dma_start3A_72 = tpu.memref_slice %arg2[%dma_start3A_70, %dma_start3A_71] : memref<10240x64xf32, #tpu.memory_space<hbm>> -> memref<10240x64xf32, #tpu.memory_space<hbm>>
      tpu.enqueue_indirect_dma source(%dma_start3A_72 : memref<10240x64xf32, #tpu.memory_space<hbm>>) target(%arg9 : memref<128x64xf32, #tpu.memory_space<vmem>>) offsets(%dma_start3A_69 : memref<128xi32, #tpu.memory_space<vmem>>) semaphore(%arg12 : memref<!tpu.dma_semaphore, #tpu.memory_space<semaphore_mem>>)
      %gt3A = arith.constant 0 : i32
      %gt3A_73 = arith.cmpi sgt, %add3A_65, %gt3A : i32
      %convert_element_type3A_74 = arith.extui %gt3A_73 : i1 to i32
      %cond3A_75 = arith.constant 0 : i32
      %cond3A_76 = arith.cmpi ne, %convert_element_type3A_74, %cond3A_75 : i32
      scf.if %cond3A_76 {
        %sub3A_96 = arith.constant 1 : i32
        %sub3A_97 = arith.subi %mul3A_67, %sub3A_96 : i32
        "tpu.region"() ({
          %run_scoped3A = tpu.sem_alloc : memref<!tpu.dma_semaphore, #tpu.memory_space<semaphore_mem>>
          %dma_start3A_98 = arith.constant 0 : i32
          %dma_start3A_99 = tpu.memref_slice %arg8[%sub3A_97, %dma_start3A_98] : memref<106x128xi32, #tpu.memory_space<vmem>> -> memref<1x128xi32, #tpu.memory_space<vmem>>
          %dma_start3A_100 = tpu.memref_squeeze %dma_start3A_99 : memref<1x128xi32, #tpu.memory_space<vmem>> -> memref<128xi32, #tpu.memory_space<vmem>>
          %dma_start3A_101 = arith.constant 0 : i32
          %dma_start3A_102 = arith.constant 0 : i32
          %dma_start3A_103 = tpu.memref_slice %arg11[%dma_start3A_101, %dma_start3A_102] : memref<10240x64xf32, #tpu.memory_space<vmem_shared>> -> memref<10240x64xf32, #tpu.memory_space<vmem_shared>>
          tpu.enqueue_indirect_dma source(%arg10 : memref<128x64xf32, #tpu.memory_space<vmem>>) target(%dma_start3A_103 : memref<10240x64xf32, #tpu.memory_space<vmem_shared>>) offsets(%dma_start3A_100 : memref<128xi32, #tpu.memory_space<vmem>>) semaphore(%run_scoped3A : memref<!tpu.dma_semaphore, #tpu.memory_space<semaphore_mem>>) {add = true}
          %dma_wait3A_104 = arith.constant 0 : i32
          %dma_wait3A_105 = tpu.memref_slice %arg8[%sub3A_97, %dma_wait3A_104] : memref<106x128xi32, #tpu.memory_space<vmem>> -> memref<1x128xi32, #tpu.memory_space<vmem>>
          %dma_wait3A_106 = tpu.memref_squeeze %dma_wait3A_105 : memref<1x128xi32, #tpu.memory_space<vmem>> -> memref<128xi32, #tpu.memory_space<vmem>>
          %dma_wait3A_107 = arith.constant 0 : i32
          %dma_wait3A_108 = arith.constant 0 : i32
          %dma_wait3A_109 = tpu.memref_slice %arg11[%dma_wait3A_107, %dma_wait3A_108] : memref<10240x64xf32, #tpu.memory_space<vmem_shared>> -> memref<10240x64xf32, #tpu.memory_space<vmem_shared>>
          tpu.wait_indirect_dma semaphore(%run_scoped3A : memref<!tpu.dma_semaphore, #tpu.memory_space<semaphore_mem>>) src(%arg10 : memref<128x64xf32, #tpu.memory_space<vmem>>) dst(%dma_wait3A_109 : memref<10240x64xf32, #tpu.memory_space<vmem_shared>>)
          tpu.yield
        }) : () -> ()
      } else {
      }
      %dma_wait3A = arith.constant 0 : i32
      %dma_wait3A_77 = tpu.memref_slice %arg7[%mul3A_67, %dma_wait3A] : memref<106x128xi32, #tpu.memory_space<vmem>> -> memref<1x128xi32, #tpu.memory_space<vmem>>
      %dma_wait3A_78 = tpu.memref_squeeze %dma_wait3A_77 : memref<1x128xi32, #tpu.memory_space<vmem>> -> memref<128xi32, #tpu.memory_space<vmem>>
      %dma_wait3A_79 = arith.constant 0 : i32
      %dma_wait3A_80 = arith.constant 0 : i32
      %dma_wait3A_81 = tpu.memref_slice %arg2[%dma_wait3A_79, %dma_wait3A_80] : memref<10240x64xf32, #tpu.memory_space<hbm>> -> memref<10240x64xf32, #tpu.memory_space<hbm>>
      tpu.wait_indirect_dma semaphore(%arg12 : memref<!tpu.dma_semaphore, #tpu.memory_space<semaphore_mem>>) src(%dma_wait3A_81 : memref<10240x64xf32, #tpu.memory_space<hbm>>) dst(%arg9 : memref<128x64xf32, #tpu.memory_space<vmem>>)
      %add3A_82 = arith.constant 1 : i32
      %add3A_83 = arith.addi %mul3A_67, %add3A_82 : i32
      %dma_start3A_84 = arith.constant 0 : i32
      %dma_start3A_85 = tpu.memref_slice %arg7[%add3A_83, %dma_start3A_84] : memref<106x128xi32, #tpu.memory_space<vmem>> -> memref<1x128xi32, #tpu.memory_space<vmem>>
      %dma_start3A_86 = tpu.memref_squeeze %dma_start3A_85 : memref<1x128xi32, #tpu.memory_space<vmem>> -> memref<128xi32, #tpu.memory_space<vmem>>
      %dma_start3A_87 = arith.constant 0 : i32
      %dma_start3A_88 = arith.constant 0 : i32
      %dma_start3A_89 = tpu.memref_slice %arg2[%dma_start3A_87, %dma_start3A_88] : memref<10240x64xf32, #tpu.memory_space<hbm>> -> memref<10240x64xf32, #tpu.memory_space<hbm>>
      tpu.enqueue_indirect_dma source(%dma_start3A_89 : memref<10240x64xf32, #tpu.memory_space<hbm>>) target(%arg10 : memref<128x64xf32, #tpu.memory_space<vmem>>) offsets(%dma_start3A_86 : memref<128xi32, #tpu.memory_space<vmem>>) semaphore(%arg13 : memref<!tpu.dma_semaphore, #tpu.memory_space<semaphore_mem>>)
      "tpu.region"() ({
        %run_scoped3A = tpu.sem_alloc : memref<!tpu.dma_semaphore, #tpu.memory_space<semaphore_mem>>
        %dma_start3A_96 = arith.constant 0 : i32
        %dma_start3A_97 = tpu.memref_slice %arg8[%mul3A_67, %dma_start3A_96] : memref<106x128xi32, #tpu.memory_space<vmem>> -> memref<1x128xi32, #tpu.memory_space<vmem>>
        %dma_start3A_98 = tpu.memref_squeeze %dma_start3A_97 : memref<1x128xi32, #tpu.memory_space<vmem>> -> memref<128xi32, #tpu.memory_space<vmem>>
        %dma_start3A_99 = arith.constant 0 : i32
        %dma_start3A_100 = arith.constant 0 : i32
        %dma_start3A_101 = tpu.memref_slice %arg11[%dma_start3A_99, %dma_start3A_100] : memref<10240x64xf32, #tpu.memory_space<vmem_shared>> -> memref<10240x64xf32, #tpu.memory_space<vmem_shared>>
        tpu.enqueue_indirect_dma source(%arg9 : memref<128x64xf32, #tpu.memory_space<vmem>>) target(%dma_start3A_101 : memref<10240x64xf32, #tpu.memory_space<vmem_shared>>) offsets(%dma_start3A_98 : memref<128xi32, #tpu.memory_space<vmem>>) semaphore(%run_scoped3A : memref<!tpu.dma_semaphore, #tpu.memory_space<semaphore_mem>>) {add = true}
        %dma_wait3A_102 = arith.constant 0 : i32
        %dma_wait3A_103 = tpu.memref_slice %arg8[%mul3A_67, %dma_wait3A_102] : memref<106x128xi32, #tpu.memory_space<vmem>> -> memref<1x128xi32, #tpu.memory_space<vmem>>
        %dma_wait3A_104 = tpu.memref_squeeze %dma_wait3A_103 : memref<1x128xi32, #tpu.memory_space<vmem>> -> memref<128xi32, #tpu.memory_space<vmem>>
        %dma_wait3A_105 = arith.constant 0 : i32
        %dma_wait3A_106 = arith.constant 0 : i32
        %dma_wait3A_107 = tpu.memref_slice %arg11[%dma_wait3A_105, %dma_wait3A_106] : memref<10240x64xf32, #tpu.memory_space<vmem_shared>> -> memref<10240x64xf32, #tpu.memory_space<vmem_shared>>
        tpu.wait_indirect_dma semaphore(%run_scoped3A : memref<!tpu.dma_semaphore, #tpu.memory_space<semaphore_mem>>) src(%arg9 : memref<128x64xf32, #tpu.memory_space<vmem>>) dst(%dma_wait3A_107 : memref<10240x64xf32, #tpu.memory_space<vmem_shared>>)
        tpu.yield
      }) : () -> ()
      %dma_wait3A_90 = arith.constant 0 : i32
      %dma_wait3A_91 = tpu.memref_slice %arg7[%add3A_83, %dma_wait3A_90] : memref<106x128xi32, #tpu.memory_space<vmem>> -> memref<1x128xi32, #tpu.memory_space<vmem>>
      %dma_wait3A_92 = tpu.memref_squeeze %dma_wait3A_91 : memref<1x128xi32, #tpu.memory_space<vmem>> -> memref<128xi32, #tpu.memory_space<vmem>>
      %dma_wait3A_93 = arith.constant 0 : i32
      %dma_wait3A_94 = arith.constant 0 : i32
      %dma_wait3A_95 = tpu.memref_slice %arg2[%dma_wait3A_93, %dma_wait3A_94] : memref<10240x64xf32, #tpu.memory_space<hbm>> -> memref<10240x64xf32, #tpu.memory_space<hbm>>
      tpu.wait_indirect_dma semaphore(%arg13 : memref<!tpu.dma_semaphore, #tpu.memory_space<semaphore_mem>>) src(%dma_wait3A_95 : memref<10240x64xf32, #tpu.memory_space<hbm>>) dst(%arg10 : memref<128x64xf32, #tpu.memory_space<vmem>>)
    }
    %while3A_52 = arith.constant 1 : i32
    scf.for %while3A_63 = %while3A_50 to %while3A_46 step %while3A_52  : i32 {
      %mul3A_64 = arith.muli %while3A_63, %while3A : i32
      %add3A_65 = arith.addi %while3A_43, %mul3A_64 : i32
      %mul3A_66 = arith.constant 2 : i32
      %mul3A_67 = arith.muli %mul3A_66, %add3A_65 : i32
      %dma_start3A = arith.constant 0 : i32
      %dma_start3A_68 = tpu.memref_slice %arg7[%mul3A_67, %dma_start3A] : memref<106x128xi32, #tpu.memory_space<vmem>> -> memref<1x128xi32, #tpu.memory_space<vmem>>
      %dma_start3A_69 = tpu.memref_squeeze %dma_start3A_68 : memref<1x128xi32, #tpu.memory_space<vmem>> -> memref<128xi32, #tpu.memory_space<vmem>>
      %dma_start3A_70 = arith.constant 0 : i32
      %dma_start3A_71 = arith.constant 0 : i32
      %dma_start3A_72 = tpu.memref_slice %arg2[%dma_start3A_70, %dma_start3A_71] : memref<10240x64xf32, #tpu.memory_space<hbm>> -> memref<10240x64xf32, #tpu.memory_space<hbm>>
      tpu.enqueue_indirect_dma source(%dma_start3A_72 : memref<10240x64xf32, #tpu.memory_space<hbm>>) target(%arg9 : memref<128x64xf32, #tpu.memory_space<vmem>>) offsets(%dma_start3A_69 : memref<128xi32, #tpu.memory_space<vmem>>) semaphore(%arg12 : memref<!tpu.dma_semaphore, #tpu.memory_space<semaphore_mem>>)
      %gt3A = arith.constant 0 : i32
      %gt3A_73 = arith.cmpi sgt, %add3A_65, %gt3A : i32
      %convert_element_type3A_74 = arith.extui %gt3A_73 : i1 to i32
      %cond3A_75 = arith.constant 0 : i32
      %cond3A_76 = arith.cmpi ne, %convert_element_type3A_74, %cond3A_75 : i32
      scf.if %cond3A_76 {
        %sub3A_96 = arith.constant 1 : i32
        %sub3A_97 = arith.subi %mul3A_67, %sub3A_96 : i32
        "tpu.region"() ({
          %run_scoped3A = tpu.sem_alloc : memref<!tpu.dma_semaphore, #tpu.memory_space<semaphore_mem>>
          %dma_start3A_98 = arith.constant 0 : i32
          %dma_start3A_99 = tpu.memref_slice %arg8[%sub3A_97, %dma_start3A_98] : memref<106x128xi32, #tpu.memory_space<vmem>> -> memref<1x128xi32, #tpu.memory_space<vmem>>
          %dma_start3A_100 = tpu.memref_squeeze %dma_start3A_99 : memref<1x128xi32, #tpu.memory_space<vmem>> -> memref<128xi32, #tpu.memory_space<vmem>>
          %dma_start3A_101 = arith.constant 0 : i32
          %dma_start3A_102 = arith.constant 0 : i32
          %dma_start3A_103 = tpu.memref_slice %arg11[%dma_start3A_101, %dma_start3A_102] : memref<10240x64xf32, #tpu.memory_space<vmem_shared>> -> memref<10240x64xf32, #tpu.memory_space<vmem_shared>>
          tpu.enqueue_indirect_dma source(%arg10 : memref<128x64xf32, #tpu.memory_space<vmem>>) target(%dma_start3A_103 : memref<10240x64xf32, #tpu.memory_space<vmem_shared>>) offsets(%dma_start3A_100 : memref<128xi32, #tpu.memory_space<vmem>>) semaphore(%run_scoped3A : memref<!tpu.dma_semaphore, #tpu.memory_space<semaphore_mem>>) {add = true}
          %dma_wait3A_104 = arith.constant 0 : i32
          %dma_wait3A_105 = tpu.memref_slice %arg8[%sub3A_97, %dma_wait3A_104] : memref<106x128xi32, #tpu.memory_space<vmem>> -> memref<1x128xi32, #tpu.memory_space<vmem>>
          %dma_wait3A_106 = tpu.memref_squeeze %dma_wait3A_105 : memref<1x128xi32, #tpu.memory_space<vmem>> -> memref<128xi32, #tpu.memory_space<vmem>>
          %dma_wait3A_107 = arith.constant 0 : i32
          %dma_wait3A_108 = arith.constant 0 : i32
          %dma_wait3A_109 = tpu.memref_slice %arg11[%dma_wait3A_107, %dma_wait3A_108] : memref<10240x64xf32, #tpu.memory_space<vmem_shared>> -> memref<10240x64xf32, #tpu.memory_space<vmem_shared>>
          tpu.wait_indirect_dma semaphore(%run_scoped3A : memref<!tpu.dma_semaphore, #tpu.memory_space<semaphore_mem>>) src(%arg10 : memref<128x64xf32, #tpu.memory_space<vmem>>) dst(%dma_wait3A_109 : memref<10240x64xf32, #tpu.memory_space<vmem_shared>>)
          tpu.yield
        }) : () -> ()
      } else {
      }
      %dma_wait3A = arith.constant 0 : i32
      %dma_wait3A_77 = tpu.memref_slice %arg7[%mul3A_67, %dma_wait3A] : memref<106x128xi32, #tpu.memory_space<vmem>> -> memref<1x128xi32, #tpu.memory_space<vmem>>
      %dma_wait3A_78 = tpu.memref_squeeze %dma_wait3A_77 : memref<1x128xi32, #tpu.memory_space<vmem>> -> memref<128xi32, #tpu.memory_space<vmem>>
      %dma_wait3A_79 = arith.constant 0 : i32
      %dma_wait3A_80 = arith.constant 0 : i32
      %dma_wait3A_81 = tpu.memref_slice %arg2[%dma_wait3A_79, %dma_wait3A_80] : memref<10240x64xf32, #tpu.memory_space<hbm>> -> memref<10240x64xf32, #tpu.memory_space<hbm>>
      tpu.wait_indirect_dma semaphore(%arg12 : memref<!tpu.dma_semaphore, #tpu.memory_space<semaphore_mem>>) src(%dma_wait3A_81 : memref<10240x64xf32, #tpu.memory_space<hbm>>) dst(%arg9 : memref<128x64xf32, #tpu.memory_space<vmem>>)
      %add3A_82 = arith.constant 1 : i32
      %add3A_83 = arith.addi %mul3A_67, %add3A_82 : i32
      %dma_start3A_84 = arith.constant 0 : i32
      %dma_start3A_85 = tpu.memref_slice %arg7[%add3A_83, %dma_start3A_84] : memref<106x128xi32, #tpu.memory_space<vmem>> -> memref<1x128xi32, #tpu.memory_space<vmem>>
      %dma_start3A_86 = tpu.memref_squeeze %dma_start3A_85 : memref<1x128xi32, #tpu.memory_space<vmem>> -> memref<128xi32, #tpu.memory_space<vmem>>
      %dma_start3A_87 = arith.constant 0 : i32
      %dma_start3A_88 = arith.constant 0 : i32
      %dma_start3A_89 = tpu.memref_slice %arg2[%dma_start3A_87, %dma_start3A_88] : memref<10240x64xf32, #tpu.memory_space<hbm>> -> memref<10240x64xf32, #tpu.memory_space<hbm>>
      tpu.enqueue_indirect_dma source(%dma_start3A_89 : memref<10240x64xf32, #tpu.memory_space<hbm>>) target(%arg10 : memref<128x64xf32, #tpu.memory_space<vmem>>) offsets(%dma_start3A_86 : memref<128xi32, #tpu.memory_space<vmem>>) semaphore(%arg13 : memref<!tpu.dma_semaphore, #tpu.memory_space<semaphore_mem>>)
      "tpu.region"() ({
        %run_scoped3A = tpu.sem_alloc : memref<!tpu.dma_semaphore, #tpu.memory_space<semaphore_mem>>
        %dma_start3A_96 = arith.constant 0 : i32
        %dma_start3A_97 = tpu.memref_slice %arg8[%mul3A_67, %dma_start3A_96] : memref<106x128xi32, #tpu.memory_space<vmem>> -> memref<1x128xi32, #tpu.memory_space<vmem>>
        %dma_start3A_98 = tpu.memref_squeeze %dma_start3A_97 : memref<1x128xi32, #tpu.memory_space<vmem>> -> memref<128xi32, #tpu.memory_space<vmem>>
        %dma_start3A_99 = arith.constant 0 : i32
        %dma_start3A_100 = arith.constant 0 : i32
        %dma_start3A_101 = tpu.memref_slice %arg11[%dma_start3A_99, %dma_start3A_100] : memref<10240x64xf32, #tpu.memory_space<vmem_shared>> -> memref<10240x64xf32, #tpu.memory_space<vmem_shared>>
        tpu.enqueue_indirect_dma source(%arg9 : memref<128x64xf32, #tpu.memory_space<vmem>>) target(%dma_start3A_101 : memref<10240x64xf32, #tpu.memory_space<vmem_shared>>) offsets(%dma_start3A_98 : memref<128xi32, #tpu.memory_space<vmem>>) semaphore(%run_scoped3A : memref<!tpu.dma_semaphore, #tpu.memory_space<semaphore_mem>>) {add = true}
        %dma_wait3A_102 = arith.constant 0 : i32
        %dma_wait3A_103 = tpu.memref_slice %arg8[%mul3A_67, %dma_wait3A_102] : memref<106x128xi32, #tpu.memory_space<vmem>> -> memref<1x128xi32, #tpu.memory_space<vmem>>
        %dma_wait3A_104 = tpu.memref_squeeze %dma_wait3A_103 : memref<1x128xi32, #tpu.memory_space<vmem>> -> memref<128xi32, #tpu.memory_space<vmem>>
        %dma_wait3A_105 = arith.constant 0 : i32
        %dma_wait3A_106 = arith.constant 0 : i32
        %dma_wait3A_107 = tpu.memref_slice %arg11[%dma_wait3A_105, %dma_wait3A_106] : memref<10240x64xf32, #tpu.memory_space<vmem_shared>> -> memref<10240x64xf32, #tpu.memory_space<vmem_shared>>
        tpu.wait_indirect_dma semaphore(%run_scoped3A : memref<!tpu.dma_semaphore, #tpu.memory_space<semaphore_mem>>) src(%arg9 : memref<128x64xf32, #tpu.memory_space<vmem>>) dst(%dma_wait3A_107 : memref<10240x64xf32, #tpu.memory_space<vmem_shared>>)
        tpu.yield
      }) : () -> ()
      %dma_wait3A_90 = arith.constant 0 : i32
      %dma_wait3A_91 = tpu.memref_slice %arg7[%add3A_83, %dma_wait3A_90] : memref<106x128xi32, #tpu.memory_space<vmem>> -> memref<1x128xi32, #tpu.memory_space<vmem>>
      %dma_wait3A_92 = tpu.memref_squeeze %dma_wait3A_91 : memref<1x128xi32, #tpu.memory_space<vmem>> -> memref<128xi32, #tpu.memory_space<vmem>>
      %dma_wait3A_93 = arith.constant 0 : i32
      %dma_wait3A_94 = arith.constant 0 : i32
      %dma_wait3A_95 = tpu.memref_slice %arg2[%dma_wait3A_93, %dma_wait3A_94] : memref<10240x64xf32, #tpu.memory_space<hbm>> -> memref<10240x64xf32, #tpu.memory_space<hbm>>
      tpu.wait_indirect_dma semaphore(%arg13 : memref<!tpu.dma_semaphore, #tpu.memory_space<semaphore_mem>>) src(%dma_wait3A_95 : memref<10240x64xf32, #tpu.memory_space<hbm>>) dst(%arg10 : memref<128x64xf32, #tpu.memory_space<vmem>>)
    }
    %sub3A_53 = arith.constant 1 : i32
    %sub3A_54 = arith.subi %sub3A_1, %sub3A_53 : i32
    "tpu.region"() ({
      %run_scoped3A = tpu.sem_alloc : memref<!tpu.dma_semaphore, #tpu.memory_space<semaphore_mem>>
      %dma_start3A = arith.constant 0 : i32
      %dma_start3A_63 = tpu.memref_slice %arg8[%sub3A_54, %dma_start3A] : memref<106x128xi32, #tpu.memory_space<vmem>> -> memref<1x128xi32, #tpu.memory_space<vmem>>
      %dma_start3A_64 = tpu.memref_squeeze %dma_start3A_63 : memref<1x128xi32, #tpu.memory_space<vmem>> -> memref<128xi32, #tpu.memory_space<vmem>>
      %dma_start3A_65 = arith.constant 0 : i32
      %dma_start3A_66 = arith.constant 0 : i32
      %dma_start3A_67 = tpu.memref_slice %arg11[%dma_start3A_65, %dma_start3A_66] : memref<10240x64xf32, #tpu.memory_space<vmem_shared>> -> memref<10240x64xf32, #tpu.memory_space<vmem_shared>>
      tpu.enqueue_indirect_dma source(%arg10 : memref<128x64xf32, #tpu.memory_space<vmem>>) target(%dma_start3A_67 : memref<10240x64xf32, #tpu.memory_space<vmem_shared>>) offsets(%dma_start3A_64 : memref<128xi32, #tpu.memory_space<vmem>>) semaphore(%run_scoped3A : memref<!tpu.dma_semaphore, #tpu.memory_space<semaphore_mem>>) {add = true}
      %dma_wait3A = arith.constant 0 : i32
      %dma_wait3A_68 = tpu.memref_slice %arg8[%sub3A_54, %dma_wait3A] : memref<106x128xi32, #tpu.memory_space<vmem>> -> memref<1x128xi32, #tpu.memory_space<vmem>>
      %dma_wait3A_69 = tpu.memref_squeeze %dma_wait3A_68 : memref<1x128xi32, #tpu.memory_space<vmem>> -> memref<128xi32, #tpu.memory_space<vmem>>
      %dma_wait3A_70 = arith.constant 0 : i32
      %dma_wait3A_71 = arith.constant 0 : i32
      %dma_wait3A_72 = tpu.memref_slice %arg11[%dma_wait3A_70, %dma_wait3A_71] : memref<10240x64xf32, #tpu.memory_space<vmem_shared>> -> memref<10240x64xf32, #tpu.memory_space<vmem_shared>>
      tpu.wait_indirect_dma semaphore(%run_scoped3A : memref<!tpu.dma_semaphore, #tpu.memory_space<semaphore_mem>>) src(%arg10 : memref<128x64xf32, #tpu.memory_space<vmem>>) dst(%dma_wait3A_72 : memref<10240x64xf32, #tpu.memory_space<vmem_shared>>)
      tpu.yield
    }) : () -> ()
    %barrier3A_55 = arith.constant 0 : index
    tpu.barrier barrier_id(%barrier3A_55)
    %mul3A_56 = arith.constant 640 : i32
    %mul3A_57 = arith.muli %arg1, %mul3A_56 : i32
    %mul3A_58 = arith.constant 10240 : i32
    %mul3A_59 = arith.muli %arg0, %mul3A_58 : i32
    %mul3A_60 = arith.constant 640 : i32
    %mul3A_61 = arith.muli %arg1, %mul3A_60 : i32
    %add3A_62 = arith.addi %mul3A_59, %mul3A_61 : i32
    "tpu.region"() ({
      %run_scoped3A = tpu.sem_alloc : memref<!tpu.dma_semaphore, #tpu.memory_space<semaphore_mem>>
      %dma_start3A = arith.constant 0 : i32
      %dma_start3A_63 = tpu.memref_slice %arg6[%add3A_62, %dma_start3A] : memref<20480x64xf32, #tpu.memory_space<hbm>> -> memref<640x64xf32, #tpu.memory_space<hbm>>
      %dma_start3A_64 = arith.constant 0 : i32
      %dma_start3A_65 = tpu.memref_slice %arg11[%mul3A_57, %dma_start3A_64] : memref<10240x64xf32, #tpu.memory_space<vmem_shared>> -> memref<640x64xf32, #tpu.memory_space<vmem_shared>>
      tpu.enqueue_dma source(%dma_start3A_65 : memref<640x64xf32, #tpu.memory_space<vmem_shared>>) target(%dma_start3A_63 : memref<640x64xf32, #tpu.memory_space<hbm>>) target_semaphore(%run_scoped3A : memref<!tpu.dma_semaphore, #tpu.memory_space<semaphore_mem>>)
      %dma_wait3A = arith.constant 0 : i32
      %dma_wait3A_66 = tpu.memref_slice %arg6[%add3A_62, %dma_wait3A] : memref<20480x64xf32, #tpu.memory_space<hbm>> -> memref<640x64xf32, #tpu.memory_space<hbm>>
      %dma_wait3A_67 = arith.constant 0 : i32
      %dma_wait3A_68 = tpu.memref_slice %arg11[%mul3A_57, %dma_wait3A_67] : memref<10240x64xf32, #tpu.memory_space<vmem_shared>> -> memref<640x64xf32, #tpu.memory_space<vmem_shared>>
      tpu.wait_dma2 semaphore(%run_scoped3A : memref<!tpu.dma_semaphore, #tpu.memory_space<semaphore_mem>>) src(%dma_wait3A_68 : memref<640x64xf32, #tpu.memory_space<vmem_shared>>) dst(%dma_wait3A_66 : memref<640x64xf32, #tpu.memory_space<hbm>>)
      tpu.yield
    }) : () -> ()
    return
  }
}

#map = affine_map<(d0, d1) -> (0, 0)>
module attributes {stable_mosaic.version = 14 : i64} {
  func.func @spread_kernel(%arg0: i32, %arg1: i32, %arg2: memref<10240x64xf32, #tpu.memory_space<hbm>>, %arg3: memref<2560x128xi32, #tpu.memory_space<hbm>>, %arg4: memref<2560x128xi32, #tpu.memory_space<hbm>>, %arg5: memref<10240x64xf32, #tpu.memory_space<hbm>>, %arg6: memref<20480x64xf32, #tpu.memory_space<hbm>>, %arg7: memref<106x128xi32, #tpu.memory_space<vmem>>, %arg8: memref<106x128xi32, #tpu.memory_space<vmem>>, %arg9: memref<128x64xf32, #tpu.memory_space<vmem>>, %arg10: memref<128x64xf32, #tpu.memory_space<vmem>>, %arg11: memref<10240x64xf32, #tpu.memory_space<vmem_shared>>, %arg12: memref<!tpu.dma_semaphore, #tpu.memory_space<semaphore_mem>>, %arg13: memref<!tpu.dma_semaphore, #tpu.memory_space<semaphore_mem>>) attributes {dimension_semantics = [#tpu.dimension_semantics<core_parallel>, #tpu.dimension_semantics<subcore_parallel>], iteration_bounds = array<i64: 2, 16>, scalar_prefetch = 0 : i64, scratch_operands = 7 : i64, tpu.core_type = #tpu.core_type<sc_vector_subcore>, window_params = [{transform_indices = #map}, {transform_indices = #map}, {transform_indices = #map}, {transform_indices = #map}, {transform_indices = #map}]} {
    %mul3A = arith.constant 52 : i32
    %mul3A_0 = arith.muli %arg0, %mul3A : i32
    %sub3A = arith.constant 106 : i32
    %sub3A_1 = arith.subi %sub3A, %mul3A_0 : i32
    %mul3A_2 = arith.constant 16 : i32
    %mul3A_3 = arith.muli %arg0, %mul3A_2 : i32
    %mul3A_4 = arith.constant 106 : i32
    %mul3A_5 = arith.muli %mul3A_3, %mul3A_4 : i32
    %mul3A_6 = arith.muli %arg1, %sub3A_1 : i32
    %add3A = arith.addi %mul3A_5, %mul3A_6 : i32
    %eq3A = arith.constant 0 : i32
    %eq3A_7 = arith.cmpi eq, %arg0, %eq3A : i32
    %convert_element_type3A = arith.extui %eq3A_7 : i1 to i32
    %cond3A = arith.constant 0 : i32
    %cond3A_8 = arith.cmpi ne, %convert_element_type3A, %cond3A : i32
    scf.if %cond3A_8 {
      "tpu.region"() ({
        %run_scoped3A = tpu.sem_alloc : memref<!tpu.dma_semaphore, #tpu.memory_space<semaphore_mem>>
        %dma_start3A = arith.constant 0 : i32
        %dma_start3A_63 = arith.constant 0 : i32
        %dma_start3A_64 = tpu.memref_slice %arg7[%dma_start3A, %dma_start3A_63] : memref<106x128xi32, #tpu.memory_space<vmem>> -> memref<106x128xi32, #tpu.memory_space<vmem>>
        %dma_start3A_65 = arith.constant 0 : i32
        %dma_start3A_66 = tpu.memref_slice %arg3[%add3A, %dma_start3A_65] : memref<2560x128xi32, #tpu.memory_space<hbm>> -> memref<106x128xi32, #tpu.memory_space<hbm>>
        %dma_start3A_67 = arith.constant 0 : i32
        %dma_start3A_68 = arith.constant 0 : i32
        %dma_start3A_69 = tpu.memref_slice %arg7[%dma_start3A_67, %dma_start3A_68] : memref<106x128xi32, #tpu.memory_space<vmem>> -> memref<106x128xi32, #tpu.memory_space<vmem>>
        %dma_start3A_70 = arith.constant 0 : i32
        %dma_start3A_71 = tpu.memref_slice %arg3[%add3A, %dma_start3A_70] : memref<2560x128xi32, #tpu.memory_space<hbm>> -> memref<106x128xi32, #tpu.memory_space<hbm>>
        tpu.enqueue_dma source(%dma_start3A_71 : memref<106x128xi32, #tpu.memory_space<hbm>>) target(%dma_start3A_69 : memref<106x128xi32, #tpu.memory_space<vmem>>) target_semaphore(%run_scoped3A : memref<!tpu.dma_semaphore, #tpu.memory_space<semaphore_mem>>)
        %dma_wait3A = arith.constant 0 : i32
        %dma_wait3A_72 = arith.constant 0 : i32
        %dma_wait3A_73 = tpu.memref_slice %arg7[%dma_wait3A, %dma_wait3A_72] : memref<106x128xi32, #tpu.memory_space<vmem>> -> memref<106x128xi32, #tpu.memory_space<vmem>>
        %dma_wait3A_74 = arith.constant 0 : i32
        %dma_wait3A_75 = tpu.memref_slice %arg3[%add3A, %dma_wait3A_74] : memref<2560x128xi32, #tpu.memory_space<hbm>> -> memref<106x128xi32, #tpu.memory_space<hbm>>
        %dma_wait3A_76 = arith.constant 0 : i32
        %dma_wait3A_77 = arith.constant 0 : i32
        %dma_wait3A_78 = tpu.memref_slice %arg7[%dma_wait3A_76, %dma_wait3A_77] : memref<106x128xi32, #tpu.memory_space<vmem>> -> memref<106x128xi32, #tpu.memory_space<vmem>>
        %dma_wait3A_79 = arith.constant 0 : i32
        %dma_wait3A_80 = tpu.memref_slice %arg3[%add3A, %dma_wait3A_79] : memref<2560x128xi32, #tpu.memory_space<hbm>> -> memref<106x128xi32, #tpu.memory_space<hbm>>
        tpu.wait_dma2 semaphore(%run_scoped3A : memref<!tpu.dma_semaphore, #tpu.memory_space<semaphore_mem>>) src(%dma_wait3A_80 : memref<106x128xi32, #tpu.memory_space<hbm>>) dst(%dma_wait3A_78 : memref<106x128xi32, #tpu.memory_space<vmem>>)
        tpu.yield
      }) : () -> ()
      "tpu.region"() ({
        %run_scoped3A = tpu.sem_alloc : memref<!tpu.dma_semaphore, #tpu.memory_space<semaphore_mem>>
        %dma_start3A = arith.constant 0 : i32
        %dma_start3A_63 = arith.constant 0 : i32
        %dma_start3A_64 = tpu.memref_slice %arg8[%dma_start3A, %dma_start3A_63] : memref<106x128xi32, #tpu.memory_space<vmem>> -> memref<106x128xi32, #tpu.memory_space<vmem>>
        %dma_start3A_65 = arith.constant 0 : i32
        %dma_start3A_66 = tpu.memref_slice %arg4[%add3A, %dma_start3A_65] : memref<2560x128xi32, #tpu.memory_space<hbm>> -> memref<106x128xi32, #tpu.memory_space<hbm>>
        %dma_start3A_67 = arith.constant 0 : i32
        %dma_start3A_68 = arith.constant 0 : i32
        %dma_start3A_69 = tpu.memref_slice %arg8[%dma_start3A_67, %dma_start3A_68] : memref<106x128xi32, #tpu.memory_space<vmem>> -> memref<106x128xi32, #tpu.memory_space<vmem>>
        %dma_start3A_70 = arith.constant 0 : i32
        %dma_start3A_71 = tpu.memref_slice %arg4[%add3A, %dma_start3A_70] : memref<2560x128xi32, #tpu.memory_space<hbm>> -> memref<106x128xi32, #tpu.memory_space<hbm>>
        tpu.enqueue_dma source(%dma_start3A_71 : memref<106x128xi32, #tpu.memory_space<hbm>>) target(%dma_start3A_69 : memref<106x128xi32, #tpu.memory_space<vmem>>) target_semaphore(%run_scoped3A : memref<!tpu.dma_semaphore, #tpu.memory_space<semaphore_mem>>)
        %dma_wait3A = arith.constant 0 : i32
        %dma_wait3A_72 = arith.constant 0 : i32
        %dma_wait3A_73 = tpu.memref_slice %arg8[%dma_wait3A, %dma_wait3A_72] : memref<106x128xi32, #tpu.memory_space<vmem>> -> memref<106x128xi32, #tpu.memory_space<vmem>>
        %dma_wait3A_74 = arith.constant 0 : i32
        %dma_wait3A_75 = tpu.memref_slice %arg4[%add3A, %dma_wait3A_74] : memref<2560x128xi32, #tpu.memory_space<hbm>> -> memref<106x128xi32, #tpu.memory_space<hbm>>
        %dma_wait3A_76 = arith.constant 0 : i32
        %dma_wait3A_77 = arith.constant 0 : i32
        %dma_wait3A_78 = tpu.memref_slice %arg8[%dma_wait3A_76, %dma_wait3A_77] : memref<106x128xi32, #tpu.memory_space<vmem>> -> memref<106x128xi32, #tpu.memory_space<vmem>>
        %dma_wait3A_79 = arith.constant 0 : i32
        %dma_wait3A_80 = tpu.memref_slice %arg4[%add3A, %dma_wait3A_79] : memref<2560x128xi32, #tpu.memory_space<hbm>> -> memref<106x128xi32, #tpu.memory_space<hbm>>
        tpu.wait_dma2 semaphore(%run_scoped3A : memref<!tpu.dma_semaphore, #tpu.memory_space<semaphore_mem>>) src(%dma_wait3A_80 : memref<106x128xi32, #tpu.memory_space<hbm>>) dst(%dma_wait3A_78 : memref<106x128xi32, #tpu.memory_space<vmem>>)
        tpu.yield
      }) : () -> ()
    } else {
    }
    %eq3A_9 = arith.constant 1 : i32
    %eq3A_10 = arith.cmpi eq, %arg0, %eq3A_9 : i32
    %convert_element_type3A_11 = arith.extui %eq3A_10 : i1 to i32
    %cond3A_12 = arith.constant 0 : i32
    %cond3A_13 = arith.cmpi ne, %convert_element_type3A_11, %cond3A_12 : i32
    scf.if %cond3A_13 {
      "tpu.region"() ({
        %run_scoped3A = tpu.sem_alloc : memref<!tpu.dma_semaphore, #tpu.memory_space<semaphore_mem>>
        %dma_start3A = arith.constant 0 : i32
        %dma_start3A_63 = arith.constant 0 : i32
        %dma_start3A_64 = tpu.memref_slice %arg7[%dma_start3A, %dma_start3A_63] : memref<106x128xi32, #tpu.memory_space<vmem>> -> memref<54x128xi32, #tpu.memory_space<vmem>>
        %dma_start3A_65 = arith.constant 0 : i32
        %dma_start3A_66 = tpu.memref_slice %arg3[%add3A, %dma_start3A_65] : memref<2560x128xi32, #tpu.memory_space<hbm>> -> memref<54x128xi32, #tpu.memory_space<hbm>>
        %dma_start3A_67 = arith.constant 0 : i32
        %dma_start3A_68 = arith.constant 0 : i32
        %dma_start3A_69 = tpu.memref_slice %arg7[%dma_start3A_67, %dma_start3A_68] : memref<106x128xi32, #tpu.memory_space<vmem>> -> memref<54x128xi32, #tpu.memory_space<vmem>>
        %dma_start3A_70 = arith.constant 0 : i32
        %dma_start3A_71 = tpu.memref_slice %arg3[%add3A, %dma_start3A_70] : memref<2560x128xi32, #tpu.memory_space<hbm>> -> memref<54x128xi32, #tpu.memory_space<hbm>>
        tpu.enqueue_dma source(%dma_start3A_71 : memref<54x128xi32, #tpu.memory_space<hbm>>) target(%dma_start3A_69 : memref<54x128xi32, #tpu.memory_space<vmem>>) target_semaphore(%run_scoped3A : memref<!tpu.dma_semaphore, #tpu.memory_space<semaphore_mem>>)
        %dma_wait3A = arith.constant 0 : i32
        %dma_wait3A_72 = arith.constant 0 : i32
        %dma_wait3A_73 = tpu.memref_slice %arg7[%dma_wait3A, %dma_wait3A_72] : memref<106x128xi32, #tpu.memory_space<vmem>> -> memref<54x128xi32, #tpu.memory_space<vmem>>
        %dma_wait3A_74 = arith.constant 0 : i32
        %dma_wait3A_75 = tpu.memref_slice %arg3[%add3A, %dma_wait3A_74] : memref<2560x128xi32, #tpu.memory_space<hbm>> -> memref<54x128xi32, #tpu.memory_space<hbm>>
        %dma_wait3A_76 = arith.constant 0 : i32
        %dma_wait3A_77 = arith.constant 0 : i32
        %dma_wait3A_78 = tpu.memref_slice %arg7[%dma_wait3A_76, %dma_wait3A_77] : memref<106x128xi32, #tpu.memory_space<vmem>> -> memref<54x128xi32, #tpu.memory_space<vmem>>
        %dma_wait3A_79 = arith.constant 0 : i32
        %dma_wait3A_80 = tpu.memref_slice %arg3[%add3A, %dma_wait3A_79] : memref<2560x128xi32, #tpu.memory_space<hbm>> -> memref<54x128xi32, #tpu.memory_space<hbm>>
        tpu.wait_dma2 semaphore(%run_scoped3A : memref<!tpu.dma_semaphore, #tpu.memory_space<semaphore_mem>>) src(%dma_wait3A_80 : memref<54x128xi32, #tpu.memory_space<hbm>>) dst(%dma_wait3A_78 : memref<54x128xi32, #tpu.memory_space<vmem>>)
        tpu.yield
      }) : () -> ()
      "tpu.region"() ({
        %run_scoped3A = tpu.sem_alloc : memref<!tpu.dma_semaphore, #tpu.memory_space<semaphore_mem>>
        %dma_start3A = arith.constant 0 : i32
        %dma_start3A_63 = arith.constant 0 : i32
        %dma_start3A_64 = tpu.memref_slice %arg8[%dma_start3A, %dma_start3A_63] : memref<106x128xi32, #tpu.memory_space<vmem>> -> memref<54x128xi32, #tpu.memory_space<vmem>>
        %dma_start3A_65 = arith.constant 0 : i32
        %dma_start3A_66 = tpu.memref_slice %arg4[%add3A, %dma_start3A_65] : memref<2560x128xi32, #tpu.memory_space<hbm>> -> memref<54x128xi32, #tpu.memory_space<hbm>>
        %dma_start3A_67 = arith.constant 0 : i32
        %dma_start3A_68 = arith.constant 0 : i32
        %dma_start3A_69 = tpu.memref_slice %arg8[%dma_start3A_67, %dma_start3A_68] : memref<106x128xi32, #tpu.memory_space<vmem>> -> memref<54x128xi32, #tpu.memory_space<vmem>>
        %dma_start3A_70 = arith.constant 0 : i32
        %dma_start3A_71 = tpu.memref_slice %arg4[%add3A, %dma_start3A_70] : memref<2560x128xi32, #tpu.memory_space<hbm>> -> memref<54x128xi32, #tpu.memory_space<hbm>>
        tpu.enqueue_dma source(%dma_start3A_71 : memref<54x128xi32, #tpu.memory_space<hbm>>) target(%dma_start3A_69 : memref<54x128xi32, #tpu.memory_space<vmem>>) target_semaphore(%run_scoped3A : memref<!tpu.dma_semaphore, #tpu.memory_space<semaphore_mem>>)
        %dma_wait3A = arith.constant 0 : i32
        %dma_wait3A_72 = arith.constant 0 : i32
        %dma_wait3A_73 = tpu.memref_slice %arg8[%dma_wait3A, %dma_wait3A_72] : memref<106x128xi32, #tpu.memory_space<vmem>> -> memref<54x128xi32, #tpu.memory_space<vmem>>
        %dma_wait3A_74 = arith.constant 0 : i32
        %dma_wait3A_75 = tpu.memref_slice %arg4[%add3A, %dma_wait3A_74] : memref<2560x128xi32, #tpu.memory_space<hbm>> -> memref<54x128xi32, #tpu.memory_space<hbm>>
        %dma_wait3A_76 = arith.constant 0 : i32
        %dma_wait3A_77 = arith.constant 0 : i32
        %dma_wait3A_78 = tpu.memref_slice %arg8[%dma_wait3A_76, %dma_wait3A_77] : memref<106x128xi32, #tpu.memory_space<vmem>> -> memref<54x128xi32, #tpu.memory_space<vmem>>
        %dma_wait3A_79 = arith.constant 0 : i32
        %dma_wait3A_80 = tpu.memref_slice %arg4[%add3A, %dma_wait3A_79] : memref<2560x128xi32, #tpu.memory_space<hbm>> -> memref<54x128xi32, #tpu.memory_space<hbm>>
        tpu.wait_dma2 semaphore(%run_scoped3A : memref<!tpu.dma_semaphore, #tpu.memory_space<semaphore_mem>>) src(%dma_wait3A_80 : memref<54x128xi32, #tpu.memory_space<hbm>>) dst(%dma_wait3A_78 : memref<54x128xi32, #tpu.memory_space<vmem>>)
        tpu.yield
      }) : () -> ()
    } else {
    }
    %mul3A_14 = arith.constant 640 : i32
    %mul3A_15 = arith.muli %arg1, %mul3A_14 : i32
    %mul3A_16 = arith.constant 640 : i32
    %mul3A_17 = arith.muli %arg1, %mul3A_16 : i32
    "tpu.region"() ({
      %run_scoped3A = tpu.sem_alloc : memref<!tpu.dma_semaphore, #tpu.memory_space<semaphore_mem>>
      %dma_start3A = arith.constant 0 : i32
      %dma_start3A_63 = tpu.memref_slice %arg11[%mul3A_17, %dma_start3A] : memref<10240x64xf32, #tpu.memory_space<vmem_shared>> -> memref<640x64xf32, #tpu.memory_space<vmem_shared>>
      %dma_start3A_64 = arith.constant 0 : i32
      %dma_start3A_65 = tpu.memref_slice %arg5[%mul3A_15, %dma_start3A_64] : memref<10240x64xf32, #tpu.memory_space<hbm>> -> memref<640x64xf32, #tpu.memory_space<hbm>>
      tpu.enqueue_dma source(%dma_start3A_65 : memref<640x64xf32, #tpu.memory_space<hbm>>) target(%dma_start3A_63 : memref<640x64xf32, #tpu.memory_space<vmem_shared>>) target_semaphore(%run_scoped3A : memref<!tpu.dma_semaphore, #tpu.memory_space<semaphore_mem>>)
      %dma_wait3A = arith.constant 0 : i32
      %dma_wait3A_66 = tpu.memref_slice %arg11[%mul3A_17, %dma_wait3A] : memref<10240x64xf32, #tpu.memory_space<vmem_shared>> -> memref<640x64xf32, #tpu.memory_space<vmem_shared>>
      %dma_wait3A_67 = arith.constant 0 : i32
      %dma_wait3A_68 = tpu.memref_slice %arg5[%mul3A_15, %dma_wait3A_67] : memref<10240x64xf32, #tpu.memory_space<hbm>> -> memref<640x64xf32, #tpu.memory_space<hbm>>
      tpu.wait_dma2 semaphore(%run_scoped3A : memref<!tpu.dma_semaphore, #tpu.memory_space<semaphore_mem>>) src(%dma_wait3A_68 : memref<640x64xf32, #tpu.memory_space<hbm>>) dst(%dma_wait3A_66 : memref<640x64xf32, #tpu.memory_space<vmem_shared>>)
      tpu.yield
    }) : () -> ()
    %barrier3A = arith.constant 0 : index
    tpu.barrier barrier_id(%barrier3A)
    %jit3A = arith.constant 2 : i32
    %div3A = arith.divsi %sub3A_1, %jit3A : i32
    %sign3A = arith.constant 0 : i32
    %sign3A_18 = arith.cmpi sgt, %sub3A_1, %sign3A : i32
    %sign3A_19 = arith.extui %sign3A_18 : i1 to i32
    %sign3A_20 = arith.constant 0 : i32
    %sign3A_21 = arith.cmpi slt, %sub3A_1, %sign3A_20 : i32
    %sign3A_22 = arith.extui %sign3A_21 : i1 to i32
    %sign3A_23 = arith.subi %sign3A_19, %sign3A_22 : i32
    %sign3A_24 = arith.constant 0 : i32
    %sign3A_25 = arith.cmpi sgt, %jit3A, %sign3A_24 : i32
    %sign3A_26 = arith.extui %sign3A_25 : i1 to i32
    %sign3A_27 = arith.constant 0 : i32
    %sign3A_28 = arith.cmpi slt, %jit3A, %sign3A_27 : i32
    %sign3A_29 = arith.extui %sign3A_28 : i1 to i32
    %sign3A_30 = arith.subi %sign3A_26, %sign3A_29 : i32
    %ne3A = arith.cmpi ne, %sign3A_23, %sign3A_30 : i32
    %rem3A = arith.remsi %sub3A_1, %jit3A : i32
    %ne3A_31 = arith.constant 0 : i32
    %ne3A_32 = arith.cmpi ne, %rem3A, %ne3A_31 : i32
    %and3A = arith.andi %ne3A, %ne3A_32 : i1
    %sub3A_33 = arith.constant 1 : i32
    %sub3A_34 = arith.subi %div3A, %sub3A_33 : i32
    %select_n3A = arith.select %and3A, %sub3A_34, %div3A : i32
    %sub3A_35 = arith.constant 0 : i32
    %sub3A_36 = arith.subi %select_n3A, %sub3A_35 : i32
    %sub3A_37 = arith.constant 1 : i32
    %sub3A_38 = arith.constant 1 : i32
    %sub3A_39 = arith.subi %sub3A_37, %sub3A_38 : i32
    %add3A_40 = arith.addi %sub3A_36, %sub3A_39 : i32
    %div3A_41 = arith.constant 1 : i32
    %div3A_42 = arith.divsi %add3A_40, %div3A_41 : i32
    %while3A = arith.constant 1 : i32
    %while3A_43 = arith.constant 0 : i32
    %while3A_44 = arith.constant 0 : i32
    %while3A_45 = arith.subi %div3A_42, %while3A_44 : i32
    %while3A_46 = arith.addi %while3A_44, %while3A_45 : i32
    %while3A_47 = arith.constant 1 : i32
    %while3A_48 = arith.divsi %while3A_45, %while3A_47 : i32
    %while3A_49 = arith.muli %while3A_48, %while3A_47 : i32
    %while3A_50 = arith.addi %while3A_44, %while3A_49 : i32
    %while3A_51 = arith.constant 1 : i32
    scf.for %while3A_63 = %while3A_44 to %while3A_50 step %while3A_51  : i32 {
      %mul3A_64 = arith.muli %while3A_63, %while3A : i32
      %add3A_65 = arith.addi %while3A_43, %mul3A_64 : i32
      %mul3A_66 = arith.constant 2 : i32
      %mul3A_67 = arith.muli %mul3A_66, %add3A_65 : i32
      %dma_start3A = arith.constant 0 : i32
      %dma_start3A_68 = tpu.memref_slice %arg7[%mul3A_67, %dma_start3A] : memref<106x128xi32, #tpu.memory_space<vmem>> -> memref<1x128xi32, #tpu.memory_space<vmem>>
      %dma_start3A_69 = tpu.memref_squeeze %dma_start3A_68 : memref<1x128xi32, #tpu.memory_space<vmem>> -> memref<128xi32, #tpu.memory_space<vmem>>
      %dma_start3A_70 = arith.constant 0 : i32
      %dma_start3A_71 = arith.constant 0 : i32
      %dma_start3A_72 = tpu.memref_slice %arg2[%dma_start3A_70, %dma_start3A_71] : memref<10240x64xf32, #tpu.memory_space<hbm>> -> memref<10240x64xf32, #tpu.memory_space<hbm>>
      tpu.enqueue_indirect_dma source(%dma_start3A_72 : memref<10240x64xf32, #tpu.memory_space<hbm>>) target(%arg9 : memref<128x64xf32, #tpu.memory_space<vmem>>) offsets(%dma_start3A_69 : memref<128xi32, #tpu.memory_space<vmem>>) semaphore(%arg12 : memref<!tpu.dma_semaphore, #tpu.memory_space<semaphore_mem>>)
      %gt3A = arith.constant 0 : i32
      %gt3A_73 = arith.cmpi sgt, %add3A_65, %gt3A : i32
      %convert_element_type3A_74 = arith.extui %gt3A_73 : i1 to i32
      %cond3A_75 = arith.constant 0 : i32
      %cond3A_76 = arith.cmpi ne, %convert_element_type3A_74, %cond3A_75 : i32
      scf.if %cond3A_76 {
        %sub3A_96 = arith.constant 1 : i32
        %sub3A_97 = arith.subi %mul3A_67, %sub3A_96 : i32
        "tpu.region"() ({
          %run_scoped3A = tpu.sem_alloc : memref<!tpu.dma_semaphore, #tpu.memory_space<semaphore_mem>>
          %dma_start3A_98 = arith.constant 0 : i32
          %dma_start3A_99 = tpu.memref_slice %arg8[%sub3A_97, %dma_start3A_98] : memref<106x128xi32, #tpu.memory_space<vmem>> -> memref<1x128xi32, #tpu.memory_space<vmem>>
          %dma_start3A_100 = tpu.memref_squeeze %dma_start3A_99 : memref<1x128xi32, #tpu.memory_space<vmem>> -> memref<128xi32, #tpu.memory_space<vmem>>
          %dma_start3A_101 = arith.constant 0 : i32
          %dma_start3A_102 = arith.constant 0 : i32
          %dma_start3A_103 = tpu.memref_slice %arg11[%dma_start3A_101, %dma_start3A_102] : memref<10240x64xf32, #tpu.memory_space<vmem_shared>> -> memref<10240x64xf32, #tpu.memory_space<vmem_shared>>
          tpu.enqueue_indirect_dma source(%arg10 : memref<128x64xf32, #tpu.memory_space<vmem>>) target(%dma_start3A_103 : memref<10240x64xf32, #tpu.memory_space<vmem_shared>>) offsets(%dma_start3A_100 : memref<128xi32, #tpu.memory_space<vmem>>) semaphore(%run_scoped3A : memref<!tpu.dma_semaphore, #tpu.memory_space<semaphore_mem>>) {add = true}
          %dma_wait3A_104 = arith.constant 0 : i32
          %dma_wait3A_105 = tpu.memref_slice %arg8[%sub3A_97, %dma_wait3A_104] : memref<106x128xi32, #tpu.memory_space<vmem>> -> memref<1x128xi32, #tpu.memory_space<vmem>>
          %dma_wait3A_106 = tpu.memref_squeeze %dma_wait3A_105 : memref<1x128xi32, #tpu.memory_space<vmem>> -> memref<128xi32, #tpu.memory_space<vmem>>
          %dma_wait3A_107 = arith.constant 0 : i32
          %dma_wait3A_108 = arith.constant 0 : i32
          %dma_wait3A_109 = tpu.memref_slice %arg11[%dma_wait3A_107, %dma_wait3A_108] : memref<10240x64xf32, #tpu.memory_space<vmem_shared>> -> memref<10240x64xf32, #tpu.memory_space<vmem_shared>>
          tpu.wait_indirect_dma semaphore(%run_scoped3A : memref<!tpu.dma_semaphore, #tpu.memory_space<semaphore_mem>>) src(%arg10 : memref<128x64xf32, #tpu.memory_space<vmem>>) dst(%dma_wait3A_109 : memref<10240x64xf32, #tpu.memory_space<vmem_shared>>)
          tpu.yield
        }) : () -> ()
      } else {
      }
      %dma_wait3A = arith.constant 0 : i32
      %dma_wait3A_77 = tpu.memref_slice %arg7[%mul3A_67, %dma_wait3A] : memref<106x128xi32, #tpu.memory_space<vmem>> -> memref<1x128xi32, #tpu.memory_space<vmem>>
      %dma_wait3A_78 = tpu.memref_squeeze %dma_wait3A_77 : memref<1x128xi32, #tpu.memory_space<vmem>> -> memref<128xi32, #tpu.memory_space<vmem>>
      %dma_wait3A_79 = arith.constant 0 : i32
      %dma_wait3A_80 = arith.constant 0 : i32
      %dma_wait3A_81 = tpu.memref_slice %arg2[%dma_wait3A_79, %dma_wait3A_80] : memref<10240x64xf32, #tpu.memory_space<hbm>> -> memref<10240x64xf32, #tpu.memory_space<hbm>>
      tpu.wait_indirect_dma semaphore(%arg12 : memref<!tpu.dma_semaphore, #tpu.memory_space<semaphore_mem>>) src(%dma_wait3A_81 : memref<10240x64xf32, #tpu.memory_space<hbm>>) dst(%arg9 : memref<128x64xf32, #tpu.memory_space<vmem>>)
      %add3A_82 = arith.constant 1 : i32
      %add3A_83 = arith.addi %mul3A_67, %add3A_82 : i32
      %dma_start3A_84 = arith.constant 0 : i32
      %dma_start3A_85 = tpu.memref_slice %arg7[%add3A_83, %dma_start3A_84] : memref<106x128xi32, #tpu.memory_space<vmem>> -> memref<1x128xi32, #tpu.memory_space<vmem>>
      %dma_start3A_86 = tpu.memref_squeeze %dma_start3A_85 : memref<1x128xi32, #tpu.memory_space<vmem>> -> memref<128xi32, #tpu.memory_space<vmem>>
      %dma_start3A_87 = arith.constant 0 : i32
      %dma_start3A_88 = arith.constant 0 : i32
      %dma_start3A_89 = tpu.memref_slice %arg2[%dma_start3A_87, %dma_start3A_88] : memref<10240x64xf32, #tpu.memory_space<hbm>> -> memref<10240x64xf32, #tpu.memory_space<hbm>>
      tpu.enqueue_indirect_dma source(%dma_start3A_89 : memref<10240x64xf32, #tpu.memory_space<hbm>>) target(%arg10 : memref<128x64xf32, #tpu.memory_space<vmem>>) offsets(%dma_start3A_86 : memref<128xi32, #tpu.memory_space<vmem>>) semaphore(%arg13 : memref<!tpu.dma_semaphore, #tpu.memory_space<semaphore_mem>>)
      "tpu.region"() ({
        %run_scoped3A = tpu.sem_alloc : memref<!tpu.dma_semaphore, #tpu.memory_space<semaphore_mem>>
        %dma_start3A_96 = arith.constant 0 : i32
        %dma_start3A_97 = tpu.memref_slice %arg8[%mul3A_67, %dma_start3A_96] : memref<106x128xi32, #tpu.memory_space<vmem>> -> memref<1x128xi32, #tpu.memory_space<vmem>>
        %dma_start3A_98 = tpu.memref_squeeze %dma_start3A_97 : memref<1x128xi32, #tpu.memory_space<vmem>> -> memref<128xi32, #tpu.memory_space<vmem>>
        %dma_start3A_99 = arith.constant 0 : i32
        %dma_start3A_100 = arith.constant 0 : i32
        %dma_start3A_101 = tpu.memref_slice %arg11[%dma_start3A_99, %dma_start3A_100] : memref<10240x64xf32, #tpu.memory_space<vmem_shared>> -> memref<10240x64xf32, #tpu.memory_space<vmem_shared>>
        tpu.enqueue_indirect_dma source(%arg9 : memref<128x64xf32, #tpu.memory_space<vmem>>) target(%dma_start3A_101 : memref<10240x64xf32, #tpu.memory_space<vmem_shared>>) offsets(%dma_start3A_98 : memref<128xi32, #tpu.memory_space<vmem>>) semaphore(%run_scoped3A : memref<!tpu.dma_semaphore, #tpu.memory_space<semaphore_mem>>) {add = true}
        %dma_wait3A_102 = arith.constant 0 : i32
        %dma_wait3A_103 = tpu.memref_slice %arg8[%mul3A_67, %dma_wait3A_102] : memref<106x128xi32, #tpu.memory_space<vmem>> -> memref<1x128xi32, #tpu.memory_space<vmem>>
        %dma_wait3A_104 = tpu.memref_squeeze %dma_wait3A_103 : memref<1x128xi32, #tpu.memory_space<vmem>> -> memref<128xi32, #tpu.memory_space<vmem>>
        %dma_wait3A_105 = arith.constant 0 : i32
        %dma_wait3A_106 = arith.constant 0 : i32
        %dma_wait3A_107 = tpu.memref_slice %arg11[%dma_wait3A_105, %dma_wait3A_106] : memref<10240x64xf32, #tpu.memory_space<vmem_shared>> -> memref<10240x64xf32, #tpu.memory_space<vmem_shared>>
        tpu.wait_indirect_dma semaphore(%run_scoped3A : memref<!tpu.dma_semaphore, #tpu.memory_space<semaphore_mem>>) src(%arg9 : memref<128x64xf32, #tpu.memory_space<vmem>>) dst(%dma_wait3A_107 : memref<10240x64xf32, #tpu.memory_space<vmem_shared>>)
        tpu.yield
      }) : () -> ()
      %dma_wait3A_90 = arith.constant 0 : i32
      %dma_wait3A_91 = tpu.memref_slice %arg7[%add3A_83, %dma_wait3A_90] : memref<106x128xi32, #tpu.memory_space<vmem>> -> memref<1x128xi32, #tpu.memory_space<vmem>>
      %dma_wait3A_92 = tpu.memref_squeeze %dma_wait3A_91 : memref<1x128xi32, #tpu.memory_space<vmem>> -> memref<128xi32, #tpu.memory_space<vmem>>
      %dma_wait3A_93 = arith.constant 0 : i32
      %dma_wait3A_94 = arith.constant 0 : i32
      %dma_wait3A_95 = tpu.memref_slice %arg2[%dma_wait3A_93, %dma_wait3A_94] : memref<10240x64xf32, #tpu.memory_space<hbm>> -> memref<10240x64xf32, #tpu.memory_space<hbm>>
      tpu.wait_indirect_dma semaphore(%arg13 : memref<!tpu.dma_semaphore, #tpu.memory_space<semaphore_mem>>) src(%dma_wait3A_95 : memref<10240x64xf32, #tpu.memory_space<hbm>>) dst(%arg10 : memref<128x64xf32, #tpu.memory_space<vmem>>)
    }
    %while3A_52 = arith.constant 1 : i32
    scf.for %while3A_63 = %while3A_50 to %while3A_46 step %while3A_52  : i32 {
      %mul3A_64 = arith.muli %while3A_63, %while3A : i32
      %add3A_65 = arith.addi %while3A_43, %mul3A_64 : i32
      %mul3A_66 = arith.constant 2 : i32
      %mul3A_67 = arith.muli %mul3A_66, %add3A_65 : i32
      %dma_start3A = arith.constant 0 : i32
      %dma_start3A_68 = tpu.memref_slice %arg7[%mul3A_67, %dma_start3A] : memref<106x128xi32, #tpu.memory_space<vmem>> -> memref<1x128xi32, #tpu.memory_space<vmem>>
      %dma_start3A_69 = tpu.memref_squeeze %dma_start3A_68 : memref<1x128xi32, #tpu.memory_space<vmem>> -> memref<128xi32, #tpu.memory_space<vmem>>
      %dma_start3A_70 = arith.constant 0 : i32
      %dma_start3A_71 = arith.constant 0 : i32
      %dma_start3A_72 = tpu.memref_slice %arg2[%dma_start3A_70, %dma_start3A_71] : memref<10240x64xf32, #tpu.memory_space<hbm>> -> memref<10240x64xf32, #tpu.memory_space<hbm>>
      tpu.enqueue_indirect_dma source(%dma_start3A_72 : memref<10240x64xf32, #tpu.memory_space<hbm>>) target(%arg9 : memref<128x64xf32, #tpu.memory_space<vmem>>) offsets(%dma_start3A_69 : memref<128xi32, #tpu.memory_space<vmem>>) semaphore(%arg12 : memref<!tpu.dma_semaphore, #tpu.memory_space<semaphore_mem>>)
      %gt3A = arith.constant 0 : i32
      %gt3A_73 = arith.cmpi sgt, %add3A_65, %gt3A : i32
      %convert_element_type3A_74 = arith.extui %gt3A_73 : i1 to i32
      %cond3A_75 = arith.constant 0 : i32
      %cond3A_76 = arith.cmpi ne, %convert_element_type3A_74, %cond3A_75 : i32
      scf.if %cond3A_76 {
        %sub3A_96 = arith.constant 1 : i32
        %sub3A_97 = arith.subi %mul3A_67, %sub3A_96 : i32
        "tpu.region"() ({
          %run_scoped3A = tpu.sem_alloc : memref<!tpu.dma_semaphore, #tpu.memory_space<semaphore_mem>>
          %dma_start3A_98 = arith.constant 0 : i32
          %dma_start3A_99 = tpu.memref_slice %arg8[%sub3A_97, %dma_start3A_98] : memref<106x128xi32, #tpu.memory_space<vmem>> -> memref<1x128xi32, #tpu.memory_space<vmem>>
          %dma_start3A_100 = tpu.memref_squeeze %dma_start3A_99 : memref<1x128xi32, #tpu.memory_space<vmem>> -> memref<128xi32, #tpu.memory_space<vmem>>
          %dma_start3A_101 = arith.constant 0 : i32
          %dma_start3A_102 = arith.constant 0 : i32
          %dma_start3A_103 = tpu.memref_slice %arg11[%dma_start3A_101, %dma_start3A_102] : memref<10240x64xf32, #tpu.memory_space<vmem_shared>> -> memref<10240x64xf32, #tpu.memory_space<vmem_shared>>
          tpu.enqueue_indirect_dma source(%arg10 : memref<128x64xf32, #tpu.memory_space<vmem>>) target(%dma_start3A_103 : memref<10240x64xf32, #tpu.memory_space<vmem_shared>>) offsets(%dma_start3A_100 : memref<128xi32, #tpu.memory_space<vmem>>) semaphore(%run_scoped3A : memref<!tpu.dma_semaphore, #tpu.memory_space<semaphore_mem>>) {add = true}
          %dma_wait3A_104 = arith.constant 0 : i32
          %dma_wait3A_105 = tpu.memref_slice %arg8[%sub3A_97, %dma_wait3A_104] : memref<106x128xi32, #tpu.memory_space<vmem>> -> memref<1x128xi32, #tpu.memory_space<vmem>>
          %dma_wait3A_106 = tpu.memref_squeeze %dma_wait3A_105 : memref<1x128xi32, #tpu.memory_space<vmem>> -> memref<128xi32, #tpu.memory_space<vmem>>
          %dma_wait3A_107 = arith.constant 0 : i32
          %dma_wait3A_108 = arith.constant 0 : i32
          %dma_wait3A_109 = tpu.memref_slice %arg11[%dma_wait3A_107, %dma_wait3A_108] : memref<10240x64xf32, #tpu.memory_space<vmem_shared>> -> memref<10240x64xf32, #tpu.memory_space<vmem_shared>>
          tpu.wait_indirect_dma semaphore(%run_scoped3A : memref<!tpu.dma_semaphore, #tpu.memory_space<semaphore_mem>>) src(%arg10 : memref<128x64xf32, #tpu.memory_space<vmem>>) dst(%dma_wait3A_109 : memref<10240x64xf32, #tpu.memory_space<vmem_shared>>)
          tpu.yield
        }) : () -> ()
      } else {
      }
      %dma_wait3A = arith.constant 0 : i32
      %dma_wait3A_77 = tpu.memref_slice %arg7[%mul3A_67, %dma_wait3A] : memref<106x128xi32, #tpu.memory_space<vmem>> -> memref<1x128xi32, #tpu.memory_space<vmem>>
      %dma_wait3A_78 = tpu.memref_squeeze %dma_wait3A_77 : memref<1x128xi32, #tpu.memory_space<vmem>> -> memref<128xi32, #tpu.memory_space<vmem>>
      %dma_wait3A_79 = arith.constant 0 : i32
      %dma_wait3A_80 = arith.constant 0 : i32
      %dma_wait3A_81 = tpu.memref_slice %arg2[%dma_wait3A_79, %dma_wait3A_80] : memref<10240x64xf32, #tpu.memory_space<hbm>> -> memref<10240x64xf32, #tpu.memory_space<hbm>>
      tpu.wait_indirect_dma semaphore(%arg12 : memref<!tpu.dma_semaphore, #tpu.memory_space<semaphore_mem>>) src(%dma_wait3A_81 : memref<10240x64xf32, #tpu.memory_space<hbm>>) dst(%arg9 : memref<128x64xf32, #tpu.memory_space<vmem>>)
      %add3A_82 = arith.constant 1 : i32
      %add3A_83 = arith.addi %mul3A_67, %add3A_82 : i32
      %dma_start3A_84 = arith.constant 0 : i32
      %dma_start3A_85 = tpu.memref_slice %arg7[%add3A_83, %dma_start3A_84] : memref<106x128xi32, #tpu.memory_space<vmem>> -> memref<1x128xi32, #tpu.memory_space<vmem>>
      %dma_start3A_86 = tpu.memref_squeeze %dma_start3A_85 : memref<1x128xi32, #tpu.memory_space<vmem>> -> memref<128xi32, #tpu.memory_space<vmem>>
      %dma_start3A_87 = arith.constant 0 : i32
      %dma_start3A_88 = arith.constant 0 : i32
      %dma_start3A_89 = tpu.memref_slice %arg2[%dma_start3A_87, %dma_start3A_88] : memref<10240x64xf32, #tpu.memory_space<hbm>> -> memref<10240x64xf32, #tpu.memory_space<hbm>>
      tpu.enqueue_indirect_dma source(%dma_start3A_89 : memref<10240x64xf32, #tpu.memory_space<hbm>>) target(%arg10 : memref<128x64xf32, #tpu.memory_space<vmem>>) offsets(%dma_start3A_86 : memref<128xi32, #tpu.memory_space<vmem>>) semaphore(%arg13 : memref<!tpu.dma_semaphore, #tpu.memory_space<semaphore_mem>>)
      "tpu.region"() ({
        %run_scoped3A = tpu.sem_alloc : memref<!tpu.dma_semaphore, #tpu.memory_space<semaphore_mem>>
        %dma_start3A_96 = arith.constant 0 : i32
        %dma_start3A_97 = tpu.memref_slice %arg8[%mul3A_67, %dma_start3A_96] : memref<106x128xi32, #tpu.memory_space<vmem>> -> memref<1x128xi32, #tpu.memory_space<vmem>>
        %dma_start3A_98 = tpu.memref_squeeze %dma_start3A_97 : memref<1x128xi32, #tpu.memory_space<vmem>> -> memref<128xi32, #tpu.memory_space<vmem>>
        %dma_start3A_99 = arith.constant 0 : i32
        %dma_start3A_100 = arith.constant 0 : i32
        %dma_start3A_101 = tpu.memref_slice %arg11[%dma_start3A_99, %dma_start3A_100] : memref<10240x64xf32, #tpu.memory_space<vmem_shared>> -> memref<10240x64xf32, #tpu.memory_space<vmem_shared>>
        tpu.enqueue_indirect_dma source(%arg9 : memref<128x64xf32, #tpu.memory_space<vmem>>) target(%dma_start3A_101 : memref<10240x64xf32, #tpu.memory_space<vmem_shared>>) offsets(%dma_start3A_98 : memref<128xi32, #tpu.memory_space<vmem>>) semaphore(%run_scoped3A : memref<!tpu.dma_semaphore, #tpu.memory_space<semaphore_mem>>) {add = true}
        %dma_wait3A_102 = arith.constant 0 : i32
        %dma_wait3A_103 = tpu.memref_slice %arg8[%mul3A_67, %dma_wait3A_102] : memref<106x128xi32, #tpu.memory_space<vmem>> -> memref<1x128xi32, #tpu.memory_space<vmem>>
        %dma_wait3A_104 = tpu.memref_squeeze %dma_wait3A_103 : memref<1x128xi32, #tpu.memory_space<vmem>> -> memref<128xi32, #tpu.memory_space<vmem>>
        %dma_wait3A_105 = arith.constant 0 : i32
        %dma_wait3A_106 = arith.constant 0 : i32
        %dma_wait3A_107 = tpu.memref_slice %arg11[%dma_wait3A_105, %dma_wait3A_106] : memref<10240x64xf32, #tpu.memory_space<vmem_shared>> -> memref<10240x64xf32, #tpu.memory_space<vmem_shared>>
        tpu.wait_indirect_dma semaphore(%run_scoped3A : memref<!tpu.dma_semaphore, #tpu.memory_space<semaphore_mem>>) src(%arg9 : memref<128x64xf32, #tpu.memory_space<vmem>>) dst(%dma_wait3A_107 : memref<10240x64xf32, #tpu.memory_space<vmem_shared>>)
        tpu.yield
      }) : () -> ()
      %dma_wait3A_90 = arith.constant 0 : i32
      %dma_wait3A_91 = tpu.memref_slice %arg7[%add3A_83, %dma_wait3A_90] : memref<106x128xi32, #tpu.memory_space<vmem>> -> memref<1x128xi32, #tpu.memory_space<vmem>>
      %dma_wait3A_92 = tpu.memref_squeeze %dma_wait3A_91 : memref<1x128xi32, #tpu.memory_space<vmem>> -> memref<128xi32, #tpu.memory_space<vmem>>
      %dma_wait3A_93 = arith.constant 0 : i32
      %dma_wait3A_94 = arith.constant 0 : i32
      %dma_wait3A_95 = tpu.memref_slice %arg2[%dma_wait3A_93, %dma_wait3A_94] : memref<10240x64xf32, #tpu.memory_space<hbm>> -> memref<10240x64xf32, #tpu.memory_space<hbm>>
      tpu.wait_indirect_dma semaphore(%arg13 : memref<!tpu.dma_semaphore, #tpu.memory_space<semaphore_mem>>) src(%dma_wait3A_95 : memref<10240x64xf32, #tpu.memory_space<hbm>>) dst(%arg10 : memref<128x64xf32, #tpu.memory_space<vmem>>)
    }
    %sub3A_53 = arith.constant 1 : i32
    %sub3A_54 = arith.subi %sub3A_1, %sub3A_53 : i32
    "tpu.region"() ({
      %run_scoped3A = tpu.sem_alloc : memref<!tpu.dma_semaphore, #tpu.memory_space<semaphore_mem>>
      %dma_start3A = arith.constant 0 : i32
      %dma_start3A_63 = tpu.memref_slice %arg8[%sub3A_54, %dma_start3A] : memref<106x128xi32, #tpu.memory_space<vmem>> -> memref<1x128xi32, #tpu.memory_space<vmem>>
      %dma_start3A_64 = tpu.memref_squeeze %dma_start3A_63 : memref<1x128xi32, #tpu.memory_space<vmem>> -> memref<128xi32, #tpu.memory_space<vmem>>
      %dma_start3A_65 = arith.constant 0 : i32
      %dma_start3A_66 = arith.constant 0 : i32
      %dma_start3A_67 = tpu.memref_slice %arg11[%dma_start3A_65, %dma_start3A_66] : memref<10240x64xf32, #tpu.memory_space<vmem_shared>> -> memref<10240x64xf32, #tpu.memory_space<vmem_shared>>
      tpu.enqueue_indirect_dma source(%arg10 : memref<128x64xf32, #tpu.memory_space<vmem>>) target(%dma_start3A_67 : memref<10240x64xf32, #tpu.memory_space<vmem_shared>>) offsets(%dma_start3A_64 : memref<128xi32, #tpu.memory_space<vmem>>) semaphore(%run_scoped3A : memref<!tpu.dma_semaphore, #tpu.memory_space<semaphore_mem>>) {add = true}
      %dma_wait3A = arith.constant 0 : i32
      %dma_wait3A_68 = tpu.memref_slice %arg8[%sub3A_54, %dma_wait3A] : memref<106x128xi32, #tpu.memory_space<vmem>> -> memref<1x128xi32, #tpu.memory_space<vmem>>
      %dma_wait3A_69 = tpu.memref_squeeze %dma_wait3A_68 : memref<1x128xi32, #tpu.memory_space<vmem>> -> memref<128xi32, #tpu.memory_space<vmem>>
      %dma_wait3A_70 = arith.constant 0 : i32
      %dma_wait3A_71 = arith.constant 0 : i32
      %dma_wait3A_72 = tpu.memref_slice %arg11[%dma_wait3A_70, %dma_wait3A_71] : memref<10240x64xf32, #tpu.memory_space<vmem_shared>> -> memref<10240x64xf32, #tpu.memory_space<vmem_shared>>
      tpu.wait_indirect_dma semaphore(%run_scoped3A : memref<!tpu.dma_semaphore, #tpu.memory_space<semaphore_mem>>) src(%arg10 : memref<128x64xf32, #tpu.memory_space<vmem>>) dst(%dma_wait3A_72 : memref<10240x64xf32, #tpu.memory_space<vmem_shared>>)
      tpu.yield
    }) : () -> ()
    %barrier3A_55 = arith.constant 0 : index
    tpu.barrier barrier_id(%barrier3A_55)
    %mul3A_56 = arith.constant 640 : i32
    %mul3A_57 = arith.muli %arg1, %mul3A_56 : i32
    %mul3A_58 = arith.constant 10240 : i32
    %mul3A_59 = arith.muli %arg0, %mul3A_58 : i32
    %mul3A_60 = arith.constant 640 : i32
    %mul3A_61 = arith.muli %arg1, %mul3A_60 : i32
    %add3A_62 = arith.addi %mul3A_59, %mul3A_61 : i32
    "tpu.region"() ({
      %run_scoped3A = tpu.sem_alloc : memref<!tpu.dma_semaphore, #tpu.memory_space<semaphore_mem>>
      %dma_start3A = arith.constant 0 : i32
      %dma_start3A_63 = tpu.memref_slice %arg6[%add3A_62, %dma_start3A] : memref<20480x64xf32, #tpu.memory_space<hbm>> -> memref<640x64xf32, #tpu.memory_space<hbm>>
      %dma_start3A_64 = arith.constant 0 : i32
      %dma_start3A_65 = tpu.memref_slice %arg11[%mul3A_57, %dma_start3A_64] : memref<10240x64xf32, #tpu.memory_space<vmem_shared>> -> memref<640x64xf32, #tpu.memory_space<vmem_shared>>
      tpu.enqueue_dma source(%dma_start3A_65 : memref<640x64xf32, #tpu.memory_space<vmem_shared>>) target(%dma_start3A_63 : memref<640x64xf32, #tpu.memory_space<hbm>>) target_semaphore(%run_scoped3A : memref<!tpu.dma_semaphore, #tpu.memory_space<semaphore_mem>>)
      %dma_wait3A = arith.constant 0 : i32
      %dma_wait3A_66 = tpu.memref_slice %arg6[%add3A_62, %dma_wait3A] : memref<20480x64xf32, #tpu.memory_space<hbm>> -> memref<640x64xf32, #tpu.memory_space<hbm>>
      %dma_wait3A_67 = arith.constant 0 : i32
      %dma_wait3A_68 = tpu.memref_slice %arg11[%mul3A_57, %dma_wait3A_67] : memref<10240x64xf32, #tpu.memory_space<vmem_shared>> -> memref<640x64xf32, #tpu.memory_space<vmem_shared>>
      tpu.wait_dma2 semaphore(%run_scoped3A : memref<!tpu.dma_semaphore, #tpu.memory_space<semaphore_mem>>) src(%dma_wait3A_68 : memref<640x64xf32, #tpu.memory_space<vmem_shared>>) dst(%dma_wait3A_66 : memref<640x64xf32, #tpu.memory_space<hbm>>)
      tpu.yield
    }) : () -> ()
    return
  }
}

#map = affine_map<(d0, d1) -> (0, 0)>
module attributes {stable_mosaic.version = 14 : i64} {
  func.func @deg_kernel(%arg0: i32, %arg1: i32, %arg2: memref<2560x128xi32, #tpu.memory_space<hbm>>, %arg3: memref<128x16xf32, #tpu.memory_space<hbm>>, %arg4: memref<10240x16xf32, #tpu.memory_space<hbm>>, %arg5: memref<20480x16xf32, #tpu.memory_space<hbm>>, %arg6: memref<106x128xi32, #tpu.memory_space<vmem>>, %arg7: memref<128x16xf32, #tpu.memory_space<vmem>>, %arg8: memref<10240x16xf32, #tpu.memory_space<vmem_shared>>, %arg9: memref<!tpu.dma_semaphore, #tpu.memory_space<semaphore_mem>>) attributes {dimension_semantics = [#tpu.dimension_semantics<core_parallel>, #tpu.dimension_semantics<subcore_parallel>], iteration_bounds = array<i64: 2, 16>, scalar_prefetch = 0 : i64, scratch_operands = 4 : i64, tpu.core_type = #tpu.core_type<sc_vector_subcore>, window_params = [{transform_indices = #map}, {transform_indices = #map}, {transform_indices = #map}, {transform_indices = #map}]} {
    %mul3A = arith.constant 52 : i32
    %mul3A_0 = arith.muli %arg0, %mul3A : i32
    %sub3A = arith.constant 106 : i32
    %sub3A_1 = arith.subi %sub3A, %mul3A_0 : i32
    %mul3A_2 = arith.constant 16 : i32
    %mul3A_3 = arith.muli %arg0, %mul3A_2 : i32
    %mul3A_4 = arith.constant 106 : i32
    %mul3A_5 = arith.muli %mul3A_3, %mul3A_4 : i32
    %mul3A_6 = arith.muli %arg1, %sub3A_1 : i32
    %add3A = arith.addi %mul3A_5, %mul3A_6 : i32
    "tpu.region"() ({
      %run_scoped3A = tpu.sem_alloc : memref<!tpu.dma_semaphore, #tpu.memory_space<semaphore_mem>>
      tpu.enqueue_dma source(%arg3 : memref<128x16xf32, #tpu.memory_space<hbm>>) target(%arg7 : memref<128x16xf32, #tpu.memory_space<vmem>>) target_semaphore(%run_scoped3A : memref<!tpu.dma_semaphore, #tpu.memory_space<semaphore_mem>>)
      tpu.wait_dma2 semaphore(%run_scoped3A : memref<!tpu.dma_semaphore, #tpu.memory_space<semaphore_mem>>) src(%arg3 : memref<128x16xf32, #tpu.memory_space<hbm>>) dst(%arg7 : memref<128x16xf32, #tpu.memory_space<vmem>>)
      tpu.yield
    }) : () -> ()
    %eq3A = arith.constant 0 : i32
    %eq3A_7 = arith.cmpi eq, %arg0, %eq3A : i32
    %convert_element_type3A = arith.extui %eq3A_7 : i1 to i32
    %cond3A = arith.constant 0 : i32
    %cond3A_8 = arith.cmpi ne, %convert_element_type3A, %cond3A : i32
    scf.if %cond3A_8 {
      "tpu.region"() ({
        %run_scoped3A = tpu.sem_alloc : memref<!tpu.dma_semaphore, #tpu.memory_space<semaphore_mem>>
        %dma_start3A = arith.constant 0 : i32
        %dma_start3A_62 = arith.constant 0 : i32
        %dma_start3A_63 = tpu.memref_slice %arg6[%dma_start3A, %dma_start3A_62] : memref<106x128xi32, #tpu.memory_space<vmem>> -> memref<106x128xi32, #tpu.memory_space<vmem>>
        %dma_start3A_64 = arith.constant 0 : i32
        %dma_start3A_65 = tpu.memref_slice %arg2[%add3A, %dma_start3A_64] : memref<2560x128xi32, #tpu.memory_space<hbm>> -> memref<106x128xi32, #tpu.memory_space<hbm>>
        %dma_start3A_66 = arith.constant 0 : i32
        %dma_start3A_67 = arith.constant 0 : i32
        %dma_start3A_68 = tpu.memref_slice %arg6[%dma_start3A_66, %dma_start3A_67] : memref<106x128xi32, #tpu.memory_space<vmem>> -> memref<106x128xi32, #tpu.memory_space<vmem>>
        %dma_start3A_69 = arith.constant 0 : i32
        %dma_start3A_70 = tpu.memref_slice %arg2[%add3A, %dma_start3A_69] : memref<2560x128xi32, #tpu.memory_space<hbm>> -> memref<106x128xi32, #tpu.memory_space<hbm>>
        tpu.enqueue_dma source(%dma_start3A_70 : memref<106x128xi32, #tpu.memory_space<hbm>>) target(%dma_start3A_68 : memref<106x128xi32, #tpu.memory_space<vmem>>) target_semaphore(%run_scoped3A : memref<!tpu.dma_semaphore, #tpu.memory_space<semaphore_mem>>)
        %dma_wait3A = arith.constant 0 : i32
        %dma_wait3A_71 = arith.constant 0 : i32
        %dma_wait3A_72 = tpu.memref_slice %arg6[%dma_wait3A, %dma_wait3A_71] : memref<106x128xi32, #tpu.memory_space<vmem>> -> memref<106x128xi32, #tpu.memory_space<vmem>>
        %dma_wait3A_73 = arith.constant 0 : i32
        %dma_wait3A_74 = tpu.memref_slice %arg2[%add3A, %dma_wait3A_73] : memref<2560x128xi32, #tpu.memory_space<hbm>> -> memref<106x128xi32, #tpu.memory_space<hbm>>
        %dma_wait3A_75 = arith.constant 0 : i32
        %dma_wait3A_76 = arith.constant 0 : i32
        %dma_wait3A_77 = tpu.memref_slice %arg6[%dma_wait3A_75, %dma_wait3A_76] : memref<106x128xi32, #tpu.memory_space<vmem>> -> memref<106x128xi32, #tpu.memory_space<vmem>>
        %dma_wait3A_78 = arith.constant 0 : i32
        %dma_wait3A_79 = tpu.memref_slice %arg2[%add3A, %dma_wait3A_78] : memref<2560x128xi32, #tpu.memory_space<hbm>> -> memref<106x128xi32, #tpu.memory_space<hbm>>
        tpu.wait_dma2 semaphore(%run_scoped3A : memref<!tpu.dma_semaphore, #tpu.memory_space<semaphore_mem>>) src(%dma_wait3A_79 : memref<106x128xi32, #tpu.memory_space<hbm>>) dst(%dma_wait3A_77 : memref<106x128xi32, #tpu.memory_space<vmem>>)
        tpu.yield
      }) : () -> ()
    } else {
    }
    %eq3A_9 = arith.constant 1 : i32
    %eq3A_10 = arith.cmpi eq, %arg0, %eq3A_9 : i32
    %convert_element_type3A_11 = arith.extui %eq3A_10 : i1 to i32
    %cond3A_12 = arith.constant 0 : i32
    %cond3A_13 = arith.cmpi ne, %convert_element_type3A_11, %cond3A_12 : i32
    scf.if %cond3A_13 {
      "tpu.region"() ({
        %run_scoped3A = tpu.sem_alloc : memref<!tpu.dma_semaphore, #tpu.memory_space<semaphore_mem>>
        %dma_start3A = arith.constant 0 : i32
        %dma_start3A_62 = arith.constant 0 : i32
        %dma_start3A_63 = tpu.memref_slice %arg6[%dma_start3A, %dma_start3A_62] : memref<106x128xi32, #tpu.memory_space<vmem>> -> memref<54x128xi32, #tpu.memory_space<vmem>>
        %dma_start3A_64 = arith.constant 0 : i32
        %dma_start3A_65 = tpu.memref_slice %arg2[%add3A, %dma_start3A_64] : memref<2560x128xi32, #tpu.memory_space<hbm>> -> memref<54x128xi32, #tpu.memory_space<hbm>>
        %dma_start3A_66 = arith.constant 0 : i32
        %dma_start3A_67 = arith.constant 0 : i32
        %dma_start3A_68 = tpu.memref_slice %arg6[%dma_start3A_66, %dma_start3A_67] : memref<106x128xi32, #tpu.memory_space<vmem>> -> memref<54x128xi32, #tpu.memory_space<vmem>>
        %dma_start3A_69 = arith.constant 0 : i32
        %dma_start3A_70 = tpu.memref_slice %arg2[%add3A, %dma_start3A_69] : memref<2560x128xi32, #tpu.memory_space<hbm>> -> memref<54x128xi32, #tpu.memory_space<hbm>>
        tpu.enqueue_dma source(%dma_start3A_70 : memref<54x128xi32, #tpu.memory_space<hbm>>) target(%dma_start3A_68 : memref<54x128xi32, #tpu.memory_space<vmem>>) target_semaphore(%run_scoped3A : memref<!tpu.dma_semaphore, #tpu.memory_space<semaphore_mem>>)
        %dma_wait3A = arith.constant 0 : i32
        %dma_wait3A_71 = arith.constant 0 : i32
        %dma_wait3A_72 = tpu.memref_slice %arg6[%dma_wait3A, %dma_wait3A_71] : memref<106x128xi32, #tpu.memory_space<vmem>> -> memref<54x128xi32, #tpu.memory_space<vmem>>
        %dma_wait3A_73 = arith.constant 0 : i32
        %dma_wait3A_74 = tpu.memref_slice %arg2[%add3A, %dma_wait3A_73] : memref<2560x128xi32, #tpu.memory_space<hbm>> -> memref<54x128xi32, #tpu.memory_space<hbm>>
        %dma_wait3A_75 = arith.constant 0 : i32
        %dma_wait3A_76 = arith.constant 0 : i32
        %dma_wait3A_77 = tpu.memref_slice %arg6[%dma_wait3A_75, %dma_wait3A_76] : memref<106x128xi32, #tpu.memory_space<vmem>> -> memref<54x128xi32, #tpu.memory_space<vmem>>
        %dma_wait3A_78 = arith.constant 0 : i32
        %dma_wait3A_79 = tpu.memref_slice %arg2[%add3A, %dma_wait3A_78] : memref<2560x128xi32, #tpu.memory_space<hbm>> -> memref<54x128xi32, #tpu.memory_space<hbm>>
        tpu.wait_dma2 semaphore(%run_scoped3A : memref<!tpu.dma_semaphore, #tpu.memory_space<semaphore_mem>>) src(%dma_wait3A_79 : memref<54x128xi32, #tpu.memory_space<hbm>>) dst(%dma_wait3A_77 : memref<54x128xi32, #tpu.memory_space<vmem>>)
        tpu.yield
      }) : () -> ()
    } else {
    }
    %mul3A_14 = arith.constant 640 : i32
    %mul3A_15 = arith.muli %arg1, %mul3A_14 : i32
    %mul3A_16 = arith.constant 640 : i32
    %mul3A_17 = arith.muli %arg1, %mul3A_16 : i32
    "tpu.region"() ({
      %run_scoped3A = tpu.sem_alloc : memref<!tpu.dma_semaphore, #tpu.memory_space<semaphore_mem>>
      %dma_start3A = arith.constant 0 : i32
      %dma_start3A_62 = tpu.memref_slice %arg8[%mul3A_17, %dma_start3A] : memref<10240x16xf32, #tpu.memory_space<vmem_shared>> -> memref<640x16xf32, #tpu.memory_space<vmem_shared>>
      %dma_start3A_63 = arith.constant 0 : i32
      %dma_start3A_64 = tpu.memref_slice %arg4[%mul3A_15, %dma_start3A_63] : memref<10240x16xf32, #tpu.memory_space<hbm>> -> memref<640x16xf32, #tpu.memory_space<hbm>>
      tpu.enqueue_dma source(%dma_start3A_64 : memref<640x16xf32, #tpu.memory_space<hbm>>) target(%dma_start3A_62 : memref<640x16xf32, #tpu.memory_space<vmem_shared>>) target_semaphore(%run_scoped3A : memref<!tpu.dma_semaphore, #tpu.memory_space<semaphore_mem>>)
      %dma_wait3A = arith.constant 0 : i32
      %dma_wait3A_65 = tpu.memref_slice %arg8[%mul3A_17, %dma_wait3A] : memref<10240x16xf32, #tpu.memory_space<vmem_shared>> -> memref<640x16xf32, #tpu.memory_space<vmem_shared>>
      %dma_wait3A_66 = arith.constant 0 : i32
      %dma_wait3A_67 = tpu.memref_slice %arg4[%mul3A_15, %dma_wait3A_66] : memref<10240x16xf32, #tpu.memory_space<hbm>> -> memref<640x16xf32, #tpu.memory_space<hbm>>
      tpu.wait_dma2 semaphore(%run_scoped3A : memref<!tpu.dma_semaphore, #tpu.memory_space<semaphore_mem>>) src(%dma_wait3A_67 : memref<640x16xf32, #tpu.memory_space<hbm>>) dst(%dma_wait3A_65 : memref<640x16xf32, #tpu.memory_space<vmem_shared>>)
      tpu.yield
    }) : () -> ()
    %barrier3A = arith.constant 0 : index
    tpu.barrier barrier_id(%barrier3A)
    %sub3A_18 = arith.constant 0 : i32
    %sub3A_19 = arith.subi %sub3A_1, %sub3A_18 : i32
    %sub3A_20 = arith.constant 1 : i32
    %sub3A_21 = arith.constant 1 : i32
    %sub3A_22 = arith.subi %sub3A_20, %sub3A_21 : i32
    %add3A_23 = arith.addi %sub3A_19, %sub3A_22 : i32
    %div3A = arith.constant 1 : i32
    %div3A_24 = arith.divsi %add3A_23, %div3A : i32
    %while3A = arith.constant 1 : i32
    %while3A_25 = arith.constant 0 : i32
    %while3A_26 = arith.constant 0 : i32
    %while3A_27 = arith.subi %div3A_24, %while3A_26 : i32
    %while3A_28 = arith.addi %while3A_26, %while3A_27 : i32
    %while3A_29 = arith.constant 1 : i32
    %while3A_30 = arith.divsi %while3A_27, %while3A_29 : i32
    %while3A_31 = arith.muli %while3A_30, %while3A_29 : i32
    %while3A_32 = arith.addi %while3A_26, %while3A_31 : i32
    %while3A_33 = arith.constant 1 : i32
    scf.for %while3A_62 = %while3A_26 to %while3A_32 step %while3A_33  : i32 {
      %mul3A_63 = arith.muli %while3A_62, %while3A : i32
      %add3A_64 = arith.addi %while3A_25, %mul3A_63 : i32
      %dma_start3A = arith.constant 0 : i32
      %dma_start3A_65 = tpu.memref_slice %arg6[%add3A_64, %dma_start3A] : memref<106x128xi32, #tpu.memory_space<vmem>> -> memref<1x128xi32, #tpu.memory_space<vmem>>
      %dma_start3A_66 = tpu.memref_squeeze %dma_start3A_65 : memref<1x128xi32, #tpu.memory_space<vmem>> -> memref<128xi32, #tpu.memory_space<vmem>>
      %dma_start3A_67 = arith.constant 0 : i32
      %dma_start3A_68 = arith.constant 0 : i32
      %dma_start3A_69 = tpu.memref_slice %arg8[%dma_start3A_67, %dma_start3A_68] : memref<10240x16xf32, #tpu.memory_space<vmem_shared>> -> memref<10240x16xf32, #tpu.memory_space<vmem_shared>>
      tpu.enqueue_indirect_dma source(%arg7 : memref<128x16xf32, #tpu.memory_space<vmem>>) target(%dma_start3A_69 : memref<10240x16xf32, #tpu.memory_space<vmem_shared>>) offsets(%dma_start3A_66 : memref<128xi32, #tpu.memory_space<vmem>>) semaphore(%arg9 : memref<!tpu.dma_semaphore, #tpu.memory_space<semaphore_mem>>) {add = true}
    }
    %while3A_34 = arith.constant 1 : i32
    scf.for %while3A_62 = %while3A_32 to %while3A_28 step %while3A_34  : i32 {
      %mul3A_63 = arith.muli %while3A_62, %while3A : i32
      %add3A_64 = arith.addi %while3A_25, %mul3A_63 : i32
      %dma_start3A = arith.constant 0 : i32
      %dma_start3A_65 = tpu.memref_slice %arg6[%add3A_64, %dma_start3A] : memref<106x128xi32, #tpu.memory_space<vmem>> -> memref<1x128xi32, #tpu.memory_space<vmem>>
      %dma_start3A_66 = tpu.memref_squeeze %dma_start3A_65 : memref<1x128xi32, #tpu.memory_space<vmem>> -> memref<128xi32, #tpu.memory_space<vmem>>
      %dma_start3A_67 = arith.constant 0 : i32
      %dma_start3A_68 = arith.constant 0 : i32
      %dma_start3A_69 = tpu.memref_slice %arg8[%dma_start3A_67, %dma_start3A_68] : memref<10240x16xf32, #tpu.memory_space<vmem_shared>> -> memref<10240x16xf32, #tpu.memory_space<vmem_shared>>
      tpu.enqueue_indirect_dma source(%arg7 : memref<128x16xf32, #tpu.memory_space<vmem>>) target(%dma_start3A_69 : memref<10240x16xf32, #tpu.memory_space<vmem_shared>>) offsets(%dma_start3A_66 : memref<128xi32, #tpu.memory_space<vmem>>) semaphore(%arg9 : memref<!tpu.dma_semaphore, #tpu.memory_space<semaphore_mem>>) {add = true}
    }
    %sub3A_35 = arith.constant 0 : i32
    %sub3A_36 = arith.subi %sub3A_1, %sub3A_35 : i32
    %sub3A_37 = arith.constant 1 : i32
    %sub3A_38 = arith.constant 1 : i32
    %sub3A_39 = arith.subi %sub3A_37, %sub3A_38 : i32
    %add3A_40 = arith.addi %sub3A_36, %sub3A_39 : i32
    %div3A_41 = arith.constant 1 : i32
    %div3A_42 = arith.divsi %add3A_40, %div3A_41 : i32
    %while3A_43 = arith.constant 1 : i32
    %while3A_44 = arith.constant 0 : i32
    %while3A_45 = arith.constant 0 : i32
    %while3A_46 = arith.subi %div3A_42, %while3A_45 : i32
    %while3A_47 = arith.addi %while3A_45, %while3A_46 : i32
    %while3A_48 = arith.constant 1 : i32
    %while3A_49 = arith.divsi %while3A_46, %while3A_48 : i32
    %while3A_50 = arith.muli %while3A_49, %while3A_48 : i32
    %while3A_51 = arith.addi %while3A_45, %while3A_50 : i32
    %while3A_52 = arith.constant 1 : i32
    scf.for %while3A_62 = %while3A_45 to %while3A_51 step %while3A_52  : i32 {
      %mul3A_63 = arith.muli %while3A_62, %while3A_43 : i32
      %add3A_64 = arith.addi %while3A_44, %mul3A_63 : i32
      %dma_wait3A = arith.constant 0 : i32
      %dma_wait3A_65 = tpu.memref_slice %arg6[%add3A_64, %dma_wait3A] : memref<106x128xi32, #tpu.memory_space<vmem>> -> memref<1x128xi32, #tpu.memory_space<vmem>>
      %dma_wait3A_66 = tpu.memref_squeeze %dma_wait3A_65 : memref<1x128xi32, #tpu.memory_space<vmem>> -> memref<128xi32, #tpu.memory_space<vmem>>
      %dma_wait3A_67 = arith.constant 0 : i32
      %dma_wait3A_68 = arith.constant 0 : i32
      %dma_wait3A_69 = tpu.memref_slice %arg8[%dma_wait3A_67, %dma_wait3A_68] : memref<10240x16xf32, #tpu.memory_space<vmem_shared>> -> memref<10240x16xf32, #tpu.memory_space<vmem_shared>>
      tpu.wait_indirect_dma semaphore(%arg9 : memref<!tpu.dma_semaphore, #tpu.memory_space<semaphore_mem>>) src(%arg7 : memref<128x16xf32, #tpu.memory_space<vmem>>) dst(%dma_wait3A_69 : memref<10240x16xf32, #tpu.memory_space<vmem_shared>>)
    }
    %while3A_53 = arith.constant 1 : i32
    scf.for %while3A_62 = %while3A_51 to %while3A_47 step %while3A_53  : i32 {
      %mul3A_63 = arith.muli %while3A_62, %while3A_43 : i32
      %add3A_64 = arith.addi %while3A_44, %mul3A_63 : i32
      %dma_wait3A = arith.constant 0 : i32
      %dma_wait3A_65 = tpu.memref_slice %arg6[%add3A_64, %dma_wait3A] : memref<106x128xi32, #tpu.memory_space<vmem>> -> memref<1x128xi32, #tpu.memory_space<vmem>>
      %dma_wait3A_66 = tpu.memref_squeeze %dma_wait3A_65 : memref<1x128xi32, #tpu.memory_space<vmem>> -> memref<128xi32, #tpu.memory_space<vmem>>
      %dma_wait3A_67 = arith.constant 0 : i32
      %dma_wait3A_68 = arith.constant 0 : i32
      %dma_wait3A_69 = tpu.memref_slice %arg8[%dma_wait3A_67, %dma_wait3A_68] : memref<10240x16xf32, #tpu.memory_space<vmem_shared>> -> memref<10240x16xf32, #tpu.memory_space<vmem_shared>>
      tpu.wait_indirect_dma semaphore(%arg9 : memref<!tpu.dma_semaphore, #tpu.memory_space<semaphore_mem>>) src(%arg7 : memref<128x16xf32, #tpu.memory_space<vmem>>) dst(%dma_wait3A_69 : memref<10240x16xf32, #tpu.memory_space<vmem_shared>>)
    }
    %barrier3A_54 = arith.constant 0 : index
    tpu.barrier barrier_id(%barrier3A_54)
    %mul3A_55 = arith.constant 640 : i32
    %mul3A_56 = arith.muli %arg1, %mul3A_55 : i32
    %mul3A_57 = arith.constant 10240 : i32
    %mul3A_58 = arith.muli %arg0, %mul3A_57 : i32
    %mul3A_59 = arith.constant 640 : i32
    %mul3A_60 = arith.muli %arg1, %mul3A_59 : i32
    %add3A_61 = arith.addi %mul3A_58, %mul3A_60 : i32
    "tpu.region"() ({
      %run_scoped3A = tpu.sem_alloc : memref<!tpu.dma_semaphore, #tpu.memory_space<semaphore_mem>>
      %dma_start3A = arith.constant 0 : i32
      %dma_start3A_62 = tpu.memref_slice %arg5[%add3A_61, %dma_start3A] : memref<20480x16xf32, #tpu.memory_space<hbm>> -> memref<640x16xf32, #tpu.memory_space<hbm>>
      %dma_start3A_63 = arith.constant 0 : i32
      %dma_start3A_64 = tpu.memref_slice %arg8[%mul3A_56, %dma_start3A_63] : memref<10240x16xf32, #tpu.memory_space<vmem_shared>> -> memref<640x16xf32, #tpu.memory_space<vmem_shared>>
      tpu.enqueue_dma source(%dma_start3A_64 : memref<640x16xf32, #tpu.memory_space<vmem_shared>>) target(%dma_start3A_62 : memref<640x16xf32, #tpu.memory_space<hbm>>) target_semaphore(%run_scoped3A : memref<!tpu.dma_semaphore, #tpu.memory_space<semaphore_mem>>)
      %dma_wait3A = arith.constant 0 : i32
      %dma_wait3A_65 = tpu.memref_slice %arg5[%add3A_61, %dma_wait3A] : memref<20480x16xf32, #tpu.memory_space<hbm>> -> memref<640x16xf32, #tpu.memory_space<hbm>>
      %dma_wait3A_66 = arith.constant 0 : i32
      %dma_wait3A_67 = tpu.memref_slice %arg8[%mul3A_56, %dma_wait3A_66] : memref<10240x16xf32, #tpu.memory_space<vmem_shared>> -> memref<640x16xf32, #tpu.memory_space<vmem_shared>>
      tpu.wait_dma2 semaphore(%run_scoped3A : memref<!tpu.dma_semaphore, #tpu.memory_space<semaphore_mem>>) src(%dma_wait3A_67 : memref<640x16xf32, #tpu.memory_space<vmem_shared>>) dst(%dma_wait3A_65 : memref<640x16xf32, #tpu.memory_space<hbm>>)
      tpu.yield
    }) : () -> ()
    return
  }
}

#map = affine_map<(d0, d1) -> (0, 0)>
module attributes {stable_mosaic.version = 14 : i64} {
  func.func @spread_kernel(%arg0: i32, %arg1: i32, %arg2: memref<10240x64xf32, #tpu.memory_space<hbm>>, %arg3: memref<2560x128xi32, #tpu.memory_space<hbm>>, %arg4: memref<2560x128xi32, #tpu.memory_space<hbm>>, %arg5: memref<10240x64xf32, #tpu.memory_space<hbm>>, %arg6: memref<20480x64xf32, #tpu.memory_space<hbm>>, %arg7: memref<106x128xi32, #tpu.memory_space<vmem>>, %arg8: memref<106x128xi32, #tpu.memory_space<vmem>>, %arg9: memref<128x64xf32, #tpu.memory_space<vmem>>, %arg10: memref<128x64xf32, #tpu.memory_space<vmem>>, %arg11: memref<10240x64xf32, #tpu.memory_space<vmem_shared>>, %arg12: memref<!tpu.dma_semaphore, #tpu.memory_space<semaphore_mem>>, %arg13: memref<!tpu.dma_semaphore, #tpu.memory_space<semaphore_mem>>) attributes {dimension_semantics = [#tpu.dimension_semantics<core_parallel>, #tpu.dimension_semantics<subcore_parallel>], iteration_bounds = array<i64: 2, 16>, scalar_prefetch = 0 : i64, scratch_operands = 7 : i64, tpu.core_type = #tpu.core_type<sc_vector_subcore>, window_params = [{transform_indices = #map}, {transform_indices = #map}, {transform_indices = #map}, {transform_indices = #map}, {transform_indices = #map}]} {
    %mul3A = arith.constant 52 : i32
    %mul3A_0 = arith.muli %arg0, %mul3A : i32
    %sub3A = arith.constant 106 : i32
    %sub3A_1 = arith.subi %sub3A, %mul3A_0 : i32
    %mul3A_2 = arith.constant 16 : i32
    %mul3A_3 = arith.muli %arg0, %mul3A_2 : i32
    %mul3A_4 = arith.constant 106 : i32
    %mul3A_5 = arith.muli %mul3A_3, %mul3A_4 : i32
    %mul3A_6 = arith.muli %arg1, %sub3A_1 : i32
    %add3A = arith.addi %mul3A_5, %mul3A_6 : i32
    %eq3A = arith.constant 0 : i32
    %eq3A_7 = arith.cmpi eq, %arg0, %eq3A : i32
    %convert_element_type3A = arith.extui %eq3A_7 : i1 to i32
    %cond3A = arith.constant 0 : i32
    %cond3A_8 = arith.cmpi ne, %convert_element_type3A, %cond3A : i32
    scf.if %cond3A_8 {
      "tpu.region"() ({
        %run_scoped3A = tpu.sem_alloc : memref<!tpu.dma_semaphore, #tpu.memory_space<semaphore_mem>>
        %dma_start3A = arith.constant 0 : i32
        %dma_start3A_63 = arith.constant 0 : i32
        %dma_start3A_64 = tpu.memref_slice %arg7[%dma_start3A, %dma_start3A_63] : memref<106x128xi32, #tpu.memory_space<vmem>> -> memref<106x128xi32, #tpu.memory_space<vmem>>
        %dma_start3A_65 = arith.constant 0 : i32
        %dma_start3A_66 = tpu.memref_slice %arg3[%add3A, %dma_start3A_65] : memref<2560x128xi32, #tpu.memory_space<hbm>> -> memref<106x128xi32, #tpu.memory_space<hbm>>
        %dma_start3A_67 = arith.constant 0 : i32
        %dma_start3A_68 = arith.constant 0 : i32
        %dma_start3A_69 = tpu.memref_slice %arg7[%dma_start3A_67, %dma_start3A_68] : memref<106x128xi32, #tpu.memory_space<vmem>> -> memref<106x128xi32, #tpu.memory_space<vmem>>
        %dma_start3A_70 = arith.constant 0 : i32
        %dma_start3A_71 = tpu.memref_slice %arg3[%add3A, %dma_start3A_70] : memref<2560x128xi32, #tpu.memory_space<hbm>> -> memref<106x128xi32, #tpu.memory_space<hbm>>
        tpu.enqueue_dma source(%dma_start3A_71 : memref<106x128xi32, #tpu.memory_space<hbm>>) target(%dma_start3A_69 : memref<106x128xi32, #tpu.memory_space<vmem>>) target_semaphore(%run_scoped3A : memref<!tpu.dma_semaphore, #tpu.memory_space<semaphore_mem>>)
        %dma_wait3A = arith.constant 0 : i32
        %dma_wait3A_72 = arith.constant 0 : i32
        %dma_wait3A_73 = tpu.memref_slice %arg7[%dma_wait3A, %dma_wait3A_72] : memref<106x128xi32, #tpu.memory_space<vmem>> -> memref<106x128xi32, #tpu.memory_space<vmem>>
        %dma_wait3A_74 = arith.constant 0 : i32
        %dma_wait3A_75 = tpu.memref_slice %arg3[%add3A, %dma_wait3A_74] : memref<2560x128xi32, #tpu.memory_space<hbm>> -> memref<106x128xi32, #tpu.memory_space<hbm>>
        %dma_wait3A_76 = arith.constant 0 : i32
        %dma_wait3A_77 = arith.constant 0 : i32
        %dma_wait3A_78 = tpu.memref_slice %arg7[%dma_wait3A_76, %dma_wait3A_77] : memref<106x128xi32, #tpu.memory_space<vmem>> -> memref<106x128xi32, #tpu.memory_space<vmem>>
        %dma_wait3A_79 = arith.constant 0 : i32
        %dma_wait3A_80 = tpu.memref_slice %arg3[%add3A, %dma_wait3A_79] : memref<2560x128xi32, #tpu.memory_space<hbm>> -> memref<106x128xi32, #tpu.memory_space<hbm>>
        tpu.wait_dma2 semaphore(%run_scoped3A : memref<!tpu.dma_semaphore, #tpu.memory_space<semaphore_mem>>) src(%dma_wait3A_80 : memref<106x128xi32, #tpu.memory_space<hbm>>) dst(%dma_wait3A_78 : memref<106x128xi32, #tpu.memory_space<vmem>>)
        tpu.yield
      }) : () -> ()
      "tpu.region"() ({
        %run_scoped3A = tpu.sem_alloc : memref<!tpu.dma_semaphore, #tpu.memory_space<semaphore_mem>>
        %dma_start3A = arith.constant 0 : i32
        %dma_start3A_63 = arith.constant 0 : i32
        %dma_start3A_64 = tpu.memref_slice %arg8[%dma_start3A, %dma_start3A_63] : memref<106x128xi32, #tpu.memory_space<vmem>> -> memref<106x128xi32, #tpu.memory_space<vmem>>
        %dma_start3A_65 = arith.constant 0 : i32
        %dma_start3A_66 = tpu.memref_slice %arg4[%add3A, %dma_start3A_65] : memref<2560x128xi32, #tpu.memory_space<hbm>> -> memref<106x128xi32, #tpu.memory_space<hbm>>
        %dma_start3A_67 = arith.constant 0 : i32
        %dma_start3A_68 = arith.constant 0 : i32
        %dma_start3A_69 = tpu.memref_slice %arg8[%dma_start3A_67, %dma_start3A_68] : memref<106x128xi32, #tpu.memory_space<vmem>> -> memref<106x128xi32, #tpu.memory_space<vmem>>
        %dma_start3A_70 = arith.constant 0 : i32
        %dma_start3A_71 = tpu.memref_slice %arg4[%add3A, %dma_start3A_70] : memref<2560x128xi32, #tpu.memory_space<hbm>> -> memref<106x128xi32, #tpu.memory_space<hbm>>
        tpu.enqueue_dma source(%dma_start3A_71 : memref<106x128xi32, #tpu.memory_space<hbm>>) target(%dma_start3A_69 : memref<106x128xi32, #tpu.memory_space<vmem>>) target_semaphore(%run_scoped3A : memref<!tpu.dma_semaphore, #tpu.memory_space<semaphore_mem>>)
        %dma_wait3A = arith.constant 0 : i32
        %dma_wait3A_72 = arith.constant 0 : i32
        %dma_wait3A_73 = tpu.memref_slice %arg8[%dma_wait3A, %dma_wait3A_72] : memref<106x128xi32, #tpu.memory_space<vmem>> -> memref<106x128xi32, #tpu.memory_space<vmem>>
        %dma_wait3A_74 = arith.constant 0 : i32
        %dma_wait3A_75 = tpu.memref_slice %arg4[%add3A, %dma_wait3A_74] : memref<2560x128xi32, #tpu.memory_space<hbm>> -> memref<106x128xi32, #tpu.memory_space<hbm>>
        %dma_wait3A_76 = arith.constant 0 : i32
        %dma_wait3A_77 = arith.constant 0 : i32
        %dma_wait3A_78 = tpu.memref_slice %arg8[%dma_wait3A_76, %dma_wait3A_77] : memref<106x128xi32, #tpu.memory_space<vmem>> -> memref<106x128xi32, #tpu.memory_space<vmem>>
        %dma_wait3A_79 = arith.constant 0 : i32
        %dma_wait3A_80 = tpu.memref_slice %arg4[%add3A, %dma_wait3A_79] : memref<2560x128xi32, #tpu.memory_space<hbm>> -> memref<106x128xi32, #tpu.memory_space<hbm>>
        tpu.wait_dma2 semaphore(%run_scoped3A : memref<!tpu.dma_semaphore, #tpu.memory_space<semaphore_mem>>) src(%dma_wait3A_80 : memref<106x128xi32, #tpu.memory_space<hbm>>) dst(%dma_wait3A_78 : memref<106x128xi32, #tpu.memory_space<vmem>>)
        tpu.yield
      }) : () -> ()
    } else {
    }
    %eq3A_9 = arith.constant 1 : i32
    %eq3A_10 = arith.cmpi eq, %arg0, %eq3A_9 : i32
    %convert_element_type3A_11 = arith.extui %eq3A_10 : i1 to i32
    %cond3A_12 = arith.constant 0 : i32
    %cond3A_13 = arith.cmpi ne, %convert_element_type3A_11, %cond3A_12 : i32
    scf.if %cond3A_13 {
      "tpu.region"() ({
        %run_scoped3A = tpu.sem_alloc : memref<!tpu.dma_semaphore, #tpu.memory_space<semaphore_mem>>
        %dma_start3A = arith.constant 0 : i32
        %dma_start3A_63 = arith.constant 0 : i32
        %dma_start3A_64 = tpu.memref_slice %arg7[%dma_start3A, %dma_start3A_63] : memref<106x128xi32, #tpu.memory_space<vmem>> -> memref<54x128xi32, #tpu.memory_space<vmem>>
        %dma_start3A_65 = arith.constant 0 : i32
        %dma_start3A_66 = tpu.memref_slice %arg3[%add3A, %dma_start3A_65] : memref<2560x128xi32, #tpu.memory_space<hbm>> -> memref<54x128xi32, #tpu.memory_space<hbm>>
        %dma_start3A_67 = arith.constant 0 : i32
        %dma_start3A_68 = arith.constant 0 : i32
        %dma_start3A_69 = tpu.memref_slice %arg7[%dma_start3A_67, %dma_start3A_68] : memref<106x128xi32, #tpu.memory_space<vmem>> -> memref<54x128xi32, #tpu.memory_space<vmem>>
        %dma_start3A_70 = arith.constant 0 : i32
        %dma_start3A_71 = tpu.memref_slice %arg3[%add3A, %dma_start3A_70] : memref<2560x128xi32, #tpu.memory_space<hbm>> -> memref<54x128xi32, #tpu.memory_space<hbm>>
        tpu.enqueue_dma source(%dma_start3A_71 : memref<54x128xi32, #tpu.memory_space<hbm>>) target(%dma_start3A_69 : memref<54x128xi32, #tpu.memory_space<vmem>>) target_semaphore(%run_scoped3A : memref<!tpu.dma_semaphore, #tpu.memory_space<semaphore_mem>>)
        %dma_wait3A = arith.constant 0 : i32
        %dma_wait3A_72 = arith.constant 0 : i32
        %dma_wait3A_73 = tpu.memref_slice %arg7[%dma_wait3A, %dma_wait3A_72] : memref<106x128xi32, #tpu.memory_space<vmem>> -> memref<54x128xi32, #tpu.memory_space<vmem>>
        %dma_wait3A_74 = arith.constant 0 : i32
        %dma_wait3A_75 = tpu.memref_slice %arg3[%add3A, %dma_wait3A_74] : memref<2560x128xi32, #tpu.memory_space<hbm>> -> memref<54x128xi32, #tpu.memory_space<hbm>>
        %dma_wait3A_76 = arith.constant 0 : i32
        %dma_wait3A_77 = arith.constant 0 : i32
        %dma_wait3A_78 = tpu.memref_slice %arg7[%dma_wait3A_76, %dma_wait3A_77] : memref<106x128xi32, #tpu.memory_space<vmem>> -> memref<54x128xi32, #tpu.memory_space<vmem>>
        %dma_wait3A_79 = arith.constant 0 : i32
        %dma_wait3A_80 = tpu.memref_slice %arg3[%add3A, %dma_wait3A_79] : memref<2560x128xi32, #tpu.memory_space<hbm>> -> memref<54x128xi32, #tpu.memory_space<hbm>>
        tpu.wait_dma2 semaphore(%run_scoped3A : memref<!tpu.dma_semaphore, #tpu.memory_space<semaphore_mem>>) src(%dma_wait3A_80 : memref<54x128xi32, #tpu.memory_space<hbm>>) dst(%dma_wait3A_78 : memref<54x128xi32, #tpu.memory_space<vmem>>)
        tpu.yield
      }) : () -> ()
      "tpu.region"() ({
        %run_scoped3A = tpu.sem_alloc : memref<!tpu.dma_semaphore, #tpu.memory_space<semaphore_mem>>
        %dma_start3A = arith.constant 0 : i32
        %dma_start3A_63 = arith.constant 0 : i32
        %dma_start3A_64 = tpu.memref_slice %arg8[%dma_start3A, %dma_start3A_63] : memref<106x128xi32, #tpu.memory_space<vmem>> -> memref<54x128xi32, #tpu.memory_space<vmem>>
        %dma_start3A_65 = arith.constant 0 : i32
        %dma_start3A_66 = tpu.memref_slice %arg4[%add3A, %dma_start3A_65] : memref<2560x128xi32, #tpu.memory_space<hbm>> -> memref<54x128xi32, #tpu.memory_space<hbm>>
        %dma_start3A_67 = arith.constant 0 : i32
        %dma_start3A_68 = arith.constant 0 : i32
        %dma_start3A_69 = tpu.memref_slice %arg8[%dma_start3A_67, %dma_start3A_68] : memref<106x128xi32, #tpu.memory_space<vmem>> -> memref<54x128xi32, #tpu.memory_space<vmem>>
        %dma_start3A_70 = arith.constant 0 : i32
        %dma_start3A_71 = tpu.memref_slice %arg4[%add3A, %dma_start3A_70] : memref<2560x128xi32, #tpu.memory_space<hbm>> -> memref<54x128xi32, #tpu.memory_space<hbm>>
        tpu.enqueue_dma source(%dma_start3A_71 : memref<54x128xi32, #tpu.memory_space<hbm>>) target(%dma_start3A_69 : memref<54x128xi32, #tpu.memory_space<vmem>>) target_semaphore(%run_scoped3A : memref<!tpu.dma_semaphore, #tpu.memory_space<semaphore_mem>>)
        %dma_wait3A = arith.constant 0 : i32
        %dma_wait3A_72 = arith.constant 0 : i32
        %dma_wait3A_73 = tpu.memref_slice %arg8[%dma_wait3A, %dma_wait3A_72] : memref<106x128xi32, #tpu.memory_space<vmem>> -> memref<54x128xi32, #tpu.memory_space<vmem>>
        %dma_wait3A_74 = arith.constant 0 : i32
        %dma_wait3A_75 = tpu.memref_slice %arg4[%add3A, %dma_wait3A_74] : memref<2560x128xi32, #tpu.memory_space<hbm>> -> memref<54x128xi32, #tpu.memory_space<hbm>>
        %dma_wait3A_76 = arith.constant 0 : i32
        %dma_wait3A_77 = arith.constant 0 : i32
        %dma_wait3A_78 = tpu.memref_slice %arg8[%dma_wait3A_76, %dma_wait3A_77] : memref<106x128xi32, #tpu.memory_space<vmem>> -> memref<54x128xi32, #tpu.memory_space<vmem>>
        %dma_wait3A_79 = arith.constant 0 : i32
        %dma_wait3A_80 = tpu.memref_slice %arg4[%add3A, %dma_wait3A_79] : memref<2560x128xi32, #tpu.memory_space<hbm>> -> memref<54x128xi32, #tpu.memory_space<hbm>>
        tpu.wait_dma2 semaphore(%run_scoped3A : memref<!tpu.dma_semaphore, #tpu.memory_space<semaphore_mem>>) src(%dma_wait3A_80 : memref<54x128xi32, #tpu.memory_space<hbm>>) dst(%dma_wait3A_78 : memref<54x128xi32, #tpu.memory_space<vmem>>)
        tpu.yield
      }) : () -> ()
    } else {
    }
    %mul3A_14 = arith.constant 640 : i32
    %mul3A_15 = arith.muli %arg1, %mul3A_14 : i32
    %mul3A_16 = arith.constant 640 : i32
    %mul3A_17 = arith.muli %arg1, %mul3A_16 : i32
    "tpu.region"() ({
      %run_scoped3A = tpu.sem_alloc : memref<!tpu.dma_semaphore, #tpu.memory_space<semaphore_mem>>
      %dma_start3A = arith.constant 0 : i32
      %dma_start3A_63 = tpu.memref_slice %arg11[%mul3A_17, %dma_start3A] : memref<10240x64xf32, #tpu.memory_space<vmem_shared>> -> memref<640x64xf32, #tpu.memory_space<vmem_shared>>
      %dma_start3A_64 = arith.constant 0 : i32
      %dma_start3A_65 = tpu.memref_slice %arg5[%mul3A_15, %dma_start3A_64] : memref<10240x64xf32, #tpu.memory_space<hbm>> -> memref<640x64xf32, #tpu.memory_space<hbm>>
      tpu.enqueue_dma source(%dma_start3A_65 : memref<640x64xf32, #tpu.memory_space<hbm>>) target(%dma_start3A_63 : memref<640x64xf32, #tpu.memory_space<vmem_shared>>) target_semaphore(%run_scoped3A : memref<!tpu.dma_semaphore, #tpu.memory_space<semaphore_mem>>)
      %dma_wait3A = arith.constant 0 : i32
      %dma_wait3A_66 = tpu.memref_slice %arg11[%mul3A_17, %dma_wait3A] : memref<10240x64xf32, #tpu.memory_space<vmem_shared>> -> memref<640x64xf32, #tpu.memory_space<vmem_shared>>
      %dma_wait3A_67 = arith.constant 0 : i32
      %dma_wait3A_68 = tpu.memref_slice %arg5[%mul3A_15, %dma_wait3A_67] : memref<10240x64xf32, #tpu.memory_space<hbm>> -> memref<640x64xf32, #tpu.memory_space<hbm>>
      tpu.wait_dma2 semaphore(%run_scoped3A : memref<!tpu.dma_semaphore, #tpu.memory_space<semaphore_mem>>) src(%dma_wait3A_68 : memref<640x64xf32, #tpu.memory_space<hbm>>) dst(%dma_wait3A_66 : memref<640x64xf32, #tpu.memory_space<vmem_shared>>)
      tpu.yield
    }) : () -> ()
    %barrier3A = arith.constant 0 : index
    tpu.barrier barrier_id(%barrier3A)
    %jit3A = arith.constant 2 : i32
    %div3A = arith.divsi %sub3A_1, %jit3A : i32
    %sign3A = arith.constant 0 : i32
    %sign3A_18 = arith.cmpi sgt, %sub3A_1, %sign3A : i32
    %sign3A_19 = arith.extui %sign3A_18 : i1 to i32
    %sign3A_20 = arith.constant 0 : i32
    %sign3A_21 = arith.cmpi slt, %sub3A_1, %sign3A_20 : i32
    %sign3A_22 = arith.extui %sign3A_21 : i1 to i32
    %sign3A_23 = arith.subi %sign3A_19, %sign3A_22 : i32
    %sign3A_24 = arith.constant 0 : i32
    %sign3A_25 = arith.cmpi sgt, %jit3A, %sign3A_24 : i32
    %sign3A_26 = arith.extui %sign3A_25 : i1 to i32
    %sign3A_27 = arith.constant 0 : i32
    %sign3A_28 = arith.cmpi slt, %jit3A, %sign3A_27 : i32
    %sign3A_29 = arith.extui %sign3A_28 : i1 to i32
    %sign3A_30 = arith.subi %sign3A_26, %sign3A_29 : i32
    %ne3A = arith.cmpi ne, %sign3A_23, %sign3A_30 : i32
    %rem3A = arith.remsi %sub3A_1, %jit3A : i32
    %ne3A_31 = arith.constant 0 : i32
    %ne3A_32 = arith.cmpi ne, %rem3A, %ne3A_31 : i32
    %and3A = arith.andi %ne3A, %ne3A_32 : i1
    %sub3A_33 = arith.constant 1 : i32
    %sub3A_34 = arith.subi %div3A, %sub3A_33 : i32
    %select_n3A = arith.select %and3A, %sub3A_34, %div3A : i32
    %sub3A_35 = arith.constant 0 : i32
    %sub3A_36 = arith.subi %select_n3A, %sub3A_35 : i32
    %sub3A_37 = arith.constant 1 : i32
    %sub3A_38 = arith.constant 1 : i32
    %sub3A_39 = arith.subi %sub3A_37, %sub3A_38 : i32
    %add3A_40 = arith.addi %sub3A_36, %sub3A_39 : i32
    %div3A_41 = arith.constant 1 : i32
    %div3A_42 = arith.divsi %add3A_40, %div3A_41 : i32
    %while3A = arith.constant 1 : i32
    %while3A_43 = arith.constant 0 : i32
    %while3A_44 = arith.constant 0 : i32
    %while3A_45 = arith.subi %div3A_42, %while3A_44 : i32
    %while3A_46 = arith.addi %while3A_44, %while3A_45 : i32
    %while3A_47 = arith.constant 1 : i32
    %while3A_48 = arith.divsi %while3A_45, %while3A_47 : i32
    %while3A_49 = arith.muli %while3A_48, %while3A_47 : i32
    %while3A_50 = arith.addi %while3A_44, %while3A_49 : i32
    %while3A_51 = arith.constant 1 : i32
    scf.for %while3A_63 = %while3A_44 to %while3A_50 step %while3A_51  : i32 {
      %mul3A_64 = arith.muli %while3A_63, %while3A : i32
      %add3A_65 = arith.addi %while3A_43, %mul3A_64 : i32
      %mul3A_66 = arith.constant 2 : i32
      %mul3A_67 = arith.muli %mul3A_66, %add3A_65 : i32
      %dma_start3A = arith.constant 0 : i32
      %dma_start3A_68 = tpu.memref_slice %arg7[%mul3A_67, %dma_start3A] : memref<106x128xi32, #tpu.memory_space<vmem>> -> memref<1x128xi32, #tpu.memory_space<vmem>>
      %dma_start3A_69 = tpu.memref_squeeze %dma_start3A_68 : memref<1x128xi32, #tpu.memory_space<vmem>> -> memref<128xi32, #tpu.memory_space<vmem>>
      %dma_start3A_70 = arith.constant 0 : i32
      %dma_start3A_71 = arith.constant 0 : i32
      %dma_start3A_72 = tpu.memref_slice %arg2[%dma_start3A_70, %dma_start3A_71] : memref<10240x64xf32, #tpu.memory_space<hbm>> -> memref<10240x64xf32, #tpu.memory_space<hbm>>
      tpu.enqueue_indirect_dma source(%dma_start3A_72 : memref<10240x64xf32, #tpu.memory_space<hbm>>) target(%arg9 : memref<128x64xf32, #tpu.memory_space<vmem>>) offsets(%dma_start3A_69 : memref<128xi32, #tpu.memory_space<vmem>>) semaphore(%arg12 : memref<!tpu.dma_semaphore, #tpu.memory_space<semaphore_mem>>)
      %gt3A = arith.constant 0 : i32
      %gt3A_73 = arith.cmpi sgt, %add3A_65, %gt3A : i32
      %convert_element_type3A_74 = arith.extui %gt3A_73 : i1 to i32
      %cond3A_75 = arith.constant 0 : i32
      %cond3A_76 = arith.cmpi ne, %convert_element_type3A_74, %cond3A_75 : i32
      scf.if %cond3A_76 {
        %sub3A_96 = arith.constant 1 : i32
        %sub3A_97 = arith.subi %mul3A_67, %sub3A_96 : i32
        "tpu.region"() ({
          %run_scoped3A = tpu.sem_alloc : memref<!tpu.dma_semaphore, #tpu.memory_space<semaphore_mem>>
          %dma_start3A_98 = arith.constant 0 : i32
          %dma_start3A_99 = tpu.memref_slice %arg8[%sub3A_97, %dma_start3A_98] : memref<106x128xi32, #tpu.memory_space<vmem>> -> memref<1x128xi32, #tpu.memory_space<vmem>>
          %dma_start3A_100 = tpu.memref_squeeze %dma_start3A_99 : memref<1x128xi32, #tpu.memory_space<vmem>> -> memref<128xi32, #tpu.memory_space<vmem>>
          %dma_start3A_101 = arith.constant 0 : i32
          %dma_start3A_102 = arith.constant 0 : i32
          %dma_start3A_103 = tpu.memref_slice %arg11[%dma_start3A_101, %dma_start3A_102] : memref<10240x64xf32, #tpu.memory_space<vmem_shared>> -> memref<10240x64xf32, #tpu.memory_space<vmem_shared>>
          tpu.enqueue_indirect_dma source(%arg10 : memref<128x64xf32, #tpu.memory_space<vmem>>) target(%dma_start3A_103 : memref<10240x64xf32, #tpu.memory_space<vmem_shared>>) offsets(%dma_start3A_100 : memref<128xi32, #tpu.memory_space<vmem>>) semaphore(%run_scoped3A : memref<!tpu.dma_semaphore, #tpu.memory_space<semaphore_mem>>) {add = true}
          %dma_wait3A_104 = arith.constant 0 : i32
          %dma_wait3A_105 = tpu.memref_slice %arg8[%sub3A_97, %dma_wait3A_104] : memref<106x128xi32, #tpu.memory_space<vmem>> -> memref<1x128xi32, #tpu.memory_space<vmem>>
          %dma_wait3A_106 = tpu.memref_squeeze %dma_wait3A_105 : memref<1x128xi32, #tpu.memory_space<vmem>> -> memref<128xi32, #tpu.memory_space<vmem>>
          %dma_wait3A_107 = arith.constant 0 : i32
          %dma_wait3A_108 = arith.constant 0 : i32
          %dma_wait3A_109 = tpu.memref_slice %arg11[%dma_wait3A_107, %dma_wait3A_108] : memref<10240x64xf32, #tpu.memory_space<vmem_shared>> -> memref<10240x64xf32, #tpu.memory_space<vmem_shared>>
          tpu.wait_indirect_dma semaphore(%run_scoped3A : memref<!tpu.dma_semaphore, #tpu.memory_space<semaphore_mem>>) src(%arg10 : memref<128x64xf32, #tpu.memory_space<vmem>>) dst(%dma_wait3A_109 : memref<10240x64xf32, #tpu.memory_space<vmem_shared>>)
          tpu.yield
        }) : () -> ()
      } else {
      }
      %dma_wait3A = arith.constant 0 : i32
      %dma_wait3A_77 = tpu.memref_slice %arg7[%mul3A_67, %dma_wait3A] : memref<106x128xi32, #tpu.memory_space<vmem>> -> memref<1x128xi32, #tpu.memory_space<vmem>>
      %dma_wait3A_78 = tpu.memref_squeeze %dma_wait3A_77 : memref<1x128xi32, #tpu.memory_space<vmem>> -> memref<128xi32, #tpu.memory_space<vmem>>
      %dma_wait3A_79 = arith.constant 0 : i32
      %dma_wait3A_80 = arith.constant 0 : i32
      %dma_wait3A_81 = tpu.memref_slice %arg2[%dma_wait3A_79, %dma_wait3A_80] : memref<10240x64xf32, #tpu.memory_space<hbm>> -> memref<10240x64xf32, #tpu.memory_space<hbm>>
      tpu.wait_indirect_dma semaphore(%arg12 : memref<!tpu.dma_semaphore, #tpu.memory_space<semaphore_mem>>) src(%dma_wait3A_81 : memref<10240x64xf32, #tpu.memory_space<hbm>>) dst(%arg9 : memref<128x64xf32, #tpu.memory_space<vmem>>)
      %add3A_82 = arith.constant 1 : i32
      %add3A_83 = arith.addi %mul3A_67, %add3A_82 : i32
      %dma_start3A_84 = arith.constant 0 : i32
      %dma_start3A_85 = tpu.memref_slice %arg7[%add3A_83, %dma_start3A_84] : memref<106x128xi32, #tpu.memory_space<vmem>> -> memref<1x128xi32, #tpu.memory_space<vmem>>
      %dma_start3A_86 = tpu.memref_squeeze %dma_start3A_85 : memref<1x128xi32, #tpu.memory_space<vmem>> -> memref<128xi32, #tpu.memory_space<vmem>>
      %dma_start3A_87 = arith.constant 0 : i32
      %dma_start3A_88 = arith.constant 0 : i32
      %dma_start3A_89 = tpu.memref_slice %arg2[%dma_start3A_87, %dma_start3A_88] : memref<10240x64xf32, #tpu.memory_space<hbm>> -> memref<10240x64xf32, #tpu.memory_space<hbm>>
      tpu.enqueue_indirect_dma source(%dma_start3A_89 : memref<10240x64xf32, #tpu.memory_space<hbm>>) target(%arg10 : memref<128x64xf32, #tpu.memory_space<vmem>>) offsets(%dma_start3A_86 : memref<128xi32, #tpu.memory_space<vmem>>) semaphore(%arg13 : memref<!tpu.dma_semaphore, #tpu.memory_space<semaphore_mem>>)
      "tpu.region"() ({
        %run_scoped3A = tpu.sem_alloc : memref<!tpu.dma_semaphore, #tpu.memory_space<semaphore_mem>>
        %dma_start3A_96 = arith.constant 0 : i32
        %dma_start3A_97 = tpu.memref_slice %arg8[%mul3A_67, %dma_start3A_96] : memref<106x128xi32, #tpu.memory_space<vmem>> -> memref<1x128xi32, #tpu.memory_space<vmem>>
        %dma_start3A_98 = tpu.memref_squeeze %dma_start3A_97 : memref<1x128xi32, #tpu.memory_space<vmem>> -> memref<128xi32, #tpu.memory_space<vmem>>
        %dma_start3A_99 = arith.constant 0 : i32
        %dma_start3A_100 = arith.constant 0 : i32
        %dma_start3A_101 = tpu.memref_slice %arg11[%dma_start3A_99, %dma_start3A_100] : memref<10240x64xf32, #tpu.memory_space<vmem_shared>> -> memref<10240x64xf32, #tpu.memory_space<vmem_shared>>
        tpu.enqueue_indirect_dma source(%arg9 : memref<128x64xf32, #tpu.memory_space<vmem>>) target(%dma_start3A_101 : memref<10240x64xf32, #tpu.memory_space<vmem_shared>>) offsets(%dma_start3A_98 : memref<128xi32, #tpu.memory_space<vmem>>) semaphore(%run_scoped3A : memref<!tpu.dma_semaphore, #tpu.memory_space<semaphore_mem>>) {add = true}
        %dma_wait3A_102 = arith.constant 0 : i32
        %dma_wait3A_103 = tpu.memref_slice %arg8[%mul3A_67, %dma_wait3A_102] : memref<106x128xi32, #tpu.memory_space<vmem>> -> memref<1x128xi32, #tpu.memory_space<vmem>>
        %dma_wait3A_104 = tpu.memref_squeeze %dma_wait3A_103 : memref<1x128xi32, #tpu.memory_space<vmem>> -> memref<128xi32, #tpu.memory_space<vmem>>
        %dma_wait3A_105 = arith.constant 0 : i32
        %dma_wait3A_106 = arith.constant 0 : i32
        %dma_wait3A_107 = tpu.memref_slice %arg11[%dma_wait3A_105, %dma_wait3A_106] : memref<10240x64xf32, #tpu.memory_space<vmem_shared>> -> memref<10240x64xf32, #tpu.memory_space<vmem_shared>>
        tpu.wait_indirect_dma semaphore(%run_scoped3A : memref<!tpu.dma_semaphore, #tpu.memory_space<semaphore_mem>>) src(%arg9 : memref<128x64xf32, #tpu.memory_space<vmem>>) dst(%dma_wait3A_107 : memref<10240x64xf32, #tpu.memory_space<vmem_shared>>)
        tpu.yield
      }) : () -> ()
      %dma_wait3A_90 = arith.constant 0 : i32
      %dma_wait3A_91 = tpu.memref_slice %arg7[%add3A_83, %dma_wait3A_90] : memref<106x128xi32, #tpu.memory_space<vmem>> -> memref<1x128xi32, #tpu.memory_space<vmem>>
      %dma_wait3A_92 = tpu.memref_squeeze %dma_wait3A_91 : memref<1x128xi32, #tpu.memory_space<vmem>> -> memref<128xi32, #tpu.memory_space<vmem>>
      %dma_wait3A_93 = arith.constant 0 : i32
      %dma_wait3A_94 = arith.constant 0 : i32
      %dma_wait3A_95 = tpu.memref_slice %arg2[%dma_wait3A_93, %dma_wait3A_94] : memref<10240x64xf32, #tpu.memory_space<hbm>> -> memref<10240x64xf32, #tpu.memory_space<hbm>>
      tpu.wait_indirect_dma semaphore(%arg13 : memref<!tpu.dma_semaphore, #tpu.memory_space<semaphore_mem>>) src(%dma_wait3A_95 : memref<10240x64xf32, #tpu.memory_space<hbm>>) dst(%arg10 : memref<128x64xf32, #tpu.memory_space<vmem>>)
    }
    %while3A_52 = arith.constant 1 : i32
    scf.for %while3A_63 = %while3A_50 to %while3A_46 step %while3A_52  : i32 {
      %mul3A_64 = arith.muli %while3A_63, %while3A : i32
      %add3A_65 = arith.addi %while3A_43, %mul3A_64 : i32
      %mul3A_66 = arith.constant 2 : i32
      %mul3A_67 = arith.muli %mul3A_66, %add3A_65 : i32
      %dma_start3A = arith.constant 0 : i32
      %dma_start3A_68 = tpu.memref_slice %arg7[%mul3A_67, %dma_start3A] : memref<106x128xi32, #tpu.memory_space<vmem>> -> memref<1x128xi32, #tpu.memory_space<vmem>>
      %dma_start3A_69 = tpu.memref_squeeze %dma_start3A_68 : memref<1x128xi32, #tpu.memory_space<vmem>> -> memref<128xi32, #tpu.memory_space<vmem>>
      %dma_start3A_70 = arith.constant 0 : i32
      %dma_start3A_71 = arith.constant 0 : i32
      %dma_start3A_72 = tpu.memref_slice %arg2[%dma_start3A_70, %dma_start3A_71] : memref<10240x64xf32, #tpu.memory_space<hbm>> -> memref<10240x64xf32, #tpu.memory_space<hbm>>
      tpu.enqueue_indirect_dma source(%dma_start3A_72 : memref<10240x64xf32, #tpu.memory_space<hbm>>) target(%arg9 : memref<128x64xf32, #tpu.memory_space<vmem>>) offsets(%dma_start3A_69 : memref<128xi32, #tpu.memory_space<vmem>>) semaphore(%arg12 : memref<!tpu.dma_semaphore, #tpu.memory_space<semaphore_mem>>)
      %gt3A = arith.constant 0 : i32
      %gt3A_73 = arith.cmpi sgt, %add3A_65, %gt3A : i32
      %convert_element_type3A_74 = arith.extui %gt3A_73 : i1 to i32
      %cond3A_75 = arith.constant 0 : i32
      %cond3A_76 = arith.cmpi ne, %convert_element_type3A_74, %cond3A_75 : i32
      scf.if %cond3A_76 {
        %sub3A_96 = arith.constant 1 : i32
        %sub3A_97 = arith.subi %mul3A_67, %sub3A_96 : i32
        "tpu.region"() ({
          %run_scoped3A = tpu.sem_alloc : memref<!tpu.dma_semaphore, #tpu.memory_space<semaphore_mem>>
          %dma_start3A_98 = arith.constant 0 : i32
          %dma_start3A_99 = tpu.memref_slice %arg8[%sub3A_97, %dma_start3A_98] : memref<106x128xi32, #tpu.memory_space<vmem>> -> memref<1x128xi32, #tpu.memory_space<vmem>>
          %dma_start3A_100 = tpu.memref_squeeze %dma_start3A_99 : memref<1x128xi32, #tpu.memory_space<vmem>> -> memref<128xi32, #tpu.memory_space<vmem>>
          %dma_start3A_101 = arith.constant 0 : i32
          %dma_start3A_102 = arith.constant 0 : i32
          %dma_start3A_103 = tpu.memref_slice %arg11[%dma_start3A_101, %dma_start3A_102] : memref<10240x64xf32, #tpu.memory_space<vmem_shared>> -> memref<10240x64xf32, #tpu.memory_space<vmem_shared>>
          tpu.enqueue_indirect_dma source(%arg10 : memref<128x64xf32, #tpu.memory_space<vmem>>) target(%dma_start3A_103 : memref<10240x64xf32, #tpu.memory_space<vmem_shared>>) offsets(%dma_start3A_100 : memref<128xi32, #tpu.memory_space<vmem>>) semaphore(%run_scoped3A : memref<!tpu.dma_semaphore, #tpu.memory_space<semaphore_mem>>) {add = true}
          %dma_wait3A_104 = arith.constant 0 : i32
          %dma_wait3A_105 = tpu.memref_slice %arg8[%sub3A_97, %dma_wait3A_104] : memref<106x128xi32, #tpu.memory_space<vmem>> -> memref<1x128xi32, #tpu.memory_space<vmem>>
          %dma_wait3A_106 = tpu.memref_squeeze %dma_wait3A_105 : memref<1x128xi32, #tpu.memory_space<vmem>> -> memref<128xi32, #tpu.memory_space<vmem>>
          %dma_wait3A_107 = arith.constant 0 : i32
          %dma_wait3A_108 = arith.constant 0 : i32
          %dma_wait3A_109 = tpu.memref_slice %arg11[%dma_wait3A_107, %dma_wait3A_108] : memref<10240x64xf32, #tpu.memory_space<vmem_shared>> -> memref<10240x64xf32, #tpu.memory_space<vmem_shared>>
          tpu.wait_indirect_dma semaphore(%run_scoped3A : memref<!tpu.dma_semaphore, #tpu.memory_space<semaphore_mem>>) src(%arg10 : memref<128x64xf32, #tpu.memory_space<vmem>>) dst(%dma_wait3A_109 : memref<10240x64xf32, #tpu.memory_space<vmem_shared>>)
          tpu.yield
        }) : () -> ()
      } else {
      }
      %dma_wait3A = arith.constant 0 : i32
      %dma_wait3A_77 = tpu.memref_slice %arg7[%mul3A_67, %dma_wait3A] : memref<106x128xi32, #tpu.memory_space<vmem>> -> memref<1x128xi32, #tpu.memory_space<vmem>>
      %dma_wait3A_78 = tpu.memref_squeeze %dma_wait3A_77 : memref<1x128xi32, #tpu.memory_space<vmem>> -> memref<128xi32, #tpu.memory_space<vmem>>
      %dma_wait3A_79 = arith.constant 0 : i32
      %dma_wait3A_80 = arith.constant 0 : i32
      %dma_wait3A_81 = tpu.memref_slice %arg2[%dma_wait3A_79, %dma_wait3A_80] : memref<10240x64xf32, #tpu.memory_space<hbm>> -> memref<10240x64xf32, #tpu.memory_space<hbm>>
      tpu.wait_indirect_dma semaphore(%arg12 : memref<!tpu.dma_semaphore, #tpu.memory_space<semaphore_mem>>) src(%dma_wait3A_81 : memref<10240x64xf32, #tpu.memory_space<hbm>>) dst(%arg9 : memref<128x64xf32, #tpu.memory_space<vmem>>)
      %add3A_82 = arith.constant 1 : i32
      %add3A_83 = arith.addi %mul3A_67, %add3A_82 : i32
      %dma_start3A_84 = arith.constant 0 : i32
      %dma_start3A_85 = tpu.memref_slice %arg7[%add3A_83, %dma_start3A_84] : memref<106x128xi32, #tpu.memory_space<vmem>> -> memref<1x128xi32, #tpu.memory_space<vmem>>
      %dma_start3A_86 = tpu.memref_squeeze %dma_start3A_85 : memref<1x128xi32, #tpu.memory_space<vmem>> -> memref<128xi32, #tpu.memory_space<vmem>>
      %dma_start3A_87 = arith.constant 0 : i32
      %dma_start3A_88 = arith.constant 0 : i32
      %dma_start3A_89 = tpu.memref_slice %arg2[%dma_start3A_87, %dma_start3A_88] : memref<10240x64xf32, #tpu.memory_space<hbm>> -> memref<10240x64xf32, #tpu.memory_space<hbm>>
      tpu.enqueue_indirect_dma source(%dma_start3A_89 : memref<10240x64xf32, #tpu.memory_space<hbm>>) target(%arg10 : memref<128x64xf32, #tpu.memory_space<vmem>>) offsets(%dma_start3A_86 : memref<128xi32, #tpu.memory_space<vmem>>) semaphore(%arg13 : memref<!tpu.dma_semaphore, #tpu.memory_space<semaphore_mem>>)
      "tpu.region"() ({
        %run_scoped3A = tpu.sem_alloc : memref<!tpu.dma_semaphore, #tpu.memory_space<semaphore_mem>>
        %dma_start3A_96 = arith.constant 0 : i32
        %dma_start3A_97 = tpu.memref_slice %arg8[%mul3A_67, %dma_start3A_96] : memref<106x128xi32, #tpu.memory_space<vmem>> -> memref<1x128xi32, #tpu.memory_space<vmem>>
        %dma_start3A_98 = tpu.memref_squeeze %dma_start3A_97 : memref<1x128xi32, #tpu.memory_space<vmem>> -> memref<128xi32, #tpu.memory_space<vmem>>
        %dma_start3A_99 = arith.constant 0 : i32
        %dma_start3A_100 = arith.constant 0 : i32
        %dma_start3A_101 = tpu.memref_slice %arg11[%dma_start3A_99, %dma_start3A_100] : memref<10240x64xf32, #tpu.memory_space<vmem_shared>> -> memref<10240x64xf32, #tpu.memory_space<vmem_shared>>
        tpu.enqueue_indirect_dma source(%arg9 : memref<128x64xf32, #tpu.memory_space<vmem>>) target(%dma_start3A_101 : memref<10240x64xf32, #tpu.memory_space<vmem_shared>>) offsets(%dma_start3A_98 : memref<128xi32, #tpu.memory_space<vmem>>) semaphore(%run_scoped3A : memref<!tpu.dma_semaphore, #tpu.memory_space<semaphore_mem>>) {add = true}
        %dma_wait3A_102 = arith.constant 0 : i32
        %dma_wait3A_103 = tpu.memref_slice %arg8[%mul3A_67, %dma_wait3A_102] : memref<106x128xi32, #tpu.memory_space<vmem>> -> memref<1x128xi32, #tpu.memory_space<vmem>>
        %dma_wait3A_104 = tpu.memref_squeeze %dma_wait3A_103 : memref<1x128xi32, #tpu.memory_space<vmem>> -> memref<128xi32, #tpu.memory_space<vmem>>
        %dma_wait3A_105 = arith.constant 0 : i32
        %dma_wait3A_106 = arith.constant 0 : i32
        %dma_wait3A_107 = tpu.memref_slice %arg11[%dma_wait3A_105, %dma_wait3A_106] : memref<10240x64xf32, #tpu.memory_space<vmem_shared>> -> memref<10240x64xf32, #tpu.memory_space<vmem_shared>>
        tpu.wait_indirect_dma semaphore(%run_scoped3A : memref<!tpu.dma_semaphore, #tpu.memory_space<semaphore_mem>>) src(%arg9 : memref<128x64xf32, #tpu.memory_space<vmem>>) dst(%dma_wait3A_107 : memref<10240x64xf32, #tpu.memory_space<vmem_shared>>)
        tpu.yield
      }) : () -> ()
      %dma_wait3A_90 = arith.constant 0 : i32
      %dma_wait3A_91 = tpu.memref_slice %arg7[%add3A_83, %dma_wait3A_90] : memref<106x128xi32, #tpu.memory_space<vmem>> -> memref<1x128xi32, #tpu.memory_space<vmem>>
      %dma_wait3A_92 = tpu.memref_squeeze %dma_wait3A_91 : memref<1x128xi32, #tpu.memory_space<vmem>> -> memref<128xi32, #tpu.memory_space<vmem>>
      %dma_wait3A_93 = arith.constant 0 : i32
      %dma_wait3A_94 = arith.constant 0 : i32
      %dma_wait3A_95 = tpu.memref_slice %arg2[%dma_wait3A_93, %dma_wait3A_94] : memref<10240x64xf32, #tpu.memory_space<hbm>> -> memref<10240x64xf32, #tpu.memory_space<hbm>>
      tpu.wait_indirect_dma semaphore(%arg13 : memref<!tpu.dma_semaphore, #tpu.memory_space<semaphore_mem>>) src(%dma_wait3A_95 : memref<10240x64xf32, #tpu.memory_space<hbm>>) dst(%arg10 : memref<128x64xf32, #tpu.memory_space<vmem>>)
    }
    %sub3A_53 = arith.constant 1 : i32
    %sub3A_54 = arith.subi %sub3A_1, %sub3A_53 : i32
    "tpu.region"() ({
      %run_scoped3A = tpu.sem_alloc : memref<!tpu.dma_semaphore, #tpu.memory_space<semaphore_mem>>
      %dma_start3A = arith.constant 0 : i32
      %dma_start3A_63 = tpu.memref_slice %arg8[%sub3A_54, %dma_start3A] : memref<106x128xi32, #tpu.memory_space<vmem>> -> memref<1x128xi32, #tpu.memory_space<vmem>>
      %dma_start3A_64 = tpu.memref_squeeze %dma_start3A_63 : memref<1x128xi32, #tpu.memory_space<vmem>> -> memref<128xi32, #tpu.memory_space<vmem>>
      %dma_start3A_65 = arith.constant 0 : i32
      %dma_start3A_66 = arith.constant 0 : i32
      %dma_start3A_67 = tpu.memref_slice %arg11[%dma_start3A_65, %dma_start3A_66] : memref<10240x64xf32, #tpu.memory_space<vmem_shared>> -> memref<10240x64xf32, #tpu.memory_space<vmem_shared>>
      tpu.enqueue_indirect_dma source(%arg10 : memref<128x64xf32, #tpu.memory_space<vmem>>) target(%dma_start3A_67 : memref<10240x64xf32, #tpu.memory_space<vmem_shared>>) offsets(%dma_start3A_64 : memref<128xi32, #tpu.memory_space<vmem>>) semaphore(%run_scoped3A : memref<!tpu.dma_semaphore, #tpu.memory_space<semaphore_mem>>) {add = true}
      %dma_wait3A = arith.constant 0 : i32
      %dma_wait3A_68 = tpu.memref_slice %arg8[%sub3A_54, %dma_wait3A] : memref<106x128xi32, #tpu.memory_space<vmem>> -> memref<1x128xi32, #tpu.memory_space<vmem>>
      %dma_wait3A_69 = tpu.memref_squeeze %dma_wait3A_68 : memref<1x128xi32, #tpu.memory_space<vmem>> -> memref<128xi32, #tpu.memory_space<vmem>>
      %dma_wait3A_70 = arith.constant 0 : i32
      %dma_wait3A_71 = arith.constant 0 : i32
      %dma_wait3A_72 = tpu.memref_slice %arg11[%dma_wait3A_70, %dma_wait3A_71] : memref<10240x64xf32, #tpu.memory_space<vmem_shared>> -> memref<10240x64xf32, #tpu.memory_space<vmem_shared>>
      tpu.wait_indirect_dma semaphore(%run_scoped3A : memref<!tpu.dma_semaphore, #tpu.memory_space<semaphore_mem>>) src(%arg10 : memref<128x64xf32, #tpu.memory_space<vmem>>) dst(%dma_wait3A_72 : memref<10240x64xf32, #tpu.memory_space<vmem_shared>>)
      tpu.yield
    }) : () -> ()
    %barrier3A_55 = arith.constant 0 : index
    tpu.barrier barrier_id(%barrier3A_55)
    %mul3A_56 = arith.constant 640 : i32
    %mul3A_57 = arith.muli %arg1, %mul3A_56 : i32
    %mul3A_58 = arith.constant 10240 : i32
    %mul3A_59 = arith.muli %arg0, %mul3A_58 : i32
    %mul3A_60 = arith.constant 640 : i32
    %mul3A_61 = arith.muli %arg1, %mul3A_60 : i32
    %add3A_62 = arith.addi %mul3A_59, %mul3A_61 : i32
    "tpu.region"() ({
      %run_scoped3A = tpu.sem_alloc : memref<!tpu.dma_semaphore, #tpu.memory_space<semaphore_mem>>
      %dma_start3A = arith.constant 0 : i32
      %dma_start3A_63 = tpu.memref_slice %arg6[%add3A_62, %dma_start3A] : memref<20480x64xf32, #tpu.memory_space<hbm>> -> memref<640x64xf32, #tpu.memory_space<hbm>>
      %dma_start3A_64 = arith.constant 0 : i32
      %dma_start3A_65 = tpu.memref_slice %arg11[%mul3A_57, %dma_start3A_64] : memref<10240x64xf32, #tpu.memory_space<vmem_shared>> -> memref<640x64xf32, #tpu.memory_space<vmem_shared>>
      tpu.enqueue_dma source(%dma_start3A_65 : memref<640x64xf32, #tpu.memory_space<vmem_shared>>) target(%dma_start3A_63 : memref<640x64xf32, #tpu.memory_space<hbm>>) target_semaphore(%run_scoped3A : memref<!tpu.dma_semaphore, #tpu.memory_space<semaphore_mem>>)
      %dma_wait3A = arith.constant 0 : i32
      %dma_wait3A_66 = tpu.memref_slice %arg6[%add3A_62, %dma_wait3A] : memref<20480x64xf32, #tpu.memory_space<hbm>> -> memref<640x64xf32, #tpu.memory_space<hbm>>
      %dma_wait3A_67 = arith.constant 0 : i32
      %dma_wait3A_68 = tpu.memref_slice %arg11[%mul3A_57, %dma_wait3A_67] : memref<10240x64xf32, #tpu.memory_space<vmem_shared>> -> memref<640x64xf32, #tpu.memory_space<vmem_shared>>
      tpu.wait_dma2 semaphore(%run_scoped3A : memref<!tpu.dma_semaphore, #tpu.memory_space<semaphore_mem>>) src(%dma_wait3A_68 : memref<640x64xf32, #tpu.memory_space<vmem_shared>>) dst(%dma_wait3A_66 : memref<640x64xf32, #tpu.memory_space<hbm>>)
      tpu.yield
    }) : () -> ()
    return
  }
}

module attributes {stable_mosaic.version = 14 : i64} {
  func.func @_m0_body(%arg0: memref<10240x128xf32, #tpu.memory_space<vmem>>, %arg1: memref<128x64xf32, #tpu.memory_space<vmem>>, %arg2: memref<2x10240x16xf32, #tpu.memory_space<vmem>>, %arg3: memref<10240x64xf32, #tpu.memory_space<vmem>>) attributes {dimension_semantics = [], scalar_prefetch = 0 : i64, scratch_operands = 0 : i64, tpu.core_type = #tpu.core_type<tc>} {
    %get3A = arith.constant 0 : index
    %get3A_0 = arith.constant 0 : index
    %get3A_1 = arith.constant 0 : index
    %get3A_2 = vector.load %arg2[%get3A, %get3A_0, %get3A_1] : memref<2x10240x16xf32, #tpu.memory_space<vmem>>, vector<1x10240x1xf32>
    %get3A_3 = vector.shape_cast %get3A_2 : vector<1x10240x1xf32> to vector<10240x1xf32>
    %get3A_4 = arith.constant 1 : index
    %get3A_5 = arith.constant 0 : index
    %get3A_6 = arith.constant 0 : index
    %get3A_7 = vector.load %arg2[%get3A_4, %get3A_5, %get3A_6] : memref<2x10240x16xf32, #tpu.memory_space<vmem>>, vector<1x10240x1xf32>
    %get3A_8 = vector.shape_cast %get3A_7 : vector<1x10240x1xf32> to vector<10240x1xf32>
    %add3A = arith.addf %get3A_3, %get3A_8 : vector<10240x1xf32>
    %add3A_9 = arith.constant 1.000000e+00 : f32
    %add3A_10 = vector.broadcast %add3A_9 : f32 to vector<10240x1xf32>
    %add3A_11 = arith.addf %add3A, %add3A_10 : vector<10240x1xf32>
    %rsqrt3A = math.rsqrt %add3A_11 : vector<10240x1xf32>
    %get3A_12 = arith.constant 0 : index
    %get3A_13 = arith.constant 0 : index
    %get3A_14 = vector.load %arg0[%get3A_12, %get3A_13] : memref<10240x128xf32, #tpu.memory_space<vmem>>, vector<10240x128xf32>
    %get3A_15 = arith.constant 0 : index
    %get3A_16 = arith.constant 0 : index
    %get3A_17 = vector.load %arg1[%get3A_15, %get3A_16] : memref<128x64xf32, #tpu.memory_space<vmem>>, vector<128x64xf32>
    %dot_general3A = arith.constant dense<0.000000e+00> : vector<10240x64xf32>
    %dot_general3A_18 = tpu.matmul %get3A_14, %get3A_17, %dot_general3A {dimension_numbers = #tpu.dot_dimension_numbers<[1], [0], [0], [1], [0, 0, 1, 1], [], []>, transpose_lhs_hint = false} : vector<10240x128xf32>, vector<128x64xf32>, vector<10240x64xf32> -> vector<10240x64xf32>
    %mul3A = vector.broadcast %rsqrt3A : vector<10240x1xf32> to vector<10240x64xf32>
    %mul3A_19 = arith.mulf %dot_general3A_18, %mul3A : vector<10240x64xf32>
    %swap3A = arith.constant 0 : index
    %swap3A_20 = arith.constant 0 : index
    %swap3A_21 = vector.load %arg3[%swap3A, %swap3A_20] : memref<10240x64xf32, #tpu.memory_space<vmem>>, vector<10240x64xf32>
    tpu.vector_store %arg3[%swap3A, %swap3A_20], %mul3A_19 {strides = array<i32>} : memref<10240x64xf32, #tpu.memory_space<vmem>>, vector<10240x64xf32>,
    return
  }
}

module attributes {stable_mosaic.version = 14 : i64} {
  func.func @_m1_body(%arg0: memref<2x10240x64xf32, #tpu.memory_space<vmem>>, %arg1: memref<10240x64xf32, #tpu.memory_space<vmem>>, %arg2: memref<2x10240x16xf32, #tpu.memory_space<vmem>>, %arg3: memref<64xf32, #tpu.memory_space<vmem>>, %arg4: memref<64xf32, #tpu.memory_space<vmem>>, %arg5: memref<64xf32, #tpu.memory_space<vmem>>, %arg6: memref<64x64xf32, #tpu.memory_space<vmem>>, %arg7: memref<10240x64xf32, #tpu.memory_space<vmem>>) attributes {dimension_semantics = [], scalar_prefetch = 0 : i64, scratch_operands = 0 : i64, tpu.core_type = #tpu.core_type<tc>} {
    %get3A = arith.constant 0 : index
    %get3A_0 = arith.constant 0 : index
    %get3A_1 = arith.constant 0 : index
    %get3A_2 = vector.load %arg2[%get3A, %get3A_0, %get3A_1] : memref<2x10240x16xf32, #tpu.memory_space<vmem>>, vector<1x10240x1xf32>
    %get3A_3 = vector.shape_cast %get3A_2 : vector<1x10240x1xf32> to vector<10240x1xf32>
    %get3A_4 = arith.constant 1 : index
    %get3A_5 = arith.constant 0 : index
    %get3A_6 = arith.constant 0 : index
    %get3A_7 = vector.load %arg2[%get3A_4, %get3A_5, %get3A_6] : memref<2x10240x16xf32, #tpu.memory_space<vmem>>, vector<1x10240x1xf32>
    %get3A_8 = vector.shape_cast %get3A_7 : vector<1x10240x1xf32> to vector<10240x1xf32>
    %add3A = arith.addf %get3A_3, %get3A_8 : vector<10240x1xf32>
    %add3A_9 = arith.constant 1.000000e+00 : f32
    %add3A_10 = vector.broadcast %add3A_9 : f32 to vector<10240x1xf32>
    %add3A_11 = arith.addf %add3A, %add3A_10 : vector<10240x1xf32>
    %rsqrt3A = math.rsqrt %add3A_11 : vector<10240x1xf32>
    %get3A_12 = arith.constant 0 : index
    %get3A_13 = arith.constant 0 : index
    %get3A_14 = arith.constant 0 : index
    %get3A_15 = vector.load %arg0[%get3A_12, %get3A_13, %get3A_14] : memref<2x10240x64xf32, #tpu.memory_space<vmem>>, vector<1x10240x64xf32>
    %get3A_16 = vector.shape_cast %get3A_15 : vector<1x10240x64xf32> to vector<10240x64xf32>
    %get3A_17 = arith.constant 1 : index
    %get3A_18 = arith.constant 0 : index
    %get3A_19 = arith.constant 0 : index
    %get3A_20 = vector.load %arg0[%get3A_17, %get3A_18, %get3A_19] : memref<2x10240x64xf32, #tpu.memory_space<vmem>>, vector<1x10240x64xf32>
    %get3A_21 = vector.shape_cast %get3A_20 : vector<1x10240x64xf32> to vector<10240x64xf32>
    %add3A_22 = arith.addf %get3A_16, %get3A_21 : vector<10240x64xf32>
    %get3A_23 = arith.constant 0 : index
    %get3A_24 = arith.constant 0 : index
    %get3A_25 = vector.load %arg1[%get3A_23, %get3A_24] : memref<10240x64xf32, #tpu.memory_space<vmem>>, vector<10240x64xf32>
    %add3A_26 = arith.addf %add3A_22, %get3A_25 : vector<10240x64xf32>
    %mul3A = vector.broadcast %rsqrt3A : vector<10240x1xf32> to vector<10240x64xf32>
    %mul3A_27 = arith.mulf %mul3A, %add3A_26 : vector<10240x64xf32>
    %get3A_28 = arith.constant 0 : index
    %get3A_29 = vector.load %arg3[%get3A_28] : memref<64xf32, #tpu.memory_space<vmem>>, vector<64xf32>
    %broadcast_in_dim3A = vector.shape_cast %get3A_29 : vector<64xf32> to vector<1x64xf32>
    %add3A_30 = vector.broadcast %broadcast_in_dim3A : vector<1x64xf32> to vector<10240x64xf32>
    %add3A_31 = arith.addf %mul3A_27, %add3A_30 : vector<10240x64xf32>
    %iota3A = tpu.iota {dimensions = array<i32: 0>} : vector<10240x1xi32>
    %lt3A = arith.constant 10000 : i32
    %lt3A_32 = vector.broadcast %lt3A : i32 to vector<10240x1xi32>
    %lt3A_33 = arith.cmpi slt, %iota3A, %lt3A_32 : vector<10240x1xi32>
    %convert_element_type3A = arith.extui %lt3A_33 : vector<10240x1xi1> to vector<10240x1xi32>
    %convert_element_type3A_34 = arith.sitofp %convert_element_type3A : vector<10240x1xi32> to vector<10240x1xf32>
    %mul3A_35 = vector.broadcast %convert_element_type3A_34 : vector<10240x1xf32> to vector<10240x64xf32>
    %mul3A_36 = arith.mulf %add3A_31, %mul3A_35 : vector<10240x64xf32>
    %reduce_sum3A = arith.constant dense<0.000000e+00> : vector<64xf32>
    %reduce_sum3A_37 = vector.multi_reduction <add>, %mul3A_36, %reduce_sum3A [0] : vector<10240x64xf32> to vector<64xf32>
    %broadcast_in_dim3A_38 = vector.shape_cast %reduce_sum3A_37 : vector<64xf32> to vector<1x64xf32>
    %div3A = arith.constant 1.000000e+04 : f32
    %div3A_39 = vector.broadcast %div3A : f32 to vector<1x64xf32>
    %div3A_40 = arith.divf %broadcast_in_dim3A_38, %div3A_39 : vector<1x64xf32>
    %mul3A_41 = arith.mulf %mul3A_36, %mul3A_36 : vector<10240x64xf32>
    %reduce_sum3A_42 = arith.constant dense<0.000000e+00> : vector<64xf32>
    %reduce_sum3A_43 = vector.multi_reduction <add>, %mul3A_41, %reduce_sum3A_42 [0] : vector<10240x64xf32> to vector<64xf32>
    %broadcast_in_dim3A_44 = vector.shape_cast %reduce_sum3A_43 : vector<64xf32> to vector<1x64xf32>
    %div3A_45 = arith.constant 1.000000e+04 : f32
    %div3A_46 = vector.broadcast %div3A_45 : f32 to vector<1x64xf32>
    %div3A_47 = arith.divf %broadcast_in_dim3A_44, %div3A_46 : vector<1x64xf32>
    %mul3A_48 = arith.mulf %div3A_40, %div3A_40 : vector<1x64xf32>
    %sub3A = arith.subf %div3A_47, %mul3A_48 : vector<1x64xf32>
    %get3A_49 = arith.constant 0 : index
    %get3A_50 = vector.load %arg4[%get3A_49] : memref<64xf32, #tpu.memory_space<vmem>>, vector<64xf32>
    %sub3A_51 = vector.broadcast %div3A_40 : vector<1x64xf32> to vector<10240x64xf32>
    %sub3A_52 = arith.subf %add3A_31, %sub3A_51 : vector<10240x64xf32>
    %broadcast_in_dim3A_53 = vector.shape_cast %get3A_50 : vector<64xf32> to vector<1x64xf32>
    %mul3A_54 = vector.broadcast %broadcast_in_dim3A_53 : vector<1x64xf32> to vector<10240x64xf32>
    %mul3A_55 = arith.mulf %mul3A_54, %sub3A_52 : vector<10240x64xf32>
    %add3A_56 = arith.constant 9.99999974E-6 : f32
    %add3A_57 = vector.broadcast %add3A_56 : f32 to vector<1x64xf32>
    %add3A_58 = arith.addf %sub3A, %add3A_57 : vector<1x64xf32>
    %rsqrt3A_59 = math.rsqrt %add3A_58 : vector<1x64xf32>
    %mul3A_60 = vector.broadcast %rsqrt3A_59 : vector<1x64xf32> to vector<10240x64xf32>
    %mul3A_61 = arith.mulf %mul3A_55, %mul3A_60 : vector<10240x64xf32>
    %get3A_62 = arith.constant 0 : index
    %get3A_63 = vector.load %arg5[%get3A_62] : memref<64xf32, #tpu.memory_space<vmem>>, vector<64xf32>
    %broadcast_in_dim3A_64 = vector.shape_cast %get3A_63 : vector<64xf32> to vector<1x64xf32>
    %add3A_65 = vector.broadcast %broadcast_in_dim3A_64 : vector<1x64xf32> to vector<10240x64xf32>
    %add3A_66 = arith.addf %mul3A_61, %add3A_65 : vector<10240x64xf32>
    %neg3A = arith.constant 0.000000e+00 : f32
    %neg3A_67 = vector.broadcast %neg3A : f32 to vector<10240x64xf32>
    %neg3A_68 = arith.subf %neg3A_67, %add3A_66 : vector<10240x64xf32>
    %exp3A = math.exp %neg3A_68 : vector<10240x64xf32>
    %add3A_69 = arith.constant 1.000000e+00 : f32
    %add3A_70 = vector.broadcast %add3A_69 : f32 to vector<10240x64xf32>
    %add3A_71 = arith.addf %add3A_70, %exp3A : vector<10240x64xf32>
    %div3A_72 = arith.constant 1.000000e+00 : f32
    %div3A_73 = vector.broadcast %div3A_72 : f32 to vector<10240x64xf32>
    %div3A_74 = arith.divf %div3A_73, %add3A_71 : vector<10240x64xf32>
    %mul3A_75 = arith.mulf %add3A_66, %div3A_74 : vector<10240x64xf32>
    %get3A_76 = arith.constant 0 : index
    %get3A_77 = arith.constant 0 : index
    %get3A_78 = vector.load %arg6[%get3A_76, %get3A_77] : memref<64x64xf32, #tpu.memory_space<vmem>>, vector<64x64xf32>
    %dot_general3A = arith.constant dense<0.000000e+00> : vector<10240x64xf32>
    %dot_general3A_79 = tpu.matmul %mul3A_75, %get3A_78, %dot_general3A {dimension_numbers = #tpu.dot_dimension_numbers<[1], [0], [0], [1], [0, 0, 1, 1], [], []>, transpose_lhs_hint = false} : vector<10240x64xf32>, vector<64x64xf32>, vector<10240x64xf32> -> vector<10240x64xf32>
    %mul3A_80 = vector.broadcast %rsqrt3A : vector<10240x1xf32> to vector<10240x64xf32>
    %mul3A_81 = arith.mulf %dot_general3A_79, %mul3A_80 : vector<10240x64xf32>
    %swap3A = arith.constant 0 : index
    %swap3A_82 = arith.constant 0 : index
    %swap3A_83 = vector.load %arg7[%swap3A, %swap3A_82] : memref<10240x64xf32, #tpu.memory_space<vmem>>, vector<10240x64xf32>
    tpu.vector_store %arg7[%swap3A, %swap3A_82], %mul3A_81 {strides = array<i32>} : memref<10240x64xf32, #tpu.memory_space<vmem>>, vector<10240x64xf32>,
    return
  }
}

module attributes {stable_mosaic.version = 14 : i64} {
  func.func @_m2_body(%arg0: memref<2x10240x64xf32, #tpu.memory_space<vmem>>, %arg1: memref<10240x64xf32, #tpu.memory_space<vmem>>, %arg2: memref<2x10240x16xf32, #tpu.memory_space<vmem>>, %arg3: memref<64xf32, #tpu.memory_space<vmem>>, %arg4: memref<64x64xf32, #tpu.memory_space<vmem>>, %arg5: memref<10240x64xf32, #tpu.memory_space<vmem>>) attributes {dimension_semantics = [], scalar_prefetch = 0 : i64, scratch_operands = 0 : i64, tpu.core_type = #tpu.core_type<tc>} {
    %get3A = arith.constant 0 : index
    %get3A_0 = arith.constant 0 : index
    %get3A_1 = arith.constant 0 : index
    %get3A_2 = vector.load %arg2[%get3A, %get3A_0, %get3A_1] : memref<2x10240x16xf32, #tpu.memory_space<vmem>>, vector<1x10240x1xf32>
    %get3A_3 = vector.shape_cast %get3A_2 : vector<1x10240x1xf32> to vector<10240x1xf32>
    %get3A_4 = arith.constant 1 : index
    %get3A_5 = arith.constant 0 : index
    %get3A_6 = arith.constant 0 : index
    %get3A_7 = vector.load %arg2[%get3A_4, %get3A_5, %get3A_6] : memref<2x10240x16xf32, #tpu.memory_space<vmem>>, vector<1x10240x1xf32>
    %get3A_8 = vector.shape_cast %get3A_7 : vector<1x10240x1xf32> to vector<10240x1xf32>
    %add3A = arith.addf %get3A_3, %get3A_8 : vector<10240x1xf32>
    %add3A_9 = arith.constant 1.000000e+00 : f32
    %add3A_10 = vector.broadcast %add3A_9 : f32 to vector<10240x1xf32>
    %add3A_11 = arith.addf %add3A, %add3A_10 : vector<10240x1xf32>
    %rsqrt3A = math.rsqrt %add3A_11 : vector<10240x1xf32>
    %get3A_12 = arith.constant 0 : index
    %get3A_13 = arith.constant 0 : index
    %get3A_14 = arith.constant 0 : index
    %get3A_15 = vector.load %arg0[%get3A_12, %get3A_13, %get3A_14] : memref<2x10240x64xf32, #tpu.memory_space<vmem>>, vector<1x10240x64xf32>
    %get3A_16 = vector.shape_cast %get3A_15 : vector<1x10240x64xf32> to vector<10240x64xf32>
    %get3A_17 = arith.constant 1 : index
    %get3A_18 = arith.constant 0 : index
    %get3A_19 = arith.constant 0 : index
    %get3A_20 = vector.load %arg0[%get3A_17, %get3A_18, %get3A_19] : memref<2x10240x64xf32, #tpu.memory_space<vmem>>, vector<1x10240x64xf32>
    %get3A_21 = vector.shape_cast %get3A_20 : vector<1x10240x64xf32> to vector<10240x64xf32>
    %add3A_22 = arith.addf %get3A_16, %get3A_21 : vector<10240x64xf32>
    %get3A_23 = arith.constant 0 : index
    %get3A_24 = arith.constant 0 : index
    %get3A_25 = vector.load %arg1[%get3A_23, %get3A_24] : memref<10240x64xf32, #tpu.memory_space<vmem>>, vector<10240x64xf32>
    %add3A_26 = arith.addf %add3A_22, %get3A_25 : vector<10240x64xf32>
    %mul3A = vector.broadcast %rsqrt3A : vector<10240x1xf32> to vector<10240x64xf32>
    %mul3A_27 = arith.mulf %mul3A, %add3A_26 : vector<10240x64xf32>
    %get3A_28 = arith.constant 0 : index
    %get3A_29 = vector.load %arg3[%get3A_28] : memref<64xf32, #tpu.memory_space<vmem>>, vector<64xf32>
    %broadcast_in_dim3A = vector.shape_cast %get3A_29 : vector<64xf32> to vector<1x64xf32>
    %add3A_30 = vector.broadcast %broadcast_in_dim3A : vector<1x64xf32> to vector<10240x64xf32>
    %add3A_31 = arith.addf %mul3A_27, %add3A_30 : vector<10240x64xf32>
    %neg3A = arith.constant 0.000000e+00 : f32
    %neg3A_32 = vector.broadcast %neg3A : f32 to vector<10240x64xf32>
    %neg3A_33 = arith.subf %neg3A_32, %add3A_31 : vector<10240x64xf32>
    %exp3A = math.exp %neg3A_33 : vector<10240x64xf32>
    %add3A_34 = arith.constant 1.000000e+00 : f32
    %add3A_35 = vector.broadcast %add3A_34 : f32 to vector<10240x64xf32>
    %add3A_36 = arith.addf %add3A_35, %exp3A : vector<10240x64xf32>
    %div3A = arith.constant 1.000000e+00 : f32
    %div3A_37 = vector.broadcast %div3A : f32 to vector<10240x64xf32>
    %div3A_38 = arith.divf %div3A_37, %add3A_36 : vector<10240x64xf32>
    %mul3A_39 = arith.mulf %add3A_31, %div3A_38 : vector<10240x64xf32>
    %get3A_40 = arith.constant 0 : index
    %get3A_41 = arith.constant 0 : index
    %get3A_42 = vector.load %arg4[%get3A_40, %get3A_41] : memref<64x64xf32, #tpu.memory_space<vmem>>, vector<64x64xf32>
    %dot_general3A = arith.constant dense<0.000000e+00> : vector<10240x64xf32>
    %dot_general3A_43 = tpu.matmul %mul3A_39, %get3A_42, %dot_general3A {dimension_numbers = #tpu.dot_dimension_numbers<[1], [0], [0], [1], [0, 0, 1, 1], [], []>, transpose_lhs_hint = false} : vector<10240x64xf32>, vector<64x64xf32>, vector<10240x64xf32> -> vector<10240x64xf32>
    %mul3A_44 = vector.broadcast %rsqrt3A : vector<10240x1xf32> to vector<10240x64xf32>
    %mul3A_45 = arith.mulf %dot_general3A_43, %mul3A_44 : vector<10240x64xf32>
    %swap3A = arith.constant 0 : index
    %swap3A_46 = arith.constant 0 : index
    %swap3A_47 = vector.load %arg5[%swap3A, %swap3A_46] : memref<10240x64xf32, #tpu.memory_space<vmem>>, vector<10240x64xf32>
    tpu.vector_store %arg5[%swap3A, %swap3A_46], %mul3A_45 {strides = array<i32>} : memref<10240x64xf32, #tpu.memory_space<vmem>>, vector<10240x64xf32>,
    return
  }
}

module attributes {stable_mosaic.version = 14 : i64} {
  func.func @_head_body(%arg0: memref<2x10240x64xf32, #tpu.memory_space<vmem>>, %arg1: memref<10240x64xf32, #tpu.memory_space<vmem>>, %arg2: memref<2x10240x16xf32, #tpu.memory_space<vmem>>, %arg3: memref<64xf32, #tpu.memory_space<vmem>>, %arg4: memref<1x10240xi32, #tpu.memory_space<vmem>>, %arg5: memref<256x256xf32, #tpu.memory_space<vmem>>, %arg6: memref<256x64xf32, #tpu.memory_space<vmem>>, %arg7: memref<64xf32, #tpu.memory_space<vmem>>, %arg8: memref<64xf32, #tpu.memory_space<vmem>>, %arg9: memref<64xf32, #tpu.memory_space<vmem>>, %arg10: memref<64x64xf32, #tpu.memory_space<vmem>>, %arg11: memref<64xf32, #tpu.memory_space<vmem>>, %arg12: memref<64x128xf32, #tpu.memory_space<vmem>>, %arg13: memref<64x128xf32, #tpu.memory_space<vmem>>, %arg14: memref<128xf32, #tpu.memory_space<vmem>>, %arg15: memref<128x64xf32, #tpu.memory_space<vmem>>, %arg16: memref<64xf32, #tpu.memory_space<vmem>>, %arg17: memref<64x128xf32, #tpu.memory_space<vmem>>, %arg18: memref<128xf32, #tpu.memory_space<vmem>>, %arg19: memref<256x128xf32, #tpu.memory_space<vmem>>) attributes {dimension_semantics = [], scalar_prefetch = 0 : i64, scratch_operands = 0 : i64, tpu.core_type = #tpu.core_type<tc>} {
    %get3A = arith.constant 0 : index
    %get3A_0 = arith.constant 0 : index
    %get3A_1 = arith.constant 0 : index
    %get3A_2 = vector.load %arg2[%get3A, %get3A_0, %get3A_1] : memref<2x10240x16xf32, #tpu.memory_space<vmem>>, vector<1x10240x1xf32>
    %get3A_3 = vector.shape_cast %get3A_2 : vector<1x10240x1xf32> to vector<10240x1xf32>
    %get3A_4 = arith.constant 1 : index
    %get3A_5 = arith.constant 0 : index
    %get3A_6 = arith.constant 0 : index
    %get3A_7 = vector.load %arg2[%get3A_4, %get3A_5, %get3A_6] : memref<2x10240x16xf32, #tpu.memory_space<vmem>>, vector<1x10240x1xf32>
    %get3A_8 = vector.shape_cast %get3A_7 : vector<1x10240x1xf32> to vector<10240x1xf32>
    %add3A = arith.addf %get3A_3, %get3A_8 : vector<10240x1xf32>
    %add3A_9 = arith.constant 1.000000e+00 : f32
    %add3A_10 = vector.broadcast %add3A_9 : f32 to vector<10240x1xf32>
    %add3A_11 = arith.addf %add3A, %add3A_10 : vector<10240x1xf32>
    %rsqrt3A = math.rsqrt %add3A_11 : vector<10240x1xf32>
    %get3A_12 = arith.constant 0 : index
    %get3A_13 = arith.constant 0 : index
    %get3A_14 = arith.constant 0 : index
    %get3A_15 = vector.load %arg0[%get3A_12, %get3A_13, %get3A_14] : memref<2x10240x64xf32, #tpu.memory_space<vmem>>, vector<1x10240x64xf32>
    %get3A_16 = vector.shape_cast %get3A_15 : vector<1x10240x64xf32> to vector<10240x64xf32>
    %get3A_17 = arith.constant 1 : index
    %get3A_18 = arith.constant 0 : index
    %get3A_19 = arith.constant 0 : index
    %get3A_20 = vector.load %arg0[%get3A_17, %get3A_18, %get3A_19] : memref<2x10240x64xf32, #tpu.memory_space<vmem>>, vector<1x10240x64xf32>
    %get3A_21 = vector.shape_cast %get3A_20 : vector<1x10240x64xf32> to vector<10240x64xf32>
    %add3A_22 = arith.addf %get3A_16, %get3A_21 : vector<10240x64xf32>
    %get3A_23 = arith.constant 0 : index
    %get3A_24 = arith.constant 0 : index
    %get3A_25 = vector.load %arg1[%get3A_23, %get3A_24] : memref<10240x64xf32, #tpu.memory_space<vmem>>, vector<10240x64xf32>
    %add3A_26 = arith.addf %add3A_22, %get3A_25 : vector<10240x64xf32>
    %mul3A = vector.broadcast %rsqrt3A : vector<10240x1xf32> to vector<10240x64xf32>
    %mul3A_27 = arith.mulf %mul3A, %add3A_26 : vector<10240x64xf32>
    %get3A_28 = arith.constant 0 : index
    %get3A_29 = vector.load %arg3[%get3A_28] : memref<64xf32, #tpu.memory_space<vmem>>, vector<64xf32>
    %broadcast_in_dim3A = vector.shape_cast %get3A_29 : vector<64xf32> to vector<1x64xf32>
    %add3A_30 = vector.broadcast %broadcast_in_dim3A : vector<1x64xf32> to vector<10240x64xf32>
    %add3A_31 = arith.addf %mul3A_27, %add3A_30 : vector<10240x64xf32>
    %neg3A = arith.constant 0.000000e+00 : f32
    %neg3A_32 = vector.broadcast %neg3A : f32 to vector<10240x64xf32>
    %neg3A_33 = arith.subf %neg3A_32, %add3A_31 : vector<10240x64xf32>
    %exp3A = math.exp %neg3A_33 : vector<10240x64xf32>
    %add3A_34 = arith.constant 1.000000e+00 : f32
    %add3A_35 = vector.broadcast %add3A_34 : f32 to vector<10240x64xf32>
    %add3A_36 = arith.addf %add3A_35, %exp3A : vector<10240x64xf32>
    %div3A = arith.constant 1.000000e+00 : f32
    %div3A_37 = vector.broadcast %div3A : f32 to vector<10240x64xf32>
    %div3A_38 = arith.divf %div3A_37, %add3A_36 : vector<10240x64xf32>
    %mul3A_39 = arith.mulf %add3A_31, %div3A_38 : vector<10240x64xf32>
    %iota3A = tpu.iota {dimensions = array<i32: 0>} : vector<256x1024xi32>
    %broadcast_in_dim3A_40 = arith.constant 0.000000e+00 : f32
    %broadcast_in_dim3A_41 = vector.broadcast %broadcast_in_dim3A_40 : f32 to vector<256x64xf32>
    %get3A_42 = arith.constant 0 : index
    %get3A_43 = arith.constant 0 : index
    %get3A_44 = vector.load %arg4[%get3A_42, %get3A_43] : memref<1x10240xi32, #tpu.memory_space<vmem>>, vector<1x1024xi32>
    %iota3A_45 = tpu.iota {dimensions = array<i32: 1>} : vector<256x1024xi32>
    %add3A_46 = arith.constant 0 : i32
    %add3A_47 = vector.broadcast %add3A_46 : i32 to vector<256x1024xi32>
    %add3A_48 = arith.addi %iota3A_45, %add3A_47 : vector<256x1024xi32>
    %eq3A = vector.broadcast %get3A_44 : vector<1x1024xi32> to vector<256x1024xi32>
    %eq3A_49 = arith.cmpi eq, %iota3A, %eq3A : vector<256x1024xi32>
    %lt3A = arith.constant 10000 : i32
    %lt3A_50 = vector.broadcast %lt3A : i32 to vector<256x1024xi32>
    %lt3A_51 = arith.cmpi slt, %add3A_48, %lt3A_50 : vector<256x1024xi32>
    %and3A = arith.andi %eq3A_49, %lt3A_51 : vector<256x1024xi1>
    %jit3A = arith.constant 1.000000e+00 : f32
    %jit3A_52 = arith.constant 0.000000e+00 : f32
    %broadcast_in_dim3A_53 = vector.broadcast %jit3A : f32 to vector<256x1024xf32>
    %broadcast_in_dim3A_54 = vector.broadcast %jit3A_52 : f32 to vector<256x1024xf32>
    %select_n3A = arith.select %and3A, %broadcast_in_dim3A_53, %broadcast_in_dim3A_54 : vector<256x1024xi1>, vector<256x1024xf32>
    %slice3A = vector.extract_strided_slice %mul3A_39 {offsets = [0, 0], sizes = [1024, 64], strides = [1, 1]} : vector<10240x64xf32> to vector<1024x64xf32>
    %dot_general3A = arith.constant dense<0.000000e+00> : vector<256x64xf32>
    %dot_general3A_55 = tpu.matmul %select_n3A, %slice3A, %dot_general3A {dimension_numbers = #tpu.dot_dimension_numbers<[1], [0], [0], [1], [0, 0, 1, 1], [], []>, transpose_lhs_hint = false} : vector<256x1024xf32>, vector<1024x64xf32>, vector<256x64xf32> -> vector<256x64xf32>
    %add3A_56 = arith.addf %broadcast_in_dim3A_41, %dot_general3A_55 : vector<256x64xf32>
    %get3A_57 = arith.constant 0 : index
    %get3A_58 = arith.constant 1024 : index
    %get3A_59 = vector.load %arg4[%get3A_57, %get3A_58] : memref<1x10240xi32, #tpu.memory_space<vmem>>, vector<1x1024xi32>
    %iota3A_60 = tpu.iota {dimensions = array<i32: 1>} : vector<256x1024xi32>
    %add3A_61 = arith.constant 1024 : i32
    %add3A_62 = vector.broadcast %add3A_61 : i32 to vector<256x1024xi32>
    %add3A_63 = arith.addi %iota3A_60, %add3A_62 : vector<256x1024xi32>
    %eq3A_64 = vector.broadcast %get3A_59 : vector<1x1024xi32> to vector<256x1024xi32>
    %eq3A_65 = arith.cmpi eq, %iota3A, %eq3A_64 : vector<256x1024xi32>
    %lt3A_66 = arith.constant 10000 : i32
    %lt3A_67 = vector.broadcast %lt3A_66 : i32 to vector<256x1024xi32>
    %lt3A_68 = arith.cmpi slt, %add3A_63, %lt3A_67 : vector<256x1024xi32>
    %and3A_69 = arith.andi %eq3A_65, %lt3A_68 : vector<256x1024xi1>
    %jit3A_70 = arith.constant 1.000000e+00 : f32
    %jit3A_71 = arith.constant 0.000000e+00 : f32
    %broadcast_in_dim3A_72 = vector.broadcast %jit3A_70 : f32 to vector<256x1024xf32>
    %broadcast_in_dim3A_73 = vector.broadcast %jit3A_71 : f32 to vector<256x1024xf32>
    %select_n3A_74 = arith.select %and3A_69, %broadcast_in_dim3A_72, %broadcast_in_dim3A_73 : vector<256x1024xi1>, vector<256x1024xf32>
    %slice3A_75 = vector.extract_strided_slice %mul3A_39 {offsets = [1024, 0], sizes = [1024, 64], strides = [1, 1]} : vector<10240x64xf32> to vector<1024x64xf32>
    %dot_general3A_76 = arith.constant dense<0.000000e+00> : vector<256x64xf32>
    %dot_general3A_77 = tpu.matmul %select_n3A_74, %slice3A_75, %dot_general3A_76 {dimension_numbers = #tpu.dot_dimension_numbers<[1], [0], [0], [1], [0, 0, 1, 1], [], []>, transpose_lhs_hint = false} : vector<256x1024xf32>, vector<1024x64xf32>, vector<256x64xf32> -> vector<256x64xf32>
    %add3A_78 = arith.addf %add3A_56, %dot_general3A_77 : vector<256x64xf32>
    %get3A_79 = arith.constant 0 : index
    %get3A_80 = arith.constant 2048 : index
    %get3A_81 = vector.load %arg4[%get3A_79, %get3A_80] : memref<1x10240xi32, #tpu.memory_space<vmem>>, vector<1x1024xi32>
    %iota3A_82 = tpu.iota {dimensions = array<i32: 1>} : vector<256x1024xi32>
    %add3A_83 = arith.constant 2048 : i32
    %add3A_84 = vector.broadcast %add3A_83 : i32 to vector<256x1024xi32>
    %add3A_85 = arith.addi %iota3A_82, %add3A_84 : vector<256x1024xi32>
    %eq3A_86 = vector.broadcast %get3A_81 : vector<1x1024xi32> to vector<256x1024xi32>
    %eq3A_87 = arith.cmpi eq, %iota3A, %eq3A_86 : vector<256x1024xi32>
    %lt3A_88 = arith.constant 10000 : i32
    %lt3A_89 = vector.broadcast %lt3A_88 : i32 to vector<256x1024xi32>
    %lt3A_90 = arith.cmpi slt, %add3A_85, %lt3A_89 : vector<256x1024xi32>
    %and3A_91 = arith.andi %eq3A_87, %lt3A_90 : vector<256x1024xi1>
    %jit3A_92 = arith.constant 1.000000e+00 : f32
    %jit3A_93 = arith.constant 0.000000e+00 : f32
    %broadcast_in_dim3A_94 = vector.broadcast %jit3A_92 : f32 to vector<256x1024xf32>
    %broadcast_in_dim3A_95 = vector.broadcast %jit3A_93 : f32 to vector<256x1024xf32>
    %select_n3A_96 = arith.select %and3A_91, %broadcast_in_dim3A_94, %broadcast_in_dim3A_95 : vector<256x1024xi1>, vector<256x1024xf32>
    %slice3A_97 = vector.extract_strided_slice %mul3A_39 {offsets = [2048, 0], sizes = [1024, 64], strides = [1, 1]} : vector<10240x64xf32> to vector<1024x64xf32>
    %dot_general3A_98 = arith.constant dense<0.000000e+00> : vector<256x64xf32>
    %dot_general3A_99 = tpu.matmul %select_n3A_96, %slice3A_97, %dot_general3A_98 {dimension_numbers = #tpu.dot_dimension_numbers<[1], [0], [0], [1], [0, 0, 1, 1], [], []>, transpose_lhs_hint = false} : vector<256x1024xf32>, vector<1024x64xf32>, vector<256x64xf32> -> vector<256x64xf32>
    %add3A_100 = arith.addf %add3A_78, %dot_general3A_99 : vector<256x64xf32>
    %get3A_101 = arith.constant 0 : index
    %get3A_102 = arith.constant 3072 : index
    %get3A_103 = vector.load %arg4[%get3A_101, %get3A_102] : memref<1x10240xi32, #tpu.memory_space<vmem>>, vector<1x1024xi32>
    %iota3A_104 = tpu.iota {dimensions = array<i32: 1>} : vector<256x1024xi32>
    %add3A_105 = arith.constant 3072 : i32
    %add3A_106 = vector.broadcast %add3A_105 : i32 to vector<256x1024xi32>
    %add3A_107 = arith.addi %iota3A_104, %add3A_106 : vector<256x1024xi32>
    %eq3A_108 = vector.broadcast %get3A_103 : vector<1x1024xi32> to vector<256x1024xi32>
    %eq3A_109 = arith.cmpi eq, %iota3A, %eq3A_108 : vector<256x1024xi32>
    %lt3A_110 = arith.constant 10000 : i32
    %lt3A_111 = vector.broadcast %lt3A_110 : i32 to vector<256x1024xi32>
    %lt3A_112 = arith.cmpi slt, %add3A_107, %lt3A_111 : vector<256x1024xi32>
    %and3A_113 = arith.andi %eq3A_109, %lt3A_112 : vector<256x1024xi1>
    %jit3A_114 = arith.constant 1.000000e+00 : f32
    %jit3A_115 = arith.constant 0.000000e+00 : f32
    %broadcast_in_dim3A_116 = vector.broadcast %jit3A_114 : f32 to vector<256x1024xf32>
    %broadcast_in_dim3A_117 = vector.broadcast %jit3A_115 : f32 to vector<256x1024xf32>
    %select_n3A_118 = arith.select %and3A_113, %broadcast_in_dim3A_116, %broadcast_in_dim3A_117 : vector<256x1024xi1>, vector<256x1024xf32>
    %slice3A_119 = vector.extract_strided_slice %mul3A_39 {offsets = [3072, 0], sizes = [1024, 64], strides = [1, 1]} : vector<10240x64xf32> to vector<1024x64xf32>
    %dot_general3A_120 = arith.constant dense<0.000000e+00> : vector<256x64xf32>
    %dot_general3A_121 = tpu.matmul %select_n3A_118, %slice3A_119, %dot_general3A_120 {dimension_numbers = #tpu.dot_dimension_numbers<[1], [0], [0], [1], [0, 0, 1, 1], [], []>, transpose_lhs_hint = false} : vector<256x1024xf32>, vector<1024x64xf32>, vector<256x64xf32> -> vector<256x64xf32>
    %add3A_122 = arith.addf %add3A_100, %dot_general3A_121 : vector<256x64xf32>
    %get3A_123 = arith.constant 0 : index
    %get3A_124 = arith.constant 4096 : index
    %get3A_125 = vector.load %arg4[%get3A_123, %get3A_124] : memref<1x10240xi32, #tpu.memory_space<vmem>>, vector<1x1024xi32>
    %iota3A_126 = tpu.iota {dimensions = array<i32: 1>} : vector<256x1024xi32>
    %add3A_127 = arith.constant 4096 : i32
    %add3A_128 = vector.broadcast %add3A_127 : i32 to vector<256x1024xi32>
    %add3A_129 = arith.addi %iota3A_126, %add3A_128 : vector<256x1024xi32>
    %eq3A_130 = vector.broadcast %get3A_125 : vector<1x1024xi32> to vector<256x1024xi32>
    %eq3A_131 = arith.cmpi eq, %iota3A, %eq3A_130 : vector<256x1024xi32>
    %lt3A_132 = arith.constant 10000 : i32
    %lt3A_133 = vector.broadcast %lt3A_132 : i32 to vector<256x1024xi32>
    %lt3A_134 = arith.cmpi slt, %add3A_129, %lt3A_133 : vector<256x1024xi32>
    %and3A_135 = arith.andi %eq3A_131, %lt3A_134 : vector<256x1024xi1>
    %jit3A_136 = arith.constant 1.000000e+00 : f32
    %jit3A_137 = arith.constant 0.000000e+00 : f32
    %broadcast_in_dim3A_138 = vector.broadcast %jit3A_136 : f32 to vector<256x1024xf32>
    %broadcast_in_dim3A_139 = vector.broadcast %jit3A_137 : f32 to vector<256x1024xf32>
    %select_n3A_140 = arith.select %and3A_135, %broadcast_in_dim3A_138, %broadcast_in_dim3A_139 : vector<256x1024xi1>, vector<256x1024xf32>
    %slice3A_141 = vector.extract_strided_slice %mul3A_39 {offsets = [4096, 0], sizes = [1024, 64], strides = [1, 1]} : vector<10240x64xf32> to vector<1024x64xf32>
    %dot_general3A_142 = arith.constant dense<0.000000e+00> : vector<256x64xf32>
    %dot_general3A_143 = tpu.matmul %select_n3A_140, %slice3A_141, %dot_general3A_142 {dimension_numbers = #tpu.dot_dimension_numbers<[1], [0], [0], [1], [0, 0, 1, 1], [], []>, transpose_lhs_hint = false} : vector<256x1024xf32>, vector<1024x64xf32>, vector<256x64xf32> -> vector<256x64xf32>
    %add3A_144 = arith.addf %add3A_122, %dot_general3A_143 : vector<256x64xf32>
    %get3A_145 = arith.constant 0 : index
    %get3A_146 = arith.constant 5120 : index
    %get3A_147 = vector.load %arg4[%get3A_145, %get3A_146] : memref<1x10240xi32, #tpu.memory_space<vmem>>, vector<1x1024xi32>
    %iota3A_148 = tpu.iota {dimensions = array<i32: 1>} : vector<256x1024xi32>
    %add3A_149 = arith.constant 5120 : i32
    %add3A_150 = vector.broadcast %add3A_149 : i32 to vector<256x1024xi32>
    %add3A_151 = arith.addi %iota3A_148, %add3A_150 : vector<256x1024xi32>
    %eq3A_152 = vector.broadcast %get3A_147 : vector<1x1024xi32> to vector<256x1024xi32>
    %eq3A_153 = arith.cmpi eq, %iota3A, %eq3A_152 : vector<256x1024xi32>
    %lt3A_154 = arith.constant 10000 : i32
    %lt3A_155 = vector.broadcast %lt3A_154 : i32 to vector<256x1024xi32>
    %lt3A_156 = arith.cmpi slt, %add3A_151, %lt3A_155 : vector<256x1024xi32>
    %and3A_157 = arith.andi %eq3A_153, %lt3A_156 : vector<256x1024xi1>
    %jit3A_158 = arith.constant 1.000000e+00 : f32
    %jit3A_159 = arith.constant 0.000000e+00 : f32
    %broadcast_in_dim3A_160 = vector.broadcast %jit3A_158 : f32 to vector<256x1024xf32>
    %broadcast_in_dim3A_161 = vector.broadcast %jit3A_159 : f32 to vector<256x1024xf32>
    %select_n3A_162 = arith.select %and3A_157, %broadcast_in_dim3A_160, %broadcast_in_dim3A_161 : vector<256x1024xi1>, vector<256x1024xf32>
    %slice3A_163 = vector.extract_strided_slice %mul3A_39 {offsets = [5120, 0], sizes = [1024, 64], strides = [1, 1]} : vector<10240x64xf32> to vector<1024x64xf32>
    %dot_general3A_164 = arith.constant dense<0.000000e+00> : vector<256x64xf32>
    %dot_general3A_165 = tpu.matmul %select_n3A_162, %slice3A_163, %dot_general3A_164 {dimension_numbers = #tpu.dot_dimension_numbers<[1], [0], [0], [1], [0, 0, 1, 1], [], []>, transpose_lhs_hint = false} : vector<256x1024xf32>, vector<1024x64xf32>, vector<256x64xf32> -> vector<256x64xf32>
    %add3A_166 = arith.addf %add3A_144, %dot_general3A_165 : vector<256x64xf32>
    %get3A_167 = arith.constant 0 : index
    %get3A_168 = arith.constant 6144 : index
    %get3A_169 = vector.load %arg4[%get3A_167, %get3A_168] : memref<1x10240xi32, #tpu.memory_space<vmem>>, vector<1x1024xi32>
    %iota3A_170 = tpu.iota {dimensions = array<i32: 1>} : vector<256x1024xi32>
    %add3A_171 = arith.constant 6144 : i32
    %add3A_172 = vector.broadcast %add3A_171 : i32 to vector<256x1024xi32>
    %add3A_173 = arith.addi %iota3A_170, %add3A_172 : vector<256x1024xi32>
    %eq3A_174 = vector.broadcast %get3A_169 : vector<1x1024xi32> to vector<256x1024xi32>
    %eq3A_175 = arith.cmpi eq, %iota3A, %eq3A_174 : vector<256x1024xi32>
    %lt3A_176 = arith.constant 10000 : i32
    %lt3A_177 = vector.broadcast %lt3A_176 : i32 to vector<256x1024xi32>
    %lt3A_178 = arith.cmpi slt, %add3A_173, %lt3A_177 : vector<256x1024xi32>
    %and3A_179 = arith.andi %eq3A_175, %lt3A_178 : vector<256x1024xi1>
    %jit3A_180 = arith.constant 1.000000e+00 : f32
    %jit3A_181 = arith.constant 0.000000e+00 : f32
    %broadcast_in_dim3A_182 = vector.broadcast %jit3A_180 : f32 to vector<256x1024xf32>
    %broadcast_in_dim3A_183 = vector.broadcast %jit3A_181 : f32 to vector<256x1024xf32>
    %select_n3A_184 = arith.select %and3A_179, %broadcast_in_dim3A_182, %broadcast_in_dim3A_183 : vector<256x1024xi1>, vector<256x1024xf32>
    %slice3A_185 = vector.extract_strided_slice %mul3A_39 {offsets = [6144, 0], sizes = [1024, 64], strides = [1, 1]} : vector<10240x64xf32> to vector<1024x64xf32>
    %dot_general3A_186 = arith.constant dense<0.000000e+00> : vector<256x64xf32>
    %dot_general3A_187 = tpu.matmul %select_n3A_184, %slice3A_185, %dot_general3A_186 {dimension_numbers = #tpu.dot_dimension_numbers<[1], [0], [0], [1], [0, 0, 1, 1], [], []>, transpose_lhs_hint = false} : vector<256x1024xf32>, vector<1024x64xf32>, vector<256x64xf32> -> vector<256x64xf32>
    %add3A_188 = arith.addf %add3A_166, %dot_general3A_187 : vector<256x64xf32>
    %get3A_189 = arith.constant 0 : index
    %get3A_190 = arith.constant 7168 : index
    %get3A_191 = vector.load %arg4[%get3A_189, %get3A_190] : memref<1x10240xi32, #tpu.memory_space<vmem>>, vector<1x1024xi32>
    %iota3A_192 = tpu.iota {dimensions = array<i32: 1>} : vector<256x1024xi32>
    %add3A_193 = arith.constant 7168 : i32
    %add3A_194 = vector.broadcast %add3A_193 : i32 to vector<256x1024xi32>
    %add3A_195 = arith.addi %iota3A_192, %add3A_194 : vector<256x1024xi32>
    %eq3A_196 = vector.broadcast %get3A_191 : vector<1x1024xi32> to vector<256x1024xi32>
    %eq3A_197 = arith.cmpi eq, %iota3A, %eq3A_196 : vector<256x1024xi32>
    %lt3A_198 = arith.constant 10000 : i32
    %lt3A_199 = vector.broadcast %lt3A_198 : i32 to vector<256x1024xi32>
    %lt3A_200 = arith.cmpi slt, %add3A_195, %lt3A_199 : vector<256x1024xi32>
    %and3A_201 = arith.andi %eq3A_197, %lt3A_200 : vector<256x1024xi1>
    %jit3A_202 = arith.constant 1.000000e+00 : f32
    %jit3A_203 = arith.constant 0.000000e+00 : f32
    %broadcast_in_dim3A_204 = vector.broadcast %jit3A_202 : f32 to vector<256x1024xf32>
    %broadcast_in_dim3A_205 = vector.broadcast %jit3A_203 : f32 to vector<256x1024xf32>
    %select_n3A_206 = arith.select %and3A_201, %broadcast_in_dim3A_204, %broadcast_in_dim3A_205 : vector<256x1024xi1>, vector<256x1024xf32>
    %slice3A_207 = vector.extract_strided_slice %mul3A_39 {offsets = [7168, 0], sizes = [1024, 64], strides = [1, 1]} : vector<10240x64xf32> to vector<1024x64xf32>
    %dot_general3A_208 = arith.constant dense<0.000000e+00> : vector<256x64xf32>
    %dot_general3A_209 = tpu.matmul %select_n3A_206, %slice3A_207, %dot_general3A_208 {dimension_numbers = #tpu.dot_dimension_numbers<[1], [0], [0], [1], [0, 0, 1, 1], [], []>, transpose_lhs_hint = false} : vector<256x1024xf32>, vector<1024x64xf32>, vector<256x64xf32> -> vector<256x64xf32>
    %add3A_210 = arith.addf %add3A_188, %dot_general3A_209 : vector<256x64xf32>
    %get3A_211 = arith.constant 0 : index
    %get3A_212 = arith.constant 8192 : index
    %get3A_213 = vector.load %arg4[%get3A_211, %get3A_212] : memref<1x10240xi32, #tpu.memory_space<vmem>>, vector<1x1024xi32>
    %iota3A_214 = tpu.iota {dimensions = array<i32: 1>} : vector<256x1024xi32>
    %add3A_215 = arith.constant 8192 : i32
    %add3A_216 = vector.broadcast %add3A_215 : i32 to vector<256x1024xi32>
    %add3A_217 = arith.addi %iota3A_214, %add3A_216 : vector<256x1024xi32>
    %eq3A_218 = vector.broadcast %get3A_213 : vector<1x1024xi32> to vector<256x1024xi32>
    %eq3A_219 = arith.cmpi eq, %iota3A, %eq3A_218 : vector<256x1024xi32>
    %lt3A_220 = arith.constant 10000 : i32
    %lt3A_221 = vector.broadcast %lt3A_220 : i32 to vector<256x1024xi32>
    %lt3A_222 = arith.cmpi slt, %add3A_217, %lt3A_221 : vector<256x1024xi32>
    %and3A_223 = arith.andi %eq3A_219, %lt3A_222 : vector<256x1024xi1>
    %jit3A_224 = arith.constant 1.000000e+00 : f32
    %jit3A_225 = arith.constant 0.000000e+00 : f32
    %broadcast_in_dim3A_226 = vector.broadcast %jit3A_224 : f32 to vector<256x1024xf32>
    %broadcast_in_dim3A_227 = vector.broadcast %jit3A_225 : f32 to vector<256x1024xf32>
    %select_n3A_228 = arith.select %and3A_223, %broadcast_in_dim3A_226, %broadcast_in_dim3A_227 : vector<256x1024xi1>, vector<256x1024xf32>
    %slice3A_229 = vector.extract_strided_slice %mul3A_39 {offsets = [8192, 0], sizes = [1024, 64], strides = [1, 1]} : vector<10240x64xf32> to vector<1024x64xf32>
    %dot_general3A_230 = arith.constant dense<0.000000e+00> : vector<256x64xf32>
    %dot_general3A_231 = tpu.matmul %select_n3A_228, %slice3A_229, %dot_general3A_230 {dimension_numbers = #tpu.dot_dimension_numbers<[1], [0], [0], [1], [0, 0, 1, 1], [], []>, transpose_lhs_hint = false} : vector<256x1024xf32>, vector<1024x64xf32>, vector<256x64xf32> -> vector<256x64xf32>
    %add3A_232 = arith.addf %add3A_210, %dot_general3A_231 : vector<256x64xf32>
    %get3A_233 = arith.constant 0 : index
    %get3A_234 = arith.constant 9216 : index
    %get3A_235 = vector.load %arg4[%get3A_233, %get3A_234] : memref<1x10240xi32, #tpu.memory_space<vmem>>, vector<1x1024xi32>
    %iota3A_236 = tpu.iota {dimensions = array<i32: 1>} : vector<256x1024xi32>
    %add3A_237 = arith.constant 9216 : i32
    %add3A_238 = vector.broadcast %add3A_237 : i32 to vector<256x1024xi32>
    %add3A_239 = arith.addi %iota3A_236, %add3A_238 : vector<256x1024xi32>
    %eq3A_240 = vector.broadcast %get3A_235 : vector<1x1024xi32> to vector<256x1024xi32>
    %eq3A_241 = arith.cmpi eq, %iota3A, %eq3A_240 : vector<256x1024xi32>
    %lt3A_242 = arith.constant 10000 : i32
    %lt3A_243 = vector.broadcast %lt3A_242 : i32 to vector<256x1024xi32>
    %lt3A_244 = arith.cmpi slt, %add3A_239, %lt3A_243 : vector<256x1024xi32>
    %and3A_245 = arith.andi %eq3A_241, %lt3A_244 : vector<256x1024xi1>
    %jit3A_246 = arith.constant 1.000000e+00 : f32
    %jit3A_247 = arith.constant 0.000000e+00 : f32
    %broadcast_in_dim3A_248 = vector.broadcast %jit3A_246 : f32 to vector<256x1024xf32>
    %broadcast_in_dim3A_249 = vector.broadcast %jit3A_247 : f32 to vector<256x1024xf32>
    %select_n3A_250 = arith.select %and3A_245, %broadcast_in_dim3A_248, %broadcast_in_dim3A_249 : vector<256x1024xi1>, vector<256x1024xf32>
    %slice3A_251 = vector.extract_strided_slice %mul3A_39 {offsets = [9216, 0], sizes = [1024, 64], strides = [1, 1]} : vector<10240x64xf32> to vector<1024x64xf32>
    %dot_general3A_252 = arith.constant dense<0.000000e+00> : vector<256x64xf32>
    %dot_general3A_253 = tpu.matmul %select_n3A_250, %slice3A_251, %dot_general3A_252 {dimension_numbers = #tpu.dot_dimension_numbers<[1], [0], [0], [1], [0, 0, 1, 1], [], []>, transpose_lhs_hint = false} : vector<256x1024xf32>, vector<1024x64xf32>, vector<256x64xf32> -> vector<256x64xf32>
    %add3A_254 = arith.addf %add3A_232, %dot_general3A_253 : vector<256x64xf32>
    %get3A_255 = arith.constant 0 : index
    %get3A_256 = arith.constant 0 : index
    %get3A_257 = vector.load %arg5[%get3A_255, %get3A_256] : memref<256x256xf32, #tpu.memory_space<vmem>>, vector<256x256xf32>
    %get3A_258 = arith.constant 0 : index
    %get3A_259 = arith.constant 0 : index
    %get3A_260 = vector.load %arg6[%get3A_258, %get3A_259] : memref<256x64xf32, #tpu.memory_space<vmem>>, vector<256x64xf32>
    %dot_general3A_261 = arith.constant dense<0.000000e+00> : vector<256x64xf32>
    %dot_general3A_262 = tpu.matmul %get3A_257, %get3A_260, %dot_general3A_261 {dimension_numbers = #tpu.dot_dimension_numbers<[1], [0], [0], [1], [0, 0, 1, 1], [], []>, transpose_lhs_hint = false} : vector<256x256xf32>, vector<256x64xf32>, vector<256x64xf32> -> vector<256x64xf32>
    %get3A_263 = arith.constant 0 : index
    %get3A_264 = vector.load %arg7[%get3A_263] : memref<64xf32, #tpu.memory_space<vmem>>, vector<64xf32>
    %broadcast_in_dim3A_265 = vector.shape_cast %get3A_264 : vector<64xf32> to vector<1x64xf32>
    %add3A_266 = vector.broadcast %broadcast_in_dim3A_265 : vector<1x64xf32> to vector<256x64xf32>
    %add3A_267 = arith.addf %dot_general3A_262, %add3A_266 : vector<256x64xf32>
    %reduce_sum3A = arith.constant dense<0.000000e+00> : vector<64xf32>
    %reduce_sum3A_268 = vector.multi_reduction <add>, %add3A_267, %reduce_sum3A [0] : vector<256x64xf32> to vector<64xf32>
    %broadcast_in_dim3A_269 = vector.shape_cast %reduce_sum3A_268 : vector<64xf32> to vector<1x64xf32>
    %div3A_270 = arith.constant 2.560000e+02 : f32
    %div3A_271 = vector.broadcast %div3A_270 : f32 to vector<1x64xf32>
    %div3A_272 = arith.divf %broadcast_in_dim3A_269, %div3A_271 : vector<1x64xf32>
    %mul3A_273 = arith.mulf %add3A_267, %add3A_267 : vector<256x64xf32>
    %reduce_sum3A_274 = arith.constant dense<0.000000e+00> : vector<64xf32>
    %reduce_sum3A_275 = vector.multi_reduction <add>, %mul3A_273, %reduce_sum3A_274 [0] : vector<256x64xf32> to vector<64xf32>
    %broadcast_in_dim3A_276 = vector.shape_cast %reduce_sum3A_275 : vector<64xf32> to vector<1x64xf32>
    %div3A_277 = arith.constant 2.560000e+02 : f32
    %div3A_278 = vector.broadcast %div3A_277 : f32 to vector<1x64xf32>
    %div3A_279 = arith.divf %broadcast_in_dim3A_276, %div3A_278 : vector<1x64xf32>
    %mul3A_280 = arith.mulf %div3A_272, %div3A_272 : vector<1x64xf32>
    %sub3A = arith.subf %div3A_279, %mul3A_280 : vector<1x64xf32>
    %get3A_281 = arith.constant 0 : index
    %get3A_282 = vector.load %arg8[%get3A_281] : memref<64xf32, #tpu.memory_space<vmem>>, vector<64xf32>
    %sub3A_283 = vector.broadcast %div3A_272 : vector<1x64xf32> to vector<256x64xf32>
    %sub3A_284 = arith.subf %add3A_267, %sub3A_283 : vector<256x64xf32>
    %broadcast_in_dim3A_285 = vector.shape_cast %get3A_282 : vector<64xf32> to vector<1x64xf32>
    %mul3A_286 = vector.broadcast %broadcast_in_dim3A_285 : vector<1x64xf32> to vector<256x64xf32>
    %mul3A_287 = arith.mulf %mul3A_286, %sub3A_284 : vector<256x64xf32>
    %add3A_288 = arith.constant 9.99999974E-6 : f32
    %add3A_289 = vector.broadcast %add3A_288 : f32 to vector<1x64xf32>
    %add3A_290 = arith.addf %sub3A, %add3A_289 : vector<1x64xf32>
    %rsqrt3A_291 = math.rsqrt %add3A_290 : vector<1x64xf32>
    %mul3A_292 = vector.broadcast %rsqrt3A_291 : vector<1x64xf32> to vector<256x64xf32>
    %mul3A_293 = arith.mulf %mul3A_287, %mul3A_292 : vector<256x64xf32>
    %get3A_294 = arith.constant 0 : index
    %get3A_295 = vector.load %arg9[%get3A_294] : memref<64xf32, #tpu.memory_space<vmem>>, vector<64xf32>
    %broadcast_in_dim3A_296 = vector.shape_cast %get3A_295 : vector<64xf32> to vector<1x64xf32>
    %add3A_297 = vector.broadcast %broadcast_in_dim3A_296 : vector<1x64xf32> to vector<256x64xf32>
    %add3A_298 = arith.addf %mul3A_293, %add3A_297 : vector<256x64xf32>
    %neg3A_299 = arith.constant 0.000000e+00 : f32
    %neg3A_300 = vector.broadcast %neg3A_299 : f32 to vector<256x64xf32>
    %neg3A_301 = arith.subf %neg3A_300, %add3A_298 : vector<256x64xf32>
    %exp3A_302 = math.exp %neg3A_301 : vector<256x64xf32>
    %add3A_303 = arith.constant 1.000000e+00 : f32
    %add3A_304 = vector.broadcast %add3A_303 : f32 to vector<256x64xf32>
    %add3A_305 = arith.addf %add3A_304, %exp3A_302 : vector<256x64xf32>
    %div3A_306 = arith.constant 1.000000e+00 : f32
    %div3A_307 = vector.broadcast %div3A_306 : f32 to vector<256x64xf32>
    %div3A_308 = arith.divf %div3A_307, %add3A_305 : vector<256x64xf32>
    %mul3A_309 = arith.mulf %add3A_298, %div3A_308 : vector<256x64xf32>
    %get3A_310 = arith.constant 0 : index
    %get3A_311 = arith.constant 0 : index
    %get3A_312 = vector.load %arg10[%get3A_310, %get3A_311] : memref<64x64xf32, #tpu.memory_space<vmem>>, vector<64x64xf32>
    %dot_general3A_313 = arith.constant dense<0.000000e+00> : vector<256x64xf32>
    %dot_general3A_314 = tpu.matmul %mul3A_309, %get3A_312, %dot_general3A_313 {dimension_numbers = #tpu.dot_dimension_numbers<[1], [0], [0], [1], [0, 0, 1, 1], [], []>, transpose_lhs_hint = false} : vector<256x64xf32>, vector<64x64xf32>, vector<256x64xf32> -> vector<256x64xf32>
    %get3A_315 = arith.constant 0 : index
    %get3A_316 = vector.load %arg11[%get3A_315] : memref<64xf32, #tpu.memory_space<vmem>>, vector<64xf32>
    %broadcast_in_dim3A_317 = vector.shape_cast %get3A_316 : vector<64xf32> to vector<1x64xf32>
    %add3A_318 = vector.broadcast %broadcast_in_dim3A_317 : vector<1x64xf32> to vector<256x64xf32>
    %add3A_319 = arith.addf %dot_general3A_314, %add3A_318 : vector<256x64xf32>
    %neg3A_320 = arith.constant 0.000000e+00 : f32
    %neg3A_321 = vector.broadcast %neg3A_320 : f32 to vector<256x64xf32>
    %neg3A_322 = arith.subf %neg3A_321, %add3A_319 : vector<256x64xf32>
    %exp3A_323 = math.exp %neg3A_322 : vector<256x64xf32>
    %add3A_324 = arith.constant 1.000000e+00 : f32
    %add3A_325 = vector.broadcast %add3A_324 : f32 to vector<256x64xf32>
    %add3A_326 = arith.addf %add3A_325, %exp3A_323 : vector<256x64xf32>
    %div3A_327 = arith.constant 1.000000e+00 : f32
    %div3A_328 = vector.broadcast %div3A_327 : f32 to vector<256x64xf32>
    %div3A_329 = arith.divf %div3A_328, %add3A_326 : vector<256x64xf32>
    %mul3A_330 = arith.mulf %add3A_319, %div3A_329 : vector<256x64xf32>
    %get3A_331 = arith.constant 0 : index
    %get3A_332 = arith.constant 0 : index
    %get3A_333 = vector.load %arg12[%get3A_331, %get3A_332] : memref<64x128xf32, #tpu.memory_space<vmem>>, vector<64x128xf32>
    %dot_general3A_334 = arith.constant dense<0.000000e+00> : vector<256x128xf32>
    %dot_general3A_335 = tpu.matmul %add3A_254, %get3A_333, %dot_general3A_334 {dimension_numbers = #tpu.dot_dimension_numbers<[1], [0], [0], [1], [0, 0, 1, 1], [], []>, transpose_lhs_hint = false} : vector<256x64xf32>, vector<64x128xf32>, vector<256x128xf32> -> vector<256x128xf32>
    %get3A_336 = arith.constant 0 : index
    %get3A_337 = arith.constant 0 : index
    %get3A_338 = vector.load %arg13[%get3A_336, %get3A_337] : memref<64x128xf32, #tpu.memory_space<vmem>>, vector<64x128xf32>
    %dot_general3A_339 = arith.constant dense<0.000000e+00> : vector<256x128xf32>
    %dot_general3A_340 = tpu.matmul %mul3A_330, %get3A_338, %dot_general3A_339 {dimension_numbers = #tpu.dot_dimension_numbers<[1], [0], [0], [1], [0, 0, 1, 1], [], []>, transpose_lhs_hint = false} : vector<256x64xf32>, vector<64x128xf32>, vector<256x128xf32> -> vector<256x128xf32>
    %add3A_341 = arith.addf %dot_general3A_335, %dot_general3A_340 : vector<256x128xf32>
    %get3A_342 = arith.constant 0 : index
    %get3A_343 = vector.load %arg14[%get3A_342] : memref<128xf32, #tpu.memory_space<vmem>>, vector<128xf32>
    %broadcast_in_dim3A_344 = vector.shape_cast %get3A_343 : vector<128xf32> to vector<1x128xf32>
    %add3A_345 = vector.broadcast %broadcast_in_dim3A_344 : vector<1x128xf32> to vector<256x128xf32>
    %add3A_346 = arith.addf %add3A_341, %add3A_345 : vector<256x128xf32>
    %neg3A_347 = arith.constant 0.000000e+00 : f32
    %neg3A_348 = vector.broadcast %neg3A_347 : f32 to vector<256x128xf32>
    %neg3A_349 = arith.subf %neg3A_348, %add3A_346 : vector<256x128xf32>
    %exp3A_350 = math.exp %neg3A_349 : vector<256x128xf32>
    %add3A_351 = arith.constant 1.000000e+00 : f32
    %add3A_352 = vector.broadcast %add3A_351 : f32 to vector<256x128xf32>
    %add3A_353 = arith.addf %add3A_352, %exp3A_350 : vector<256x128xf32>
    %div3A_354 = arith.constant 1.000000e+00 : f32
    %div3A_355 = vector.broadcast %div3A_354 : f32 to vector<256x128xf32>
    %div3A_356 = arith.divf %div3A_355, %add3A_353 : vector<256x128xf32>
    %mul3A_357 = arith.mulf %add3A_346, %div3A_356 : vector<256x128xf32>
    %get3A_358 = arith.constant 0 : index
    %get3A_359 = arith.constant 0 : index
    %get3A_360 = vector.load %arg15[%get3A_358, %get3A_359] : memref<128x64xf32, #tpu.memory_space<vmem>>, vector<128x64xf32>
    %dot_general3A_361 = arith.constant dense<0.000000e+00> : vector<256x64xf32>
    %dot_general3A_362 = tpu.matmul %mul3A_357, %get3A_360, %dot_general3A_361 {dimension_numbers = #tpu.dot_dimension_numbers<[1], [0], [0], [1], [0, 0, 1, 1], [], []>, transpose_lhs_hint = false} : vector<256x128xf32>, vector<128x64xf32>, vector<256x64xf32> -> vector<256x64xf32>
    %get3A_363 = arith.constant 0 : index
    %get3A_364 = vector.load %arg16[%get3A_363] : memref<64xf32, #tpu.memory_space<vmem>>, vector<64xf32>
    %broadcast_in_dim3A_365 = vector.shape_cast %get3A_364 : vector<64xf32> to vector<1x64xf32>
    %add3A_366 = vector.broadcast %broadcast_in_dim3A_365 : vector<1x64xf32> to vector<256x64xf32>
    %add3A_367 = arith.addf %dot_general3A_362, %add3A_366 : vector<256x64xf32>
    %neg3A_368 = arith.constant 0.000000e+00 : f32
    %neg3A_369 = vector.broadcast %neg3A_368 : f32 to vector<256x64xf32>
    %neg3A_370 = arith.subf %neg3A_369, %add3A_367 : vector<256x64xf32>
    %exp3A_371 = math.exp %neg3A_370 : vector<256x64xf32>
    %add3A_372 = arith.constant 1.000000e+00 : f32
    %add3A_373 = vector.broadcast %add3A_372 : f32 to vector<256x64xf32>
    %add3A_374 = arith.addf %add3A_373, %exp3A_371 : vector<256x64xf32>
    %div3A_375 = arith.constant 1.000000e+00 : f32
    %div3A_376 = vector.broadcast %div3A_375 : f32 to vector<256x64xf32>
    %div3A_377 = arith.divf %div3A_376, %add3A_374 : vector<256x64xf32>
    %mul3A_378 = arith.mulf %add3A_367, %div3A_377 : vector<256x64xf32>
    %get3A_379 = arith.constant 0 : index
    %get3A_380 = arith.constant 0 : index
    %get3A_381 = vector.load %arg17[%get3A_379, %get3A_380] : memref<64x128xf32, #tpu.memory_space<vmem>>, vector<64x128xf32>
    %dot_general3A_382 = arith.constant dense<0.000000e+00> : vector<256x128xf32>
    %dot_general3A_383 = tpu.matmul %mul3A_378, %get3A_381, %dot_general3A_382 {dimension_numbers = #tpu.dot_dimension_numbers<[1], [0], [0], [1], [0, 0, 1, 1], [], []>, transpose_lhs_hint = false} : vector<256x64xf32>, vector<64x128xf32>, vector<256x128xf32> -> vector<256x128xf32>
    %get3A_384 = arith.constant 0 : index
    %get3A_385 = vector.load %arg18[%get3A_384] : memref<128xf32, #tpu.memory_space<vmem>>, vector<128xf32>
    %broadcast_in_dim3A_386 = vector.shape_cast %get3A_385 : vector<128xf32> to vector<1x128xf32>
    %add3A_387 = vector.broadcast %broadcast_in_dim3A_386 : vector<1x128xf32> to vector<256x128xf32>
    %add3A_388 = arith.addf %dot_general3A_383, %add3A_387 : vector<256x128xf32>
    %swap3A = arith.constant 0 : index
    %swap3A_389 = arith.constant 0 : index
    %swap3A_390 = vector.load %arg19[%swap3A, %swap3A_389] : memref<256x128xf32, #tpu.memory_space<vmem>>, vector<256x128xf32>
    tpu.vector_store %arg19[%swap3A, %swap3A_389], %add3A_388 {strides = array<i32>} : memref<256x128xf32, #tpu.memory_space<vmem>>, vector<256x128xf32>,
    return
  }
}

</mosaic_0001>

<sc_bundles>
// kernel: kernel.10.cloned.1.call-start
scs
__scs_entry_jumppad:
0x0: {  	(pc) =	sbr.rel $0x88, $3  }
0x1: {  	(tag) =	ssettag $0x0;
	lr =	simm.s32 $0x1  }
0x2: {  	[smem:$0x3F89] =	sst lr;
	_ =	strace $0xD0000000  }
0x3: {  	_ = 	snop  }
0x4: {  	_ = 	snop  }
0x5: {  	_ = 	snop  }
0x6: {  	_ = 	snop  }
0x7: {  	_ = 	snop  }
__scs_overlays_trampoline_lowered:
0x8: {  	[smem:$0x3F98] =	sst s0  }
0x9: {  	[smem:$0x3F99] =	sst s1  }
0xa: {  	[smem:$0x3F9A] =	sst s2  }
0xb: {  	[smem:$0x3F9B] =	sst s3  }
0xc: {  	[smem:$0x3F9C] =	sst s4  }
0xd: {  	[smem:$0x3F9D] =	sst s5  }
0xe: {  	[smem:$0x3F9E] =	sst s6  }
0xf: {  	[smem:$0x3F9F] =	sst s7  }
0x10: {  	[smem:$0x3FA0] =	sst s8  }
0x11: {  	[smem:$0x3FA1] =	sst s9;
	s0 =	simm.s32 @!p0 $0x0  }
0x12: {  	s1 =	sld [smem:$0x3F87];
	s0 =	simm.s32 @p0 $0x1  }
0x13: {  	[smem:$0x3FA2] =	sst s0;
	s0 =	simm.s32 @!p1 $0x0  }
0x14: {  	s2 =	sld [smem:$0x3F86];
	s0 =	simm.s32 @p1 $0x1  }
0x15: {  	[smem:$0x3FA3] =	sst s0;
	s0 =	simm.s32 @!p2 $0x0  }
0x16: {  	s3 =	sld [smem:$0x3FDB];
	s0 =	simm.s32 @p2 $0x1  }
0x17: {  	s4 =	simm.s32 $0x1BF5;
	[smem:$0x3FA5] =	sst s0  }
0x18: {  	s0 =	sld [smem:$0x3F88];
	_ =	swait.ge [sflag:s4], $0x0  }
0x19: {  	s7 =	sld [smem:$0x3F89]  }
0x1a: {  	s8 =	sadd.s32 $0xFFFFE003, lr  }
0x1b: {  	s9 =	sadd.s32 $0xFFFFFEF7, lr;
	s5 =	simm.s32 $0xFFFFFFFF;
	p2 =	slt.u32 s8, $0xFFFFF086  }
0x1c: {  	p1 =	slt.u32 s9, $0xF7A;
	s5 =	simm.s32 @!p2 $0x0  }
0x1d: {  	s5 =	simm.s32 @p1 $0x1;
	p0 =	seq.s32 s7, s2  }
0x1e: {  	s7 =	smul.u32 @!p0 $0xF7A, s2;
	p2 =	seq.s32 @!p0 s5, $0x0  }
0x1f: {  	s9 =	smul.u32 $0xF7A, s1;
	s8 =	simm.s32 @!p0 $0x1BF5;
	p2 =	por !p2, p0  }
0x20: {  	[sflag:s8] =	ssyncset.s32 @!p0 $0xFFFFF086;
	s6 =	sadd.s32 @!p0 s3, s7;
	s7 =	simm.s32 @!p0 $0x108  }
0x21: {  	s3 =	sadd.s32 s3, s9;
	s6 =	sadd.s32 @!p0 $0x88, s6;
	s7 =	simm.s32 @p2 $0x1082  }
0x22: {  	[simem:s7], [sflag:s8] =	dma.local @!p0 [hbm:s6], $0xF7A  }
0x23: {  	s9 =	sor.u32 $0xD0000000, s2;
	s6 =	simm.s32 $0x108;
	_ =	swait.ge @!p0 [sflag:s8], $0x0  }
0x24: {  	s3 =	sadd.s32 $0x88, s3;
	s6 =	simm.s32 @!p1 $0x1082;
	[sflag:s4] =	ssyncset.s32 $0xFFFFF086  }
0x25: {  	[simem:s6], [sflag:s4] =	dma.local [hbm:s3], $0xF7A  }
0x26: {  	[smem:$0x3F89] =	sst s1;
	(tag) =	ssettag s2;
	_ =	strace s9  }
0x27: {  	s1 =	sld [smem:$0x3F99]  }
0x28: {  	s2 =	sld [smem:$0x3F9A]  }
0x29: {  	s4 =	sld [smem:$0x3F9C]  }
0x2a: {  	p0 =	seq.s32 s5, $0x0;
	s5 =	sld [smem:$0x3F9D]  }
0x2b: {  	s6 =	sld [smem:$0x3F9E]  }
0x2c: {  	s7 =	sld [smem:$0x3F9F]  }
0x2d: {  	s3 =	simm.s32 $0x108;
	s8 =	sld [smem:$0x3FA0]  }
0x2e: {  	s3 =	simm.s32 @!p0 $0x1082;
	s9 =	sld [smem:$0x3FA1]  }
0x2f: {  	lr =	sadd.s32 s0, s3;
	s0 =	sld [smem:$0x3F98]  }
0x30: {  	s3 =	sld [smem:$0x3F9B]  }
0x31: {  	[smem:$0x3FA4] =	sst s10  }
0x32: {  	s10 =	sld [smem:$0x3FA2];
	_ =	sdelay $0x3  }
0x33: {  	p0 =	seq.s32 s10, $0x1;
	s10 =	sld [smem:$0x3FA4];
	_ =	sdelay $0x3  }
0x34: {  	[smem:$0x3FA4] =	sst s10  }
0x35: {  	s10 =	sld [smem:$0x3FA3];
	_ =	sdelay $0x3  }
0x36: {  	p1 =	seq.s32 s10, $0x1;
	s10 =	sld [smem:$0x3FA4];
	_ =	sdelay $0x3  }
0x37: {  	[smem:$0x3FA4] =	sst s10  }
0x38: {  	s10 =	sld [smem:$0x3FA5]  }
0x39: {  	_ = 	snop;
	(pc) =	sbr.ind lr, $3  }
0x3a: {  	_ = 	snop  }
0x3b: {  	_ = 	snop  }
0x3c: {  	p2 =	seq.s32 s10, $0x1;
	s10 =	sld [smem:$0x3FA4]  }
0x3d: {  	_ =	shalt  }
0x3e: {  	_ =	shalt  }
0x3f: {  	_ =	shalt  }
0x40: {  	_ =	shalt  }
0x41: {  	_ =	shalt  }
0x42: {  	_ =	shalt  }
0x43: {  	_ =	shalt  }
0x44: {  	_ =	shalt  }
0x45: {  	_ =	shalt  }
0x46: {  	_ =	shalt  }
0x47: {  	_ =	shalt  }
0x48: {  	_ =	shalt  }
0x49: {  	_ =	shalt  }
0x4a: {  	_ =	shalt  }
0x4b: {  	_ =	shalt  }
0x4c: {  	_ =	shalt  }
0x4d: {  	_ =	shalt  }
0x4e: {  	_ =	shalt  }
0x4f: {  	_ =	shalt  }
0x50: {  	_ =	shalt  }
0x51: {  	_ =	shalt  }
0x52: {  	_ =	shalt  }
0x53: {  	_ =	shalt  }
0x54: {  	_ =	shalt  }
0x55: {  	_ =	shalt  }
0x56: {  	_ =	shalt  }
0x57: {  	_ =	shalt  }
0x58: {  	_ =	shalt  }
0x59: {  	_ =	shalt  }
0x5a: {  	_ =	shalt  }
0x5b: {  	_ =	shalt  }
0x5c: {  	_ =	shalt  }
0x5d: {  	_ =	shalt  }
0x5e: {  	_ =	shalt  }
0x5f: {  	_ =	shalt  }
0x60: {  	_ =	shalt  }
0x61: {  	_ =	shalt  }
0x62: {  	_ =	shalt  }
0x63: {  	_ =	shalt  }
0x64: {  	_ =	shalt  }
0x65: {  	_ =	shalt  }
0x66: {  	_ =	shalt  }
0x67: {  	_ =	shalt  }
0x68: {  	_ =	shalt  }
0x69: {  	_ =	shalt  }
0x6a: {  	_ =	shalt  }
0x6b: {  	_ =	shalt  }
0x6c: {  	_ =	shalt  }
0x6d: {  	_ =	shalt  }
0x6e: {  	_ =	shalt  }
0x6f: {  	_ =	shalt  }
0x70: {  	_ =	shalt  }
0x71: {  	_ =	shalt  }
0x72: {  	_ =	shalt  }
0x73: {  	_ =	shalt  }
0x74: {  	_ =	shalt  }
0x75: {  	_ =	shalt  }
0x76: {  	_ =	shalt  }
0x77: {  	_ =	shalt  }
0x78: {  	_ =	shalt  }
0x79: {  	_ =	shalt  }
0x7a: {  	_ =	shalt  }
0x7b: {  	_ =	shalt  }
0x7c: {  	_ =	shalt  }
0x7d: {  	_ =	shalt  }
0x7e: {  	_ =	shalt  }
0x7f: {  	_ =	shalt  }
0x80: {  	_ =	shalt  }
0x81: {  	_ =	shalt  }
0x82: {  	_ =	shalt  }
0x83: {  	_ =	shalt  }
0x84: {  	_ =	shalt  }
0x85: {  	_ =	shalt  }
0x86: {  	_ =	shalt  }
0x87: {  	_ =	shalt  }
.Lfunc_end0:
.L_simem_size_0:
called_computation_lowered:
.L_overlay_start_0:
0x88: {  	s2 =	sld [smem:$0x3FD9]  }
0x89: {  	s3 =	sld [smem:$0x3FFE];
	_ =	sdelay $0x1  }
0x8a: {  	s1 =	srdreg.scid  }
0x8b: {  	s0 =	sand.u32 $0x1, s1  }
0x8c: {  	s16 =	sshll.u32 s0, $0xA;
	s2 =	sadd.s32 s3, s2  }
0x8d: {  	s2 =	sadd.s32 s2, s16  }
0x8e: {  	[smem:$0x3FB0] =	sst s2  }
0x8f: {  	_ = 	snop  }
0x90: {  	(tm) =	ssettm $0x1  }
0x91: {  	s17 =	sld [smem:$0x3FFB];
	_ =	sdelay $0x3  }
0x92: {  	_ =	strace s17  }
0x93: {  	s2 =	sld [smem:$0x3FFC];
	_ =	sdelay $0x3  }
0x94: {  	_ =	strace s2  }
0x95: {  	s2 =	sld [smem:$0x3FFD];
	_ =	sdelay $0x3  }
0x96: {  	_ =	strace s2  }
0x97: {  	_ =	strace $0x8FFFFFFF  }
0x98: {  	s18 =	sld [smem:$0x3FDB];
	_ =	sdelay $0x1  }
0x99: {  	s19 =	simm.s32 $_scs_section_size  }
0x9a: {  	s4 =	simm.s32 $_size__tile_overlayer_lowered;
	s5 =	simm.s32 $_tile_overlayer_lowered  }
0x9b: {  	s22 =	simm.s32 $0x1BFF;
	s21 =	sshll.u32 s5, $0x1;
	s2 =	sadd.s32 s19, s18  }
0x9c: {  	s6 =	simm.s32 $0x0;
	s20 =	sshll.u32 s4, $0x1;
	s4 =	sadd.s32 s21, s2  }
0x9d: {  	[timem:s6], [sflag:s22] =	dma.local [hbm:s4], s20  }
0x9e: {  	_ =	swait.ge [sflag:s22], s20  }
0x9f: {  	s3 =	ssub.s32 $0x0, s20;
	[sflag:s22] =	ssyncset.done $0x0  }
0xa0: {  	[sflag:s22] =	ssyncadd.s32 s3;
	_ =	sdelay $0x1  }
0xa1: {  	s23 =	simm.s32 $0x1B8B  }
0xa2: {  	_ =	swait.ge [sflag:s23], $0x1  }
0xa3: {  	[sflag:s23] =	ssyncset.done $0x0  }
0xa4: {  	s25 =	simm.s32 $0x1B8E;
	s24 =	sld [smem:$0x3FFE];
	[sflag:s23] =	ssyncadd.s32 $0xFFFFFFFF  }
0xa5: {  	s26 =	simm.s32 $execute0_lowered;
	[smem:$0x3FD2] =	sst s25  }
0xa6: {  	s4 =	sshll.u32 s26, $0x1;
	_ =	strace $0x80000046;
	[dreg:$0x1] =	wrdreg $0xFFFFFFFF  }
0xa7: {  	s28 =	simm.s32 $_size_execute0_lowered;
	s2 =	sadd.s32 s2, s4;
	[dreg:$0x0] =	wrdreg $0x0  }
0xa8: {  	s4 =	sshll.u32 s28, $0x1;
	[dreg:$0x2] =	wrdreg s2  }
0xa9: {  	[dreg:$0x3] =	wrdreg s4  }
0xaa: {  	[dreg:$0x4] =	wrdreg $0xC0  }
0xab: {  	_ =	task [dreg:s6], $0x5FFFF  }
0xac: {  	[dreg:$0x1] =	wrdreg $0xFFFFFFFF  }
0xad: {  	[dreg:$0x0] =	wrdreg $0x60  }
0xae: {  	[dreg:$0x2] =	wrdreg s24  }
0xaf: {  	[dreg:$0x3] =	wrdreg $0x3D000  }
0xb0: {  	[dreg:$0x4] =	wrdreg $0x9  }
0xb1: {  	_ =	task.clear_ibuf [dreg:s6], $0x5FFFF;
	_ =	strace $0x90000046  }
0xb2: {  	s29 =	simm.s32 $0x9;
	_ =	strace $0x80000048  }
0xb3: {  	_ =	swait.ge [sflag:s29], $0x1  }
0xb4: {  	[sflag:s29] =	ssyncadd.s32 $0xFFFFFFFF  }
0xb5: {  	_ =	strace $0x90000048  }
0xb6: {  	_ =	sfence  }
0xb7: {  	s30 =	sld [smem:$0x0];
	_ =	sdelay $0x2  }
0xb8: {  	s31 =	sshll.u32 s1, $0xD;
	s1 =	sshrl.u32 s1, $0x2  }
0xb9: {  	s3 =	sand.u32 $0x4000, s31;
	s1 =	sadd.s32 s1, s30  }
0xba: {  	s0 =	sor.u32 s3, s0;
	s1 =	sshll.u32 s1, $0x11  }
0xbb: {  	s0 =	sor.u32 s1, s0  }
0xbc: {  	s0 =	sadd.s32 $0x8F2B, s0  }
0xbd: {  	[sflag:s0] =	ssyncadd.remote.s32 $0x1  }
0xbe: {  	_ =	sfence.sel $0xFFFF  }
0xbf: {  	[dreg:$0x0] =	wrdreg $0xFFFFFFFF;
	(pc) =	sbr.abs _section_cstart, $3  }
0xc0: {  	[dreg:$0x1] =	wrdreg $0xFFFFFFFF  }
0xc1: {  	_ =	task.clear_ibuf [dreg:s6], $0x2FFFF;
	_ =	strace $0x9FFFFFFF  }
0xc2: {  	(tm) =	ssettm $0x7FFFFFFF  }
0xc3: {  	_ =	shalt  }
tec
execute0_lowered:
.L_overlay_start_1:
0x0: {  	(tag) =	ssettag $0x1  }
0x1: {  	s0 =	stileid.u32;
	s6 =	rddreg [dreg:$0x0]  }
0x2: {  	s1 =	srdreg.scid;
	s2 =	rddreg [dreg:$0x1]  }
0x3: {  	s3 =	simm.s32 $0x0;
	s15 =	simm.s32 $0x80;
	s16 =	simm.s32 $0x1  }
0x4: {  	s8 =	smul.u32 $0x2800, s0;
	s7 =	sand.u32 $0x1, s1;
	s1 =	rddreg [dreg:$0x2]  }
0x5: {  	s17 =	simm.s32 $0x0;
	s9 =	smul.u32 $0x500, s0;
	[smem:$0x7FF] =	sst s3  }
0x6: {  	s13 =	sadd.s32 $0x3600, s6;
	s5 =	sadd.s32 $0x12600, s6;
	s4 =	smul.u32 $0xFFFFFFCC, s7  }
0x7: {  	s31 =	sshll.u32 s0, $0x6;
	s10 =	smul.u32 $0x5000, s7;
	_ =	strace $0x80000047  }
0x8: {  	s25 =	ssub.s32 $0x2, s7;
	p0 =	seq.s32 s7, $0x1;
	s11 =	sshrl.u32 s8, $0x3  }
0x9: {  	s26 =	sshrl.u32 s25, $0x1;
	s30 =	sadd.s32 s8, s2;
	s4 =	sadd.s32 $0x6A, s4  }
0xa: {  	s11 =	sadd.s32 s11, s6;
	s9 =	sadd.s32 s9, s10;
	s12 =	smul.u32 s0, s4  }
0xb: {  	s10 =	ssub.s32 s25, s26;
	s9 =	sadd.s32 s9, s6;
	s8 =	sadd.s32 $0xD600, s11  }
0xc: {  	s10 =	smax.u32 s10, $0x1;
	s11 =	simm.s32 $0x3500;
	s12 =	sshll.u32 s12, $0x4  }
0xd: {  	s9 =	sadd.s32 $0x12800, s9;
	s14 =	sadd.s32 $0x6A00, s12;
	s28 =	sand.u32 $0x1FFFFFE0, s12  }
0xe: {  	s12 =	simm.s32 $0x2;
	s29 =	sand.u32 $0x1FFFFFE0, s14;
	s6 =	sadd.s32 s13, s28  }
0xf: {  	s14 =	sshrl.u32 s30, $0x3;
	s7 =	sadd.s32 s13, s29;
	s13 =	sor.u32 $0x1C02, s31  }
.LBB2_1:
0x10: {  	[tilespmem:s11], [sflag:$0x2] =	stream.linear.gather [hbm4b:s5+s3], $0x800, $0x38;
	[tilespmem:$0x6500] =	vst v63  }
0x11: {  	_ =	swait.ge [sflag:s12], $0x800  }
0x12: {  	[sflag:s12] =	ssyncset.done $0x0  }
0x13: {  	s18 =	simm.s32 @p0 $0x0;
	[sflag:s12] =	ssyncadd.s32 $0xFFFFF800  }
0x14: {  	[tilespmem:s18], [sflag:$0x2] =	stream.linear.gather @p0 [hbm4b:s7+s18], $0x1B00, $0x38;
	[tilespmem:$0x6500] =	vst v63  }
0x15: {  	s18 =	simm.s32 @p0 $0x2  }
0x16: {  	_ =	swait.ge @p0 [sflag:s18], $0x1B00  }
0x17: {  	[sflag:s18] =	ssyncset.done @p0 $0x0  }
0x18: {  	[sflag:s18] =	ssyncadd.s32 @p0 $0xFFFFE500;
	s18 =	simm.s32 @!p0 $0x0  }
0x19: {  	[tilespmem:s18], [sflag:$0x2] =	stream.linear.gather @!p0 [hbm4b:s6+s18], $0x3500, $0x38;
	[tilespmem:$0x6500] =	vst v63  }
0x1a: {  	s18 =	simm.s32 @!p0 $0x2  }
0x1b: {  	_ =	swait.ge @!p0 [sflag:s18], $0x3500  }
0x1c: {  	[sflag:s18] =	ssyncset.done @!p0 $0x0  }
0x1d: {  	p1 =	sne.s32 s4, $0x1;
	[sflag:s18] =	ssyncadd.s32 @!p0 $0xFFFFCB00  }
0x1e: {  	[spmem:s14], [sflag:s13] =	dma.local [hbm:s8], $0x500  }
.Ltmp0:
0x1f: {  	_ =	swait.ge [sflag:s12], $0x500;
	(pc) =	sbr.rel @!p1 .LBB2_3-.Ltmp0, $4  }
0x20: {  	[sflag:s12] =	ssyncset.done $0x0  }
0x21: {  	[sflag:s12] =	ssyncadd.s32 $0xFFFFFB00  }
0x22: {  	s19 =	simm.s32 $0x0;
	s18 =	sadd.s32 $0xFFFFFFFF, s4;
	[bflag:$0x0] =	sbarrier.arrive $0xFFFF  }
0x23: {  	[spmem:s2] =	stream.indirect.scatter.add.f32 [tilespmem:s11], [sflag:$0x1], $0x10, s3, s15, $0xb8;
	[tilespmem:$0x6500] =	vst v63  }
.LBB2_2:
0x24: {  	p2 =	sne.s32 s18, $0x1  }
.Ltmp1:
0x25: {  	_ = 	snop;
	(pc) =	sbr.rel @p2 .LBB2_2-.Ltmp1, $3  }
0x26: {  	_ = 	snop  }
0x27: {  	s18 =	sadd.s32 $0xFFFFFFFF, s18;
	s19 =	sadd.s32 $0x80, s19;
	_ =	sdelay $0x1  }
0x28: {  	[spmem:s2] =	stream.indirect.scatter.add.f32 [tilespmem:s11], [sflag:$0x1], $0x10, s19, s15, $0xb8;
	[tilespmem:$0x6500] =	vst v63  }
.LBB2_3:
.Ltmp2:
0x29: {  	(pc) =	sbr.rel @!p1 .LBB2_5-.Ltmp2, $3  }
0x2a: {  	_ =	sdelay $0x1  }
0x2b: {  	_ =	swait.ge [sflag:s16], $0x800  }
0x2c: {  	s18 =	sadd.s32 $0xFFFFFFFF, s4;
	[sflag:s16] =	ssyncset.done $0x0  }
.LBB2_4:
0x2d: {  	p1 =	sne.s32 s18, $0x1;
	s18 =	sadd.s32 $0xFFFFFFFF, s18;
	[sflag:s16] =	ssyncadd.s32 $0xFFFFF800  }
.Ltmp3:
0x2e: {  	(pc) =	sbr.rel @p1 .LBB2_4-.Ltmp3, $3  }
0x2f: {  	_ =	sdelay $0x1  }
0x30: {  	_ =	swait.ge [sflag:s16], $0x800  }
0x31: {  	[sflag:s16] =	ssyncset.done $0x0  }
.LBB2_5:
0x32: {  	s17 =	sadd.s32 $0x1, s17  }
0x33: {  	[sflag:s16] =	ssyncadd.s32 $0xFFFFF800;
	p1 =	sne.s32 s17, s10  }
.Ltmp4:
0x34: {  	[bflag:$0x0] =	sbarrier.arrive $0xFFFF;
	(pc) =	sbr.rel @p1 .LBB2_1-.Ltmp4, $4  }
0x35: {  	[hbm:s9], [sflag:s13] =	dma.local [spmem:s14], $0x500  }
0x36: {  	_ =	swait.ge [sflag:s12], $0x500  }
0x37: {  	[sflag:s12] =	ssyncset.done $0x0  }
0x38: {  	[sflag:s12] =	ssyncadd.s32 $0xFFFFFB00  }
0x39: {  	_ =	sfence.sel $0x180000  }
0x3a: {  	[bflag:$0x0] =	sbarrier.arrive $0xFFFF  }
0x3b: {  	p0 =	sne.s32 s0, $0x0;
	_ =	strace $0x90000047  }
0x3c: {  	s0 =	sadd.s32 @!p0 $0x100000, s1;
	[bflag:$0x2] =	sbarrier.arrive $0xFFFF  }
0x3d: {  	[sflag:s0] =	ssyncadd.tile.s32 @!p0 $0x1;
	_ =	shalt  }
.Lfunc_end2:
_tile_overlayer_lowered:
.L_overlay_start_2:
0x3e: {  	(tag) =	ssettag $0x2  }
0x3f: {  	s0 =	rddreg [dreg:$0x0];
	s2 =	stileid.u32  }
0x40: {  	s1 =	rddreg [dreg:$0x1];
	p0 =	sne.s32 s2, $0x0  }
0x41: {  	s3 =	rddreg [dreg:$0x2];
	[bflag:$0x3] =	sbarrier.arrive $0xFFFF;
	s2 =	simm.s32 @!p0 $0x1C02  }
0x42: {  	[timem:s3], [sflag:s2] =	dma.local @!p0 [hbm:s0], s1  }
0x43: {  	s0 =	simm.s32 @!p0 $0x2  }
0x44: {  	_ =	swait.ge @!p0 [sflag:s0], s1  }
0x45: {  	s1 =	ssub.s32 @!p0 $0x0, s1;
	[sflag:s0] =	ssyncset.done @!p0 $0x0  }
0x46: {  	[sflag:s0] =	ssyncadd.s32 @!p0 s1  }
0x47: {  	[bflag:$0x3] =	sbarrier.arrive $0xFFFF  }
0x48: {  	_ =	shalt  }

// kernel: kernel.13.cloned.1.call-start
scs
__scs_entry_jumppad:
0x0: {  	(pc) =	sbr.rel $0x88, $3  }
0x1: {  	(tag) =	ssettag $0x0;
	lr =	simm.s32 $0x1  }
0x2: {  	[smem:$0x3F89] =	sst lr;
	_ =	strace $0xD0000000  }
0x3: {  	_ = 	snop  }
0x4: {  	_ = 	snop  }
0x5: {  	_ = 	snop  }
0x6: {  	_ = 	snop  }
0x7: {  	_ = 	snop  }
__scs_overlays_trampoline_lowered:
0x8: {  	[smem:$0x3F98] =	sst s0  }
0x9: {  	[smem:$0x3F99] =	sst s1  }
0xa: {  	[smem:$0x3F9A] =	sst s2  }
0xb: {  	[smem:$0x3F9B] =	sst s3  }
0xc: {  	[smem:$0x3F9C] =	sst s4  }
0xd: {  	[smem:$0x3F9D] =	sst s5  }
0xe: {  	[smem:$0x3F9E] =	sst s6  }
0xf: {  	[smem:$0x3F9F] =	sst s7  }
0x10: {  	[smem:$0x3FA0] =	sst s8  }
0x11: {  	[smem:$0x3FA1] =	sst s9;
	s0 =	simm.s32 @!p0 $0x0  }
0x12: {  	s1 =	sld [smem:$0x3F87];
	s0 =	simm.s32 @p0 $0x1  }
0x13: {  	[smem:$0x3FA2] =	sst s0;
	s0 =	simm.s32 @!p1 $0x0  }
0x14: {  	s2 =	sld [smem:$0x3F86];
	s0 =	simm.s32 @p1 $0x1  }
0x15: {  	[smem:$0x3FA3] =	sst s0;
	s0 =	simm.s32 @!p2 $0x0  }
0x16: {  	s3 =	sld [smem:$0x3FDB];
	s0 =	simm.s32 @p2 $0x1  }
0x17: {  	s4 =	simm.s32 $0x1BF5;
	[smem:$0x3FA5] =	sst s0  }
0x18: {  	s0 =	sld [smem:$0x3F88];
	_ =	swait.ge [sflag:s4], $0x0  }
0x19: {  	s7 =	sld [smem:$0x3F89]  }
0x1a: {  	s8 =	sadd.s32 $0xFFFFE003, lr  }
0x1b: {  	s9 =	sadd.s32 $0xFFFFFEF7, lr;
	s5 =	simm.s32 $0xFFFFFFFF;
	p2 =	slt.u32 s8, $0xFFFFF086  }
0x1c: {  	p1 =	slt.u32 s9, $0xF7A;
	s5 =	simm.s32 @!p2 $0x0  }
0x1d: {  	s5 =	simm.s32 @p1 $0x1;
	p0 =	seq.s32 s7, s2  }
0x1e: {  	s7 =	smul.u32 @!p0 $0xF7A, s2;
	p2 =	seq.s32 @!p0 s5, $0x0  }
0x1f: {  	s9 =	smul.u32 $0xF7A, s1;
	s8 =	simm.s32 @!p0 $0x1BF5;
	p2 =	por !p2, p0  }
0x20: {  	[sflag:s8] =	ssyncset.s32 @!p0 $0xFFFFF086;
	s6 =	sadd.s32 @!p0 s3, s7;
	s7 =	simm.s32 @!p0 $0x108  }
0x21: {  	s3 =	sadd.s32 s3, s9;
	s6 =	sadd.s32 @!p0 $0x88, s6;
	s7 =	simm.s32 @p2 $0x1082  }
0x22: {  	[simem:s7], [sflag:s8] =	dma.local @!p0 [hbm:s6], $0xF7A  }
0x23: {  	s9 =	sor.u32 $0xD0000000, s2;
	s6 =	simm.s32 $0x108;
	_ =	swait.ge @!p0 [sflag:s8], $0x0  }
0x24: {  	s3 =	sadd.s32 $0x88, s3;
	s6 =	simm.s32 @!p1 $0x1082;
	[sflag:s4] =	ssyncset.s32 $0xFFFFF086  }
0x25: {  	[simem:s6], [sflag:s4] =	dma.local [hbm:s3], $0xF7A  }
0x26: {  	[smem:$0x3F89] =	sst s1;
	(tag) =	ssettag s2;
	_ =	strace s9  }
0x27: {  	s1 =	sld [smem:$0x3F99]  }
0x28: {  	s2 =	sld [smem:$0x3F9A]  }
0x29: {  	s4 =	sld [smem:$0x3F9C]  }
0x2a: {  	p0 =	seq.s32 s5, $0x0;
	s5 =	sld [smem:$0x3F9D]  }
0x2b: {  	s6 =	sld [smem:$0x3F9E]  }
0x2c: {  	s7 =	sld [smem:$0x3F9F]  }
0x2d: {  	s3 =	simm.s32 $0x108;
	s8 =	sld [smem:$0x3FA0]  }
0x2e: {  	s3 =	simm.s32 @!p0 $0x1082;
	s9 =	sld [smem:$0x3FA1]  }
0x2f: {  	lr =	sadd.s32 s0, s3;
	s0 =	sld [smem:$0x3F98]  }
0x30: {  	s3 =	sld [smem:$0x3F9B]  }
0x31: {  	[smem:$0x3FA4] =	sst s10  }
0x32: {  	s10 =	sld [smem:$0x3FA2];
	_ =	sdelay $0x3  }
0x33: {  	p0 =	seq.s32 s10, $0x1;
	s10 =	sld [smem:$0x3FA4];
	_ =	sdelay $0x3  }
0x34: {  	[smem:$0x3FA4] =	sst s10  }
0x35: {  	s10 =	sld [smem:$0x3FA3];
	_ =	sdelay $0x3  }
0x36: {  	p1 =	seq.s32 s10, $0x1;
	s10 =	sld [smem:$0x3FA4];
	_ =	sdelay $0x3  }
0x37: {  	[smem:$0x3FA4] =	sst s10  }
0x38: {  	s10 =	sld [smem:$0x3FA5]  }
0x39: {  	_ = 	snop;
	(pc) =	sbr.ind lr, $3  }
0x3a: {  	_ = 	snop  }
0x3b: {  	_ = 	snop  }
0x3c: {  	p2 =	seq.s32 s10, $0x1;
	s10 =	sld [smem:$0x3FA4]  }
0x3d: {  	_ =	shalt  }
0x3e: {  	_ =	shalt  }
0x3f: {  	_ =	shalt  }
0x40: {  	_ =	shalt  }
0x41: {  	_ =	shalt  }
0x42: {  	_ =	shalt  }
0x43: {  	_ =	shalt  }
0x44: {  	_ =	shalt  }
0x45: {  	_ =	shalt  }
0x46: {  	_ =	shalt  }
0x47: {  	_ =	shalt  }
0x48: {  	_ =	shalt  }
0x49: {  	_ =	shalt  }
0x4a: {  	_ =	shalt  }
0x4b: {  	_ =	shalt  }
0x4c: {  	_ =	shalt  }
0x4d: {  	_ =	shalt  }
0x4e: {  	_ =	shalt  }
0x4f: {  	_ =	shalt  }
0x50: {  	_ =	shalt  }
0x51: {  	_ =	shalt  }
0x52: {  	_ =	shalt  }
0x53: {  	_ =	shalt  }
0x54: {  	_ =	shalt  }
0x55: {  	_ =	shalt  }
0x56: {  	_ =	shalt  }
0x57: {  	_ =	shalt  }
0x58: {  	_ =	shalt  }
0x59: {  	_ =	shalt  }
0x5a: {  	_ =	shalt  }
0x5b: {  	_ =	shalt  }
0x5c: {  	_ =	shalt  }
0x5d: {  	_ =	shalt  }
0x5e: {  	_ =	shalt  }
0x5f: {  	_ =	shalt  }
0x60: {  	_ =	shalt  }
0x61: {  	_ =	shalt  }
0x62: {  	_ =	shalt  }
0x63: {  	_ =	shalt  }
0x64: {  	_ =	shalt  }
0x65: {  	_ =	shalt  }
0x66: {  	_ =	shalt  }
0x67: {  	_ =	shalt  }
0x68: {  	_ =	shalt  }
0x69: {  	_ =	shalt  }
0x6a: {  	_ =	shalt  }
0x6b: {  	_ =	shalt  }
0x6c: {  	_ =	shalt  }
0x6d: {  	_ =	shalt  }
0x6e: {  	_ =	shalt  }
0x6f: {  	_ =	shalt  }
0x70: {  	_ =	shalt  }
0x71: {  	_ =	shalt  }
0x72: {  	_ =	shalt  }
0x73: {  	_ =	shalt  }
0x74: {  	_ =	shalt  }
0x75: {  	_ =	shalt  }
0x76: {  	_ =	shalt  }
0x77: {  	_ =	shalt  }
0x78: {  	_ =	shalt  }
0x79: {  	_ =	shalt  }
0x7a: {  	_ =	shalt  }
0x7b: {  	_ =	shalt  }
0x7c: {  	_ =	shalt  }
0x7d: {  	_ =	shalt  }
0x7e: {  	_ =	shalt  }
0x7f: {  	_ =	shalt  }
0x80: {  	_ =	shalt  }
0x81: {  	_ =	shalt  }
0x82: {  	_ =	shalt  }
0x83: {  	_ =	shalt  }
0x84: {  	_ =	shalt  }
0x85: {  	_ =	shalt  }
0x86: {  	_ =	shalt  }
0x87: {  	_ =	shalt  }
.Lfunc_end0:
.L_simem_size_0:
called_computation.1_lowered:
.L_overlay_start_0:
0x88: {  	s2 =	sld [smem:$0x3FD9]  }
0x89: {  	s3 =	sld [smem:$0x3FFE];
	_ =	sdelay $0x1  }
0x8a: {  	s1 =	srdreg.scid  }
0x8b: {  	s0 =	sand.u32 $0x1, s1  }
0x8c: {  	s16 =	sshll.u32 s0, $0xA;
	s2 =	sadd.s32 s3, s2  }
0x8d: {  	s2 =	sadd.s32 s2, s16  }
0x8e: {  	[smem:$0x3FB0] =	sst s2  }
0x8f: {  	_ = 	snop  }
0x90: {  	(tm) =	ssettm $0x1  }
0x91: {  	s17 =	sld [smem:$0x3FFB];
	_ =	sdelay $0x3  }
0x92: {  	_ =	strace s17  }
0x93: {  	s2 =	sld [smem:$0x3FFC];
	_ =	sdelay $0x3  }
0x94: {  	_ =	strace s2  }
0x95: {  	s2 =	sld [smem:$0x3FFD];
	_ =	sdelay $0x3  }
0x96: {  	_ =	strace s2  }
0x97: {  	_ =	strace $0x8FFFFFFF  }
0x98: {  	s18 =	sld [smem:$0x3FDB];
	_ =	sdelay $0x1  }
0x99: {  	s19 =	simm.s32 $_scs_section_size  }
0x9a: {  	s4 =	simm.s32 $_size__tile_overlayer_lowered;
	s5 =	simm.s32 $_tile_overlayer_lowered  }
0x9b: {  	s22 =	simm.s32 $0x1BFF;
	s21 =	sshll.u32 s5, $0x1;
	s2 =	sadd.s32 s19, s18  }
0x9c: {  	s6 =	simm.s32 $0x0;
	s20 =	sshll.u32 s4, $0x1;
	s4 =	sadd.s32 s21, s2  }
0x9d: {  	[timem:s6], [sflag:s22] =	dma.local [hbm:s4], s20  }
0x9e: {  	_ =	swait.ge [sflag:s22], s20  }
0x9f: {  	s3 =	ssub.s32 $0x0, s20;
	[sflag:s22] =	ssyncset.done $0x0  }
0xa0: {  	[sflag:s22] =	ssyncadd.s32 s3;
	_ =	sdelay $0x1  }
0xa1: {  	s23 =	simm.s32 $0x1B8B  }
0xa2: {  	_ =	swait.ge [sflag:s23], $0x1  }
0xa3: {  	[sflag:s23] =	ssyncset.done $0x0  }
0xa4: {  	s25 =	simm.s32 $0x1B8E;
	s24 =	sld [smem:$0x3FFE];
	[sflag:s23] =	ssyncadd.s32 $0xFFFFFFFF  }
0xa5: {  	s26 =	simm.s32 $execute0_lowered;
	[smem:$0x3FD2] =	sst s25  }
0xa6: {  	s4 =	sshll.u32 s26, $0x1;
	_ =	strace $0x80000049;
	[dreg:$0x1] =	wrdreg $0xFFFFFFFF  }
0xa7: {  	s28 =	simm.s32 $_size_execute0_lowered;
	s2 =	sadd.s32 s2, s4;
	[dreg:$0x0] =	wrdreg $0x0  }
0xa8: {  	s4 =	sshll.u32 s28, $0x1;
	[dreg:$0x2] =	wrdreg s2  }
0xa9: {  	[dreg:$0x3] =	wrdreg s4  }
0xaa: {  	[dreg:$0x4] =	wrdreg $0xC0  }
0xab: {  	_ =	task [dreg:s6], $0x5FFFF  }
0xac: {  	[dreg:$0x1] =	wrdreg $0xFFFFFFFF  }
0xad: {  	[dreg:$0x0] =	wrdreg $0x60  }
0xae: {  	[dreg:$0x2] =	wrdreg s24  }
0xaf: {  	[dreg:$0x3] =	wrdreg $0xAA000  }
0xb0: {  	[dreg:$0x4] =	wrdreg $0x9  }
0xb1: {  	_ =	task.clear_ibuf [dreg:s6], $0x5FFFF;
	_ =	strace $0x90000049  }
0xb2: {  	s29 =	simm.s32 $0x9;
	_ =	strace $0x8000004B  }
0xb3: {  	_ =	swait.ge [sflag:s29], $0x1  }
0xb4: {  	[sflag:s29] =	ssyncadd.s32 $0xFFFFFFFF  }
0xb5: {  	_ =	strace $0x9000004B  }
0xb6: {  	_ =	sfence  }
0xb7: {  	s30 =	sld [smem:$0x0];
	_ =	sdelay $0x2  }
0xb8: {  	s31 =	sshll.u32 s1, $0xD;
	s1 =	sshrl.u32 s1, $0x2  }
0xb9: {  	s3 =	sand.u32 $0x4000, s31;
	s1 =	sadd.s32 s1, s30  }
0xba: {  	s0 =	sor.u32 s3, s0;
	s1 =	sshll.u32 s1, $0x11  }
0xbb: {  	s0 =	sor.u32 s1, s0  }
0xbc: {  	s0 =	sadd.s32 $0x8F2B, s0  }
0xbd: {  	[sflag:s0] =	ssyncadd.remote.s32 $0x1  }
0xbe: {  	_ =	sfence.sel $0xFFFF  }
0xbf: {  	[dreg:$0x0] =	wrdreg $0xFFFFFFFF;
	(pc) =	sbr.abs _section_cstart, $3  }
0xc0: {  	[dreg:$0x1] =	wrdreg $0xFFFFFFFF  }
0xc1: {  	_ =	task.clear_ibuf [dreg:s6], $0x2FFFF;
	_ =	strace $0x9FFFFFFF  }
0xc2: {  	(tm) =	ssettm $0x7FFFFFFF  }
0xc3: {  	_ =	shalt  }
tec
execute0_lowered:
.L_overlay_start_1:
0x0: {  	(tag) =	ssettag $0x1  }
0x1: {  	s5 =	rddreg [dreg:$0x0]  }
0x2: {  	s2 =	rddreg [dreg:$0x1]  }
0x3: {  	s0 =	rddreg [dreg:$0x2]  }
0x4: {  	s1 =	stileid.u32;
	s4 =	srdreg.scid;
	s3 =	simm.s32 $0x0  }
0x5: {  	s19 =	simm.s32 $0x1;
	s20 =	simm.s32 $0x8A00;
	s21 =	simm.s32 $0x3500  }
0x6: {  	s22 =	simm.s32 $0x2;
	s9 =	smul.u32 $0xA000, s1;
	s7 =	sand.u32 $0x1, s4  }
0x7: {  	[smem:$0x7FF] =	sst s3;
	s8 =	smul.u32 $0x1400, s1;
	s4 =	sadd.s32 $0x9E800, s5  }
0x8: {  	s12 =	sadd.s32 $0x1C800, s5;
	s14 =	sadd.s32 $0x3600, s5;
	s6 =	smul.u32 $0xFFFFFFCC, s7  }
0x9: {  	s31 =	sshll.u32 s1, $0x6;
	_ =	strace $0x8000004A;
	s10 =	smul.u32 $0x14000, s7  }
0xa: {  	s24 =	ssub.s32 $0x2, s7;
	p0 =	seq.s32 s7, $0x1;
	s29 =	smul.u32 $0xFFFF9800, s7  }
0xb: {  	s23 =	sshrl.u32 s9, $0x3;
	s25 =	sshrl.u32 s24, $0x1;
	s18 =	sadd.s32 s9, s2  }
0xc: {  	s11 =	sadd.s32 $0x6A, s6;
	s15 =	sadd.s32 s23, s5;
	s8 =	sadd.s32 s8, s10  }
0xd: {  	s17 =	ssub.s32 s24, s25;
	s10 =	sshra.s32 s29, $0x2;
	s23 =	simm.s32 $0x0  }
0xe: {  	s13 =	smul.u32 s1, s11;
	s16 =	sadd.s32 s8, s5;
	s9 =	sadd.s32 $0xB2800, s15  }
0xf: {  	s30 =	sshrl.u32 s11, $0x1;
	s10 =	sadd.s32 $0x6980, s10;
	s15 =	sshrl.u32 s18, $0x3  }
0x10: {  	s18 =	simm.s32 $0x6A00;
	s11 =	sadd.s32 $0xC6800, s16;
	s13 =	sshll.u32 s13, $0x4  }
0x11: {  	s16 =	simm.s32 $0x3;
	s26 =	sand.u32 $0x1FFFFFE0, s13;
	s28 =	sadd.s32 $0x6A00, s13  }
0x12: {  	s13 =	ssub.s32 $0x1, s30;
	s5 =	sadd.s32 s12, s26;
	s8 =	sand.u32 $0x1FFFFFE0, s28  }
0x13: {  	s6 =	sadd.s32 s14, s26;
	s7 =	sadd.s32 s12, s8;
	s8 =	sadd.s32 s14, s8  }
0x14: {  	s12 =	smax.u32 s17, $0x1;
	s14 =	sor.u32 $0x1C03, s31;
	s17 =	simm.s32 $0x80  }
.LBB2_1:
0x15: {  	s24 =	simm.s32 @p0 $0x0;
	s25 =	simm.s32 @p0 $0x3  }
0x16: {  	[tilespmem:s24], [sflag:$0x3] =	stream.linear.gather @p0 [hbm4b:s7+s24], $0x1B00, $0x38;
	[tilespmem:$0x14A00] =	vst v63  }
0x17: {  	_ =	swait.ge @p0 [sflag:s25], $0x1B00  }
0x18: {  	[sflag:s25] =	ssyncset.done @p0 $0x0  }
0x19: {  	s26 =	simm.s32 @p0 $0x3500;
	[sflag:s25] =	ssyncadd.s32 @p0 $0xFFFFE500  }
0x1a: {  	[tilespmem:s26], [sflag:$0x3] =	stream.linear.gather @p0 [hbm4b:s8+s24], $0x1B00, $0x38;
	[tilespmem:$0x14A00] =	vst v63  }
0x1b: {  	_ =	swait.ge @p0 [sflag:s25], $0x1B00  }
0x1c: {  	[sflag:s25] =	ssyncset.done @p0 $0x0  }
0x1d: {  	s24 =	simm.s32 @!p0 $0x0;
	[sflag:s25] =	ssyncadd.s32 @p0 $0xFFFFE500;
	s25 =	simm.s32 @!p0 $0x3  }
0x1e: {  	[tilespmem:s24], [sflag:$0x3] =	stream.linear.gather @!p0 [hbm4b:s5+s24], $0x3500, $0x38;
	[tilespmem:$0x14A00] =	vst v63  }
0x1f: {  	_ =	swait.ge @!p0 [sflag:s25], $0x3500  }
0x20: {  	[sflag:s25] =	ssyncset.done @!p0 $0x0  }
0x21: {  	s26 =	simm.s32 @!p0 $0x3500;
	[sflag:s25] =	ssyncadd.s32 @!p0 $0xFFFFCB00  }
0x22: {  	[tilespmem:s26], [sflag:$0x3] =	stream.linear.gather @!p0 [hbm4b:s6+s24], $0x3500, $0x38;
	[tilespmem:$0x14A00] =	vst v63  }
0x23: {  	_ =	swait.ge @!p0 [sflag:s25], $0x3500  }
0x24: {  	[sflag:s25] =	ssyncset.done @!p0 $0x0  }
0x25: {  	[sflag:s25] =	ssyncadd.s32 @!p0 $0xFFFFCB00  }
0x26: {  	[spmem:s15], [sflag:s14] =	dma.local [hbm:s9], $0x1400  }
0x27: {  	_ =	swait.ge [sflag:s16], $0x1400  }
0x28: {  	[sflag:s16] =	ssyncset.done $0x0  }
0x29: {  	[sflag:s16] =	ssyncadd.s32 $0xFFFFEC00  }
0x2a: {  	[bflag:$0x0] =	sbarrier.arrive $0xFFFF  }
0x2b: {  	[tilespmem:s18], [sflag:$0x1] =	stream.indirect.gather [hbm4b:s4+s17], $0x40, s3, s17, $0xb8;
	[tilespmem:$0x14A00] =	vst v63  }
0x2c: {  	_ =	swait.ge [sflag:s19], $0x2000  }
0x2d: {  	[sflag:s19] =	ssyncset.done $0x0  }
0x2e: {  	[sflag:s19] =	ssyncadd.s32 $0xFFFFE000  }
0x2f: {  	[tilespmem:s20], [sflag:$0x2] =	stream.indirect.gather [hbm4b:s4+s17], $0x40, s17, s17, $0xb8;
	[tilespmem:$0x14A00] =	vst v63  }
0x30: {  	_ = 	snop  }
0x31: {  	[spmem:s2] =	stream.indirect.scatter.add.f32 [tilespmem:s18], [sflag:$0x3], $0x40, s21, s17, $0xb8;
	[tilespmem:$0x14A00] =	vst v63  }
0x32: {  	_ =	swait.ge [sflag:s16], $0x2000  }
0x33: {  	[sflag:s16] =	ssyncset.done $0x0  }
0x34: {  	[sflag:s16] =	ssyncadd.s32 $0xFFFFE000  }
0x35: {  	_ =	swait.ge [sflag:s22], $0x2000  }
0x36: {  	[sflag:s22] =	ssyncset.done $0x0  }
0x37: {  	s29 =	simm.s32 $0x100;
	[sflag:s22] =	ssyncadd.s32 $0xFFFFE000  }
0x38: {  	[tilespmem:s18], [sflag:$0x1] =	stream.indirect.gather [hbm4b:s4+s17], $0x40, s29, s17, $0xb8;
	[tilespmem:$0x14A00] =	vst v63  }
0x39: {  	s30 =	simm.s32 $0x3580  }
0x3a: {  	[spmem:s2] =	stream.indirect.scatter.add.f32 [tilespmem:s20], [sflag:$0x3], $0x40, s30, s17, $0xb8;
	[tilespmem:$0x14A00] =	vst v63  }
0x3b: {  	_ =	swait.ge [sflag:s16], $0x2000  }
0x3c: {  	[sflag:s16] =	ssyncset.done $0x0  }
0x3d: {  	[sflag:s16] =	ssyncadd.s32 $0xFFFFE000  }
0x3e: {  	_ =	swait.ge [sflag:s19], $0x2000  }
0x3f: {  	[sflag:s19] =	ssyncset.done $0x0  }
0x40: {  	s31 =	simm.s32 $0x180;
	s25 =	sadd.s32 $0x1, s13;
	[sflag:s19] =	ssyncadd.s32 $0xFFFFE000  }
0x41: {  	[tilespmem:s20], [sflag:$0x2] =	stream.indirect.gather [hbm4b:s4+s17], $0x40, s31, s17, $0xb8;
	[tilespmem:$0x14A00] =	vst v63  }
0x42: {  	s24 =	simm.s32 $0x3600;
	p1 =	seq.s32 s25, $0x0  }
0x43: {  	[spmem:s2] =	stream.indirect.scatter.add.f32 [tilespmem:s18], [sflag:$0x3], $0x40, s24, s17, $0xb8;
	[tilespmem:$0x14A00] =	vst v63  }
.Ltmp0:
0x44: {  	_ =	swait.ge [sflag:s16], $0x2000;
	(pc) =	sbr.rel @p1 .LBB2_3-.Ltmp0, $4  }
0x45: {  	[sflag:s16] =	ssyncset.done $0x0  }
0x46: {  	[sflag:s16] =	ssyncadd.s32 $0xFFFFE000  }
0x47: {  	_ =	swait.ge [sflag:s22], $0x2000  }
0x48: {  	s26 =	simm.s32 $0x200;
	[sflag:s22] =	ssyncset.done $0x0  }
.LBB2_2:
0x49: {  	s25 =	sadd.s32 $0x1, s25;
	[sflag:s22] =	ssyncadd.s32 $0xFFFFE000;
	s24 =	sadd.s32 $0x100, s24  }
0x4a: {  	[tilespmem:s18], [sflag:$0x1] =	stream.indirect.gather [hbm4b:s4+s17], $0x40, s26, s17, $0xb8;
	[tilespmem:$0x14A00] =	vst v63  }
0x4b: {  	s28 =	sadd.s32 $0xFFFFFF80, s24;
	p1 =	seq.s32 s25, $0x0  }
0x4c: {  	[spmem:s2] =	stream.indirect.scatter.add.f32 [tilespmem:s20], [sflag:$0x3], $0x40, s28, s17, $0xb8;
	[tilespmem:$0x14A00] =	vst v63  }
0x4d: {  	_ =	swait.ge [sflag:s16], $0x2000  }
0x4e: {  	[sflag:s16] =	ssyncset.done $0x0  }
0x4f: {  	[sflag:s16] =	ssyncadd.s32 $0xFFFFE000  }
0x50: {  	_ =	swait.ge [sflag:s19], $0x2000  }
0x51: {  	[sflag:s19] =	ssyncset.done $0x0  }
0x52: {  	s28 =	sadd.s32 $0x80, s26;
	[sflag:s19] =	ssyncadd.s32 $0xFFFFE000  }
0x53: {  	[tilespmem:s20], [sflag:$0x2] =	stream.indirect.gather [hbm4b:s4+s17], $0x40, s28, s17, $0xb8;
	[tilespmem:$0x14A00] =	vst v63  }
0x54: {  	_ = 	snop  }
0x55: {  	[spmem:s2] =	stream.indirect.scatter.add.f32 [tilespmem:s18], [sflag:$0x3], $0x40, s24, s17, $0xb8;
	[tilespmem:$0x14A00] =	vst v63  }
.Ltmp1:
0x56: {  	_ =	swait.ge [sflag:s16], $0x2000;
	(pc) =	sbr.rel @!p1 .LBB2_2-.Ltmp1, $4  }
0x57: {  	[sflag:s16] =	ssyncset.done $0x0  }
0x58: {  	[sflag:s16] =	ssyncadd.s32 $0xFFFFE000  }
0x59: {  	_ =	swait.ge [sflag:s22], $0x2000  }
0x5a: {  	s26 =	sadd.s32 $0x100, s26;
	[sflag:s22] =	ssyncset.done $0x0  }
.LBB2_3:
0x5b: {  	[sflag:s22] =	ssyncadd.s32 $0xFFFFE000  }
0x5c: {  	[spmem:s2] =	stream.indirect.scatter.add.f32 [tilespmem:s20], [sflag:$0x3], $0x40, s10, s17, $0xb8;
	[tilespmem:$0x14A00] =	vst v63  }
0x5d: {  	_ =	swait.ge [sflag:s16], $0x2000  }
0x5e: {  	s23 =	sadd.s32 $0x1, s23;
	[sflag:s16] =	ssyncset.done $0x0  }
0x5f: {  	p1 =	sne.s32 s23, s12;
	[sflag:s16] =	ssyncadd.s32 $0xFFFFE000  }
.Ltmp2:
0x60: {  	[bflag:$0x0] =	sbarrier.arrive $0xFFFF;
	(pc) =	sbr.rel @p1 .LBB2_1-.Ltmp2, $4  }
0x61: {  	[hbm:s11], [sflag:s14] =	dma.local [spmem:s15], $0x1400  }
0x62: {  	_ =	swait.ge [sflag:s16], $0x1400  }
0x63: {  	[sflag:s16] =	ssyncset.done $0x0  }
0x64: {  	[sflag:s16] =	ssyncadd.s32 $0xFFFFEC00  }
0x65: {  	_ =	sfence.sel $0x180000  }
0x66: {  	[bflag:$0x0] =	sbarrier.arrive $0xFFFF  }
0x67: {  	p0 =	sne.s32 s1, $0x0;
	_ =	strace $0x9000004A  }
0x68: {  	s0 =	sadd.s32 @!p0 $0x100000, s0;
	[bflag:$0x2] =	sbarrier.arrive $0xFFFF  }
0x69: {  	[sflag:s0] =	ssyncadd.tile.s32 @!p0 $0x1;
	_ =	shalt  }
.Lfunc_end2:
_tile_overlayer_lowered:
.L_overlay_start_2:
0x6a: {  	(tag) =	ssettag $0x2  }
0x6b: {  	s0 =	rddreg [dreg:$0x0];
	s2 =	stileid.u32  }
0x6c: {  	s1 =	rddreg [dreg:$0x1];
	p0 =	sne.s32 s2, $0x0  }
0x6d: {  	s3 =	rddreg [dreg:$0x2];
	[bflag:$0x3] =	sbarrier.arrive $0xFFFF;
	s2 =	simm.s32 @!p0 $0x1C03  }
0x6e: {  	[timem:s3], [sflag:s2] =	dma.local @!p0 [hbm:s0], s1  }
0x6f: {  	s0 =	simm.s32 @!p0 $0x3  }
0x70: {  	_ =	swait.ge @!p0 [sflag:s0], s1  }
0x71: {  	s1 =	ssub.s32 @!p0 $0x0, s1;
	[sflag:s0] =	ssyncset.done @!p0 $0x0  }
0x72: {  	[sflag:s0] =	ssyncadd.s32 @!p0 s1  }
0x73: {  	[bflag:$0x3] =	sbarrier.arrive $0xFFFF  }
0x74: {  	_ =	shalt  }

// kernel: kernel.16.cloned.1.call-start
scs
__scs_entry_jumppad:
0x0: {  	(pc) =	sbr.rel $0x88, $3  }
0x1: {  	(tag) =	ssettag $0x0;
	lr =	simm.s32 $0x1  }
0x2: {  	[smem:$0x3F89] =	sst lr;
	_ =	strace $0xD0000000  }
0x3: {  	_ = 	snop  }
0x4: {  	_ = 	snop  }
0x5: {  	_ = 	snop  }
0x6: {  	_ = 	snop  }
0x7: {  	_ = 	snop  }
__scs_overlays_trampoline_lowered:
0x8: {  	[smem:$0x3F98] =	sst s0  }
0x9: {  	[smem:$0x3F99] =	sst s1  }
0xa: {  	[smem:$0x3F9A] =	sst s2  }
0xb: {  	[smem:$0x3F9B] =	sst s3  }
0xc: {  	[smem:$0x3F9C] =	sst s4  }
0xd: {  	[smem:$0x3F9D] =	sst s5  }
0xe: {  	[smem:$0x3F9E] =	sst s6  }
0xf: {  	[smem:$0x3F9F] =	sst s7  }
0x10: {  	[smem:$0x3FA0] =	sst s8  }
0x11: {  	[smem:$0x3FA1] =	sst s9;
	s0 =	simm.s32 @!p0 $0x0  }
0x12: {  	s1 =	sld [smem:$0x3F87];
	s0 =	simm.s32 @p0 $0x1  }
0x13: {  	[smem:$0x3FA2] =	sst s0;
	s0 =	simm.s32 @!p1 $0x0  }
0x14: {  	s2 =	sld [smem:$0x3F86];
	s0 =	simm.s32 @p1 $0x1  }
0x15: {  	[smem:$0x3FA3] =	sst s0;
	s0 =	simm.s32 @!p2 $0x0  }
0x16: {  	s3 =	sld [smem:$0x3FDB];
	s0 =	simm.s32 @p2 $0x1  }
0x17: {  	s4 =	simm.s32 $0x1BF5;
	[smem:$0x3FA5] =	sst s0  }
0x18: {  	s0 =	sld [smem:$0x3F88];
	_ =	swait.ge [sflag:s4], $0x0  }
0x19: {  	s7 =	sld [smem:$0x3F89]  }
0x1a: {  	s8 =	sadd.s32 $0xFFFFE003, lr  }
0x1b: {  	s9 =	sadd.s32 $0xFFFFFEF7, lr;
	s5 =	simm.s32 $0xFFFFFFFF;
	p2 =	slt.u32 s8, $0xFFFFF086  }
0x1c: {  	p1 =	slt.u32 s9, $0xF7A;
	s5 =	simm.s32 @!p2 $0x0  }
0x1d: {  	s5 =	simm.s32 @p1 $0x1;
	p0 =	seq.s32 s7, s2  }
0x1e: {  	s7 =	smul.u32 @!p0 $0xF7A, s2;
	p2 =	seq.s32 @!p0 s5, $0x0  }
0x1f: {  	s9 =	smul.u32 $0xF7A, s1;
	s8 =	simm.s32 @!p0 $0x1BF5;
	p2 =	por !p2, p0  }
0x20: {  	[sflag:s8] =	ssyncset.s32 @!p0 $0xFFFFF086;
	s6 =	sadd.s32 @!p0 s3, s7;
	s7 =	simm.s32 @!p0 $0x108  }
0x21: {  	s3 =	sadd.s32 s3, s9;
	s6 =	sadd.s32 @!p0 $0x88, s6;
	s7 =	simm.s32 @p2 $0x1082  }
0x22: {  	[simem:s7], [sflag:s8] =	dma.local @!p0 [hbm:s6], $0xF7A  }
0x23: {  	s9 =	sor.u32 $0xD0000000, s2;
	s6 =	simm.s32 $0x108;
	_ =	swait.ge @!p0 [sflag:s8], $0x0  }
0x24: {  	s3 =	sadd.s32 $0x88, s3;
	s6 =	simm.s32 @!p1 $0x1082;
	[sflag:s4] =	ssyncset.s32 $0xFFFFF086  }
0x25: {  	[simem:s6], [sflag:s4] =	dma.local [hbm:s3], $0xF7A  }
0x26: {  	[smem:$0x3F89] =	sst s1;
	(tag) =	ssettag s2;
	_ =	strace s9  }
0x27: {  	s1 =	sld [smem:$0x3F99]  }
0x28: {  	s2 =	sld [smem:$0x3F9A]  }
0x29: {  	s4 =	sld [smem:$0x3F9C]  }
0x2a: {  	p0 =	seq.s32 s5, $0x0;
	s5 =	sld [smem:$0x3F9D]  }
0x2b: {  	s6 =	sld [smem:$0x3F9E]  }
0x2c: {  	s7 =	sld [smem:$0x3F9F]  }
0x2d: {  	s3 =	simm.s32 $0x108;
	s8 =	sld [smem:$0x3FA0]  }
0x2e: {  	s3 =	simm.s32 @!p0 $0x1082;
	s9 =	sld [smem:$0x3FA1]  }
0x2f: {  	lr =	sadd.s32 s0, s3;
	s0 =	sld [smem:$0x3F98]  }
0x30: {  	s3 =	sld [smem:$0x3F9B]  }
0x31: {  	[smem:$0x3FA4] =	sst s10  }
0x32: {  	s10 =	sld [smem:$0x3FA2];
	_ =	sdelay $0x3  }
0x33: {  	p0 =	seq.s32 s10, $0x1;
	s10 =	sld [smem:$0x3FA4];
	_ =	sdelay $0x3  }
0x34: {  	[smem:$0x3FA4] =	sst s10  }
0x35: {  	s10 =	sld [smem:$0x3FA3];
	_ =	sdelay $0x3  }
0x36: {  	p1 =	seq.s32 s10, $0x1;
	s10 =	sld [smem:$0x3FA4];
	_ =	sdelay $0x3  }
0x37: {  	[smem:$0x3FA4] =	sst s10  }
0x38: {  	s10 =	sld [smem:$0x3FA5]  }
0x39: {  	_ = 	snop;
	(pc) =	sbr.ind lr, $3  }
0x3a: {  	_ = 	snop  }
0x3b: {  	_ = 	snop  }
0x3c: {  	p2 =	seq.s32 s10, $0x1;
	s10 =	sld [smem:$0x3FA4]  }
0x3d: {  	_ =	shalt  }
0x3e: {  	_ =	shalt  }
0x3f: {  	_ =	shalt  }
0x40: {  	_ =	shalt  }
0x41: {  	_ =	shalt  }
0x42: {  	_ =	shalt  }
0x43: {  	_ =	shalt  }
0x44: {  	_ =	shalt  }
0x45: {  	_ =	shalt  }
0x46: {  	_ =	shalt  }
0x47: {  	_ =	shalt  }
0x48: {  	_ =	shalt  }
0x49: {  	_ =	shalt  }
0x4a: {  	_ =	shalt  }
0x4b: {  	_ =	shalt  }
0x4c: {  	_ =	shalt  }
0x4d: {  	_ =	shalt  }
0x4e: {  	_ =	shalt  }
0x4f: {  	_ =	shalt  }
0x50: {  	_ =	shalt  }
0x51: {  	_ =	shalt  }
0x52: {  	_ =	shalt  }
0x53: {  	_ =	shalt  }
0x54: {  	_ =	shalt  }
0x55: {  	_ =	shalt  }
0x56: {  	_ =	shalt  }
0x57: {  	_ =	shalt  }
0x58: {  	_ =	shalt  }
0x59: {  	_ =	shalt  }
0x5a: {  	_ =	shalt  }
0x5b: {  	_ =	shalt  }
0x5c: {  	_ =	shalt  }
0x5d: {  	_ =	shalt  }
0x5e: {  	_ =	shalt  }
0x5f: {  	_ =	shalt  }
0x60: {  	_ =	shalt  }
0x61: {  	_ =	shalt  }
0x62: {  	_ =	shalt  }
0x63: {  	_ =	shalt  }
0x64: {  	_ =	shalt  }
0x65: {  	_ =	shalt  }
0x66: {  	_ =	shalt  }
0x67: {  	_ =	shalt  }
0x68: {  	_ =	shalt  }
0x69: {  	_ =	shalt  }
0x6a: {  	_ =	shalt  }
0x6b: {  	_ =	shalt  }
0x6c: {  	_ =	shalt  }
0x6d: {  	_ =	shalt  }
0x6e: {  	_ =	shalt  }
0x6f: {  	_ =	shalt  }
0x70: {  	_ =	shalt  }
0x71: {  	_ =	shalt  }
0x72: {  	_ =	shalt  }
0x73: {  	_ =	shalt  }
0x74: {  	_ =	shalt  }
0x75: {  	_ =	shalt  }
0x76: {  	_ =	shalt  }
0x77: {  	_ =	shalt  }
0x78: {  	_ =	shalt  }
0x79: {  	_ =	shalt  }
0x7a: {  	_ =	shalt  }
0x7b: {  	_ =	shalt  }
0x7c: {  	_ =	shalt  }
0x7d: {  	_ =	shalt  }
0x7e: {  	_ =	shalt  }
0x7f: {  	_ =	shalt  }
0x80: {  	_ =	shalt  }
0x81: {  	_ =	shalt  }
0x82: {  	_ =	shalt  }
0x83: {  	_ =	shalt  }
0x84: {  	_ =	shalt  }
0x85: {  	_ =	shalt  }
0x86: {  	_ =	shalt  }
0x87: {  	_ =	shalt  }
.Lfunc_end0:
.L_simem_size_0:
called_computation.2_lowered:
.L_overlay_start_0:
0x88: {  	s2 =	sld [smem:$0x3FD9]  }
0x89: {  	s3 =	sld [smem:$0x3FFE];
	_ =	sdelay $0x1  }
0x8a: {  	s1 =	srdreg.scid  }
0x8b: {  	s0 =	sand.u32 $0x1, s1  }
0x8c: {  	s16 =	sshll.u32 s0, $0xA;
	s2 =	sadd.s32 s3, s2  }
0x8d: {  	s2 =	sadd.s32 s2, s16  }
0x8e: {  	[smem:$0x3FB0] =	sst s2  }
0x8f: {  	_ = 	snop  }
0x90: {  	(tm) =	ssettm $0x1  }
0x91: {  	s17 =	sld [smem:$0x3FFB];
	_ =	sdelay $0x3  }
0x92: {  	_ =	strace s17  }
0x93: {  	s2 =	sld [smem:$0x3FFC];
	_ =	sdelay $0x3  }
0x94: {  	_ =	strace s2  }
0x95: {  	s2 =	sld [smem:$0x3FFD];
	_ =	sdelay $0x3  }
0x96: {  	_ =	strace s2  }
0x97: {  	_ =	strace $0x8FFFFFFF  }
0x98: {  	s18 =	sld [smem:$0x3FDB];
	_ =	sdelay $0x1  }
0x99: {  	s19 =	simm.s32 $_scs_section_size  }
0x9a: {  	s4 =	simm.s32 $_size__tile_overlayer_lowered;
	s5 =	simm.s32 $_tile_overlayer_lowered  }
0x9b: {  	s22 =	simm.s32 $0x1BFF;
	s21 =	sshll.u32 s5, $0x1;
	s2 =	sadd.s32 s19, s18  }
0x9c: {  	s6 =	simm.s32 $0x0;
	s20 =	sshll.u32 s4, $0x1;
	s4 =	sadd.s32 s21, s2  }
0x9d: {  	[timem:s6], [sflag:s22] =	dma.local [hbm:s4], s20  }
0x9e: {  	_ =	swait.ge [sflag:s22], s20  }
0x9f: {  	s3 =	ssub.s32 $0x0, s20;
	[sflag:s22] =	ssyncset.done $0x0  }
0xa0: {  	[sflag:s22] =	ssyncadd.s32 s3;
	_ =	sdelay $0x1  }
0xa1: {  	s23 =	simm.s32 $0x1B8B  }
0xa2: {  	_ =	swait.ge [sflag:s23], $0x1  }
0xa3: {  	[sflag:s23] =	ssyncset.done $0x0  }
0xa4: {  	s25 =	simm.s32 $0x1B8E;
	s24 =	sld [smem:$0x3FFE];
	[sflag:s23] =	ssyncadd.s32 $0xFFFFFFFF  }
0xa5: {  	s26 =	simm.s32 $execute0_lowered;
	[smem:$0x3FD2] =	sst s25  }
0xa6: {  	s4 =	sshll.u32 s26, $0x1;
	_ =	strace $0x8000004C;
	[dreg:$0x1] =	wrdreg $0xFFFFFFFF  }
0xa7: {  	s28 =	simm.s32 $_size_execute0_lowered;
	s2 =	sadd.s32 s2, s4;
	[dreg:$0x0] =	wrdreg $0x0  }
0xa8: {  	s4 =	sshll.u32 s28, $0x1;
	[dreg:$0x2] =	wrdreg s2  }
0xa9: {  	[dreg:$0x3] =	wrdreg s4  }
0xaa: {  	[dreg:$0x4] =	wrdreg $0xC0  }
0xab: {  	_ =	task [dreg:s6], $0x5FFFF  }
0xac: {  	[dreg:$0x1] =	wrdreg $0xFFFFFFFF  }
0xad: {  	[dreg:$0x0] =	wrdreg $0x60  }
0xae: {  	[dreg:$0x2] =	wrdreg s24  }
0xaf: {  	[dreg:$0x3] =	wrdreg $0xAA000  }
0xb0: {  	[dreg:$0x4] =	wrdreg $0x9  }
0xb1: {  	_ =	task.clear_ibuf [dreg:s6], $0x5FFFF;
	_ =	strace $0x9000004C  }
0xb2: {  	s29 =	simm.s32 $0x9;
	_ =	strace $0x8000004E  }
0xb3: {  	_ =	swait.ge [sflag:s29], $0x1  }
0xb4: {  	[sflag:s29] =	ssyncadd.s32 $0xFFFFFFFF  }
0xb5: {  	_ =	strace $0x9000004E  }
0xb6: {  	_ =	sfence  }
0xb7: {  	s30 =	sld [smem:$0x0];
	_ =	sdelay $0x2  }
0xb8: {  	s31 =	sshll.u32 s1, $0xD;
	s1 =	sshrl.u32 s1, $0x2  }
0xb9: {  	s3 =	sand.u32 $0x4000, s31;
	s1 =	sadd.s32 s1, s30  }
0xba: {  	s0 =	sor.u32 s3, s0;
	s1 =	sshll.u32 s1, $0x11  }
0xbb: {  	s0 =	sor.u32 s1, s0  }
0xbc: {  	s0 =	sadd.s32 $0x8F2B, s0  }
0xbd: {  	[sflag:s0] =	ssyncadd.remote.s32 $0x1  }
0xbe: {  	_ =	sfence.sel $0xFFFF  }
0xbf: {  	[dreg:$0x0] =	wrdreg $0xFFFFFFFF;
	(pc) =	sbr.abs _section_cstart, $3  }
0xc0: {  	[dreg:$0x1] =	wrdreg $0xFFFFFFFF  }
0xc1: {  	_ =	task.clear_ibuf [dreg:s6], $0x2FFFF;
	_ =	strace $0x9FFFFFFF  }
0xc2: {  	(tm) =	ssettm $0x7FFFFFFF  }
0xc3: {  	_ =	shalt  }
tec
execute0_lowered:
.L_overlay_start_1:
0x0: {  	(tag) =	ssettag $0x1  }
0x1: {  	s5 =	rddreg [dreg:$0x0]  }
0x2: {  	s2 =	rddreg [dreg:$0x1]  }
0x3: {  	s0 =	rddreg [dreg:$0x2]  }
0x4: {  	s1 =	stileid.u32;
	s4 =	srdreg.scid;
	s3 =	simm.s32 $0x0  }
0x5: {  	s19 =	simm.s32 $0x1;
	s20 =	simm.s32 $0x8A00;
	s21 =	simm.s32 $0x3500  }
0x6: {  	s22 =	simm.s32 $0x2;
	s9 =	smul.u32 $0xA000, s1;
	s7 =	sand.u32 $0x1, s4  }
0x7: {  	[smem:$0x7FF] =	sst s3;
	s8 =	smul.u32 $0x1400, s1;
	s4 =	sadd.s32 $0x76800, s5  }
0x8: {  	s12 =	sadd.s32 $0x1C800, s5;
	s14 =	sadd.s32 $0x3600, s5;
	s6 =	smul.u32 $0xFFFFFFCC, s7  }
0x9: {  	s31 =	sshll.u32 s1, $0x6;
	_ =	strace $0x8000004D;
	s10 =	smul.u32 $0x14000, s7  }
0xa: {  	s24 =	ssub.s32 $0x2, s7;
	p0 =	seq.s32 s7, $0x1;
	s29 =	smul.u32 $0xFFFF9800, s7  }
0xb: {  	s23 =	sshrl.u32 s9, $0x3;
	s25 =	sshrl.u32 s24, $0x1;
	s18 =	sadd.s32 s9, s2  }
0xc: {  	s11 =	sadd.s32 $0x6A, s6;
	s15 =	sadd.s32 s23, s5;
	s8 =	sadd.s32 s8, s10  }
0xd: {  	s17 =	ssub.s32 s24, s25;
	s10 =	sshra.s32 s29, $0x2;
	s23 =	simm.s32 $0x0  }
0xe: {  	s13 =	smul.u32 s1, s11;
	s16 =	sadd.s32 s8, s5;
	s9 =	sadd.s32 $0xB2800, s15  }
0xf: {  	s30 =	sshrl.u32 s11, $0x1;
	s10 =	sadd.s32 $0x6980, s10;
	s15 =	sshrl.u32 s18, $0x3  }
0x10: {  	s18 =	simm.s32 $0x6A00;
	s11 =	sadd.s32 $0x8A800, s16;
	s13 =	sshll.u32 s13, $0x4  }
0x11: {  	s16 =	simm.s32 $0x3;
	s26 =	sand.u32 $0x1FFFFFE0, s13;
	s28 =	sadd.s32 $0x6A00, s13  }
0x12: {  	s13 =	ssub.s32 $0x1, s30;
	s5 =	sadd.s32 s12, s26;
	s8 =	sand.u32 $0x1FFFFFE0, s28  }
0x13: {  	s6 =	sadd.s32 s14, s26;
	s7 =	sadd.s32 s12, s8;
	s8 =	sadd.s32 s14, s8  }
0x14: {  	s12 =	smax.u32 s17, $0x1;
	s14 =	sor.u32 $0x1C03, s31;
	s17 =	simm.s32 $0x80  }
.LBB2_1:
0x15: {  	s24 =	simm.s32 @p0 $0x0;
	s25 =	simm.s32 @p0 $0x3  }
0x16: {  	[tilespmem:s24], [sflag:$0x3] =	stream.linear.gather @p0 [hbm4b:s7+s24], $0x1B00, $0x38;
	[tilespmem:$0x14A00] =	vst v63  }
0x17: {  	_ =	swait.ge @p0 [sflag:s25], $0x1B00  }
0x18: {  	[sflag:s25] =	ssyncset.done @p0 $0x0  }
0x19: {  	s26 =	simm.s32 @p0 $0x3500;
	[sflag:s25] =	ssyncadd.s32 @p0 $0xFFFFE500  }
0x1a: {  	[tilespmem:s26], [sflag:$0x3] =	stream.linear.gather @p0 [hbm4b:s8+s24], $0x1B00, $0x38;
	[tilespmem:$0x14A00] =	vst v63  }
0x1b: {  	_ =	swait.ge @p0 [sflag:s25], $0x1B00  }
0x1c: {  	[sflag:s25] =	ssyncset.done @p0 $0x0  }
0x1d: {  	s24 =	simm.s32 @!p0 $0x0;
	[sflag:s25] =	ssyncadd.s32 @p0 $0xFFFFE500;
	s25 =	simm.s32 @!p0 $0x3  }
0x1e: {  	[tilespmem:s24], [sflag:$0x3] =	stream.linear.gather @!p0 [hbm4b:s5+s24], $0x3500, $0x38;
	[tilespmem:$0x14A00] =	vst v63  }
0x1f: {  	_ =	swait.ge @!p0 [sflag:s25], $0x3500  }
0x20: {  	[sflag:s25] =	ssyncset.done @!p0 $0x0  }
0x21: {  	s26 =	simm.s32 @!p0 $0x3500;
	[sflag:s25] =	ssyncadd.s32 @!p0 $0xFFFFCB00  }
0x22: {  	[tilespmem:s26], [sflag:$0x3] =	stream.linear.gather @!p0 [hbm4b:s6+s24], $0x3500, $0x38;
	[tilespmem:$0x14A00] =	vst v63  }
0x23: {  	_ =	swait.ge @!p0 [sflag:s25], $0x3500  }
0x24: {  	[sflag:s25] =	ssyncset.done @!p0 $0x0  }
0x25: {  	[sflag:s25] =	ssyncadd.s32 @!p0 $0xFFFFCB00  }
0x26: {  	[spmem:s15], [sflag:s14] =	dma.local [hbm:s9], $0x1400  }
0x27: {  	_ =	swait.ge [sflag:s16], $0x1400  }
0x28: {  	[sflag:s16] =	ssyncset.done $0x0  }
0x29: {  	[sflag:s16] =	ssyncadd.s32 $0xFFFFEC00  }
0x2a: {  	[bflag:$0x0] =	sbarrier.arrive $0xFFFF  }
0x2b: {  	[tilespmem:s18], [sflag:$0x1] =	stream.indirect.gather [hbm4b:s4+s17], $0x40, s3, s17, $0xb8;
	[tilespmem:$0x14A00] =	vst v63  }
0x2c: {  	_ =	swait.ge [sflag:s19], $0x2000  }
0x2d: {  	[sflag:s19] =	ssyncset.done $0x0  }
0x2e: {  	[sflag:s19] =	ssyncadd.s32 $0xFFFFE000  }
0x2f: {  	[tilespmem:s20], [sflag:$0x2] =	stream.indirect.gather [hbm4b:s4+s17], $0x40, s17, s17, $0xb8;
	[tilespmem:$0x14A00] =	vst v63  }
0x30: {  	_ = 	snop  }
0x31: {  	[spmem:s2] =	stream.indirect.scatter.add.f32 [tilespmem:s18], [sflag:$0x3], $0x40, s21, s17, $0xb8;
	[tilespmem:$0x14A00] =	vst v63  }
0x32: {  	_ =	swait.ge [sflag:s16], $0x2000  }
0x33: {  	[sflag:s16] =	ssyncset.done $0x0  }
0x34: {  	[sflag:s16] =	ssyncadd.s32 $0xFFFFE000  }
0x35: {  	_ =	swait.ge [sflag:s22], $0x2000  }
0x36: {  	[sflag:s22] =	ssyncset.done $0x0  }
0x37: {  	s29 =	simm.s32 $0x100;
	[sflag:s22] =	ssyncadd.s32 $0xFFFFE000  }
0x38: {  	[tilespmem:s18], [sflag:$0x1] =	stream.indirect.gather [hbm4b:s4+s17], $0x40, s29, s17, $0xb8;
	[tilespmem:$0x14A00] =	vst v63  }
0x39: {  	s30 =	simm.s32 $0x3580  }
0x3a: {  	[spmem:s2] =	stream.indirect.scatter.add.f32 [tilespmem:s20], [sflag:$0x3], $0x40, s30, s17, $0xb8;
	[tilespmem:$0x14A00] =	vst v63  }
0x3b: {  	_ =	swait.ge [sflag:s16], $0x2000  }
0x3c: {  	[sflag:s16] =	ssyncset.done $0x0  }
0x3d: {  	[sflag:s16] =	ssyncadd.s32 $0xFFFFE000  }
0x3e: {  	_ =	swait.ge [sflag:s19], $0x2000  }
0x3f: {  	[sflag:s19] =	ssyncset.done $0x0  }
0x40: {  	s31 =	simm.s32 $0x180;
	s25 =	sadd.s32 $0x1, s13;
	[sflag:s19] =	ssyncadd.s32 $0xFFFFE000  }
0x41: {  	[tilespmem:s20], [sflag:$0x2] =	stream.indirect.gather [hbm4b:s4+s17], $0x40, s31, s17, $0xb8;
	[tilespmem:$0x14A00] =	vst v63  }
0x42: {  	s24 =	simm.s32 $0x3600;
	p1 =	seq.s32 s25, $0x0  }
0x43: {  	[spmem:s2] =	stream.indirect.scatter.add.f32 [tilespmem:s18], [sflag:$0x3], $0x40, s24, s17, $0xb8;
	[tilespmem:$0x14A00] =	vst v63  }
.Ltmp0:
0x44: {  	_ =	swait.ge [sflag:s16], $0x2000;
	(pc) =	sbr.rel @p1 .LBB2_3-.Ltmp0, $4  }
0x45: {  	[sflag:s16] =	ssyncset.done $0x0  }
0x46: {  	[sflag:s16] =	ssyncadd.s32 $0xFFFFE000  }
0x47: {  	_ =	swait.ge [sflag:s22], $0x2000  }
0x48: {  	s26 =	simm.s32 $0x200;
	[sflag:s22] =	ssyncset.done $0x0  }
.LBB2_2:
0x49: {  	s25 =	sadd.s32 $0x1, s25;
	[sflag:s22] =	ssyncadd.s32 $0xFFFFE000;
	s24 =	sadd.s32 $0x100, s24  }
0x4a: {  	[tilespmem:s18], [sflag:$0x1] =	stream.indirect.gather [hbm4b:s4+s17], $0x40, s26, s17, $0xb8;
	[tilespmem:$0x14A00] =	vst v63  }
0x4b: {  	s28 =	sadd.s32 $0xFFFFFF80, s24;
	p1 =	seq.s32 s25, $0x0  }
0x4c: {  	[spmem:s2] =	stream.indirect.scatter.add.f32 [tilespmem:s20], [sflag:$0x3], $0x40, s28, s17, $0xb8;
	[tilespmem:$0x14A00] =	vst v63  }
0x4d: {  	_ =	swait.ge [sflag:s16], $0x2000  }
0x4e: {  	[sflag:s16] =	ssyncset.done $0x0  }
0x4f: {  	[sflag:s16] =	ssyncadd.s32 $0xFFFFE000  }
0x50: {  	_ =	swait.ge [sflag:s19], $0x2000  }
0x51: {  	[sflag:s19] =	ssyncset.done $0x0  }
0x52: {  	s28 =	sadd.s32 $0x80, s26;
	[sflag:s19] =	ssyncadd.s32 $0xFFFFE000  }
0x53: {  	[tilespmem:s20], [sflag:$0x2] =	stream.indirect.gather [hbm4b:s4+s17], $0x40, s28, s17, $0xb8;
	[tilespmem:$0x14A00] =	vst v63  }
0x54: {  	_ = 	snop  }
0x55: {  	[spmem:s2] =	stream.indirect.scatter.add.f32 [tilespmem:s18], [sflag:$0x3], $0x40, s24, s17, $0xb8;
	[tilespmem:$0x14A00] =	vst v63  }
.Ltmp1:
0x56: {  	_ =	swait.ge [sflag:s16], $0x2000;
	(pc) =	sbr.rel @!p1 .LBB2_2-.Ltmp1, $4  }
0x57: {  	[sflag:s16] =	ssyncset.done $0x0  }
0x58: {  	[sflag:s16] =	ssyncadd.s32 $0xFFFFE000  }
0x59: {  	_ =	swait.ge [sflag:s22], $0x2000  }
0x5a: {  	s26 =	sadd.s32 $0x100, s26;
	[sflag:s22] =	ssyncset.done $0x0  }
.LBB2_3:
0x5b: {  	[sflag:s22] =	ssyncadd.s32 $0xFFFFE000  }
0x5c: {  	[spmem:s2] =	stream.indirect.scatter.add.f32 [tilespmem:s20], [sflag:$0x3], $0x40, s10, s17, $0xb8;
	[tilespmem:$0x14A00] =	vst v63  }
0x5d: {  	_ =	swait.ge [sflag:s16], $0x2000  }
0x5e: {  	s23 =	sadd.s32 $0x1, s23;
	[sflag:s16] =	ssyncset.done $0x0  }
0x5f: {  	p1 =	sne.s32 s23, s12;
	[sflag:s16] =	ssyncadd.s32 $0xFFFFE000  }
.Ltmp2:
0x60: {  	[bflag:$0x0] =	sbarrier.arrive $0xFFFF;
	(pc) =	sbr.rel @p1 .LBB2_1-.Ltmp2, $4  }
0x61: {  	[hbm:s11], [sflag:s14] =	dma.local [spmem:s15], $0x1400  }
0x62: {  	_ =	swait.ge [sflag:s16], $0x1400  }
0x63: {  	[sflag:s16] =	ssyncset.done $0x0  }
0x64: {  	[sflag:s16] =	ssyncadd.s32 $0xFFFFEC00  }
0x65: {  	_ =	sfence.sel $0x180000  }
0x66: {  	[bflag:$0x0] =	sbarrier.arrive $0xFFFF  }
0x67: {  	p0 =	sne.s32 s1, $0x0;
	_ =	strace $0x9000004D  }
0x68: {  	s0 =	sadd.s32 @!p0 $0x100000, s0;
	[bflag:$0x2] =	sbarrier.arrive $0xFFFF  }
0x69: {  	[sflag:s0] =	ssyncadd.tile.s32 @!p0 $0x1;
	_ =	shalt  }
.Lfunc_end2:
_tile_overlayer_lowered:
.L_overlay_start_2:
0x6a: {  	(tag) =	ssettag $0x2  }
0x6b: {  	s0 =	rddreg [dreg:$0x0];
	s2 =	stileid.u32  }
0x6c: {  	s1 =	rddreg [dreg:$0x1];
	p0 =	sne.s32 s2, $0x0  }
0x6d: {  	s3 =	rddreg [dreg:$0x2];
	[bflag:$0x3] =	sbarrier.arrive $0xFFFF;
	s2 =	simm.s32 @!p0 $0x1C03  }
0x6e: {  	[timem:s3], [sflag:s2] =	dma.local @!p0 [hbm:s0], s1  }
0x6f: {  	s0 =	simm.s32 @!p0 $0x3  }
0x70: {  	_ =	swait.ge @!p0 [sflag:s0], s1  }
0x71: {  	s1 =	ssub.s32 @!p0 $0x0, s1;
	[sflag:s0] =	ssyncset.done @!p0 $0x0  }
0x72: {  	[sflag:s0] =	ssyncadd.s32 @!p0 s1  }
0x73: {  	[bflag:$0x3] =	sbarrier.arrive $0xFFFF  }
0x74: {  	_ =	shalt  }

// kernel: kernel.19.cloned.1.call-start
scs
__scs_entry_jumppad:
0x0: {  	(pc) =	sbr.rel $0x88, $3  }
0x1: {  	(tag) =	ssettag $0x0;
	lr =	simm.s32 $0x1  }
0x2: {  	[smem:$0x3F89] =	sst lr;
	_ =	strace $0xD0000000  }
0x3: {  	_ = 	snop  }
0x4: {  	_ = 	snop  }
0x5: {  	_ = 	snop  }
0x6: {  	_ = 	snop  }
0x7: {  	_ = 	snop  }
__scs_overlays_trampoline_lowered:
0x8: {  	[smem:$0x3F98] =	sst s0  }
0x9: {  	[smem:$0x3F99] =	sst s1  }
0xa: {  	[smem:$0x3F9A] =	sst s2  }
0xb: {  	[smem:$0x3F9B] =	sst s3  }
0xc: {  	[smem:$0x3F9C] =	sst s4  }
0xd: {  	[smem:$0x3F9D] =	sst s5  }
0xe: {  	[smem:$0x3F9E] =	sst s6  }
0xf: {  	[smem:$0x3F9F] =	sst s7  }
0x10: {  	[smem:$0x3FA0] =	sst s8  }
0x11: {  	[smem:$0x3FA1] =	sst s9;
	s0 =	simm.s32 @!p0 $0x0  }
0x12: {  	s1 =	sld [smem:$0x3F87];
	s0 =	simm.s32 @p0 $0x1  }
0x13: {  	[smem:$0x3FA2] =	sst s0;
	s0 =	simm.s32 @!p1 $0x0  }
0x14: {  	s2 =	sld [smem:$0x3F86];
	s0 =	simm.s32 @p1 $0x1  }
0x15: {  	[smem:$0x3FA3] =	sst s0;
	s0 =	simm.s32 @!p2 $0x0  }
0x16: {  	s3 =	sld [smem:$0x3FDB];
	s0 =	simm.s32 @p2 $0x1  }
0x17: {  	s4 =	simm.s32 $0x1BF5;
	[smem:$0x3FA5] =	sst s0  }
0x18: {  	s0 =	sld [smem:$0x3F88];
	_ =	swait.ge [sflag:s4], $0x0  }
0x19: {  	s7 =	sld [smem:$0x3F89]  }
0x1a: {  	s8 =	sadd.s32 $0xFFFFE003, lr  }
0x1b: {  	s9 =	sadd.s32 $0xFFFFFEF7, lr;
	s5 =	simm.s32 $0xFFFFFFFF;
	p2 =	slt.u32 s8, $0xFFFFF086  }
0x1c: {  	p1 =	slt.u32 s9, $0xF7A;
	s5 =	simm.s32 @!p2 $0x0  }
0x1d: {  	s5 =	simm.s32 @p1 $0x1;
	p0 =	seq.s32 s7, s2  }
0x1e: {  	s7 =	smul.u32 @!p0 $0xF7A, s2;
	p2 =	seq.s32 @!p0 s5, $0x0  }
0x1f: {  	s9 =	smul.u32 $0xF7A, s1;
	s8 =	simm.s32 @!p0 $0x1BF5;
	p2 =	por !p2, p0  }
0x20: {  	[sflag:s8] =	ssyncset.s32 @!p0 $0xFFFFF086;
	s6 =	sadd.s32 @!p0 s3, s7;
	s7 =	simm.s32 @!p0 $0x108  }
0x21: {  	s3 =	sadd.s32 s3, s9;
	s6 =	sadd.s32 @!p0 $0x88, s6;
	s7 =	simm.s32 @p2 $0x1082  }
0x22: {  	[simem:s7], [sflag:s8] =	dma.local @!p0 [hbm:s6], $0xF7A  }
0x23: {  	s9 =	sor.u32 $0xD0000000, s2;
	s6 =	simm.s32 $0x108;
	_ =	swait.ge @!p0 [sflag:s8], $0x0  }
0x24: {  	s3 =	sadd.s32 $0x88, s3;
	s6 =	simm.s32 @!p1 $0x1082;
	[sflag:s4] =	ssyncset.s32 $0xFFFFF086  }
0x25: {  	[simem:s6], [sflag:s4] =	dma.local [hbm:s3], $0xF7A  }
0x26: {  	[smem:$0x3F89] =	sst s1;
	(tag) =	ssettag s2;
	_ =	strace s9  }
0x27: {  	s1 =	sld [smem:$0x3F99]  }
0x28: {  	s2 =	sld [smem:$0x3F9A]  }
0x29: {  	s4 =	sld [smem:$0x3F9C]  }
0x2a: {  	p0 =	seq.s32 s5, $0x0;
	s5 =	sld [smem:$0x3F9D]  }
0x2b: {  	s6 =	sld [smem:$0x3F9E]  }
0x2c: {  	s7 =	sld [smem:$0x3F9F]  }
0x2d: {  	s3 =	simm.s32 $0x108;
	s8 =	sld [smem:$0x3FA0]  }
0x2e: {  	s3 =	simm.s32 @!p0 $0x1082;
	s9 =	sld [smem:$0x3FA1]  }
0x2f: {  	lr =	sadd.s32 s0, s3;
	s0 =	sld [smem:$0x3F98]  }
0x30: {  	s3 =	sld [smem:$0x3F9B]  }
0x31: {  	[smem:$0x3FA4] =	sst s10  }
0x32: {  	s10 =	sld [smem:$0x3FA2];
	_ =	sdelay $0x3  }
0x33: {  	p0 =	seq.s32 s10, $0x1;
	s10 =	sld [smem:$0x3FA4];
	_ =	sdelay $0x3  }
0x34: {  	[smem:$0x3FA4] =	sst s10  }
0x35: {  	s10 =	sld [smem:$0x3FA3];
	_ =	sdelay $0x3  }
0x36: {  	p1 =	seq.s32 s10, $0x1;
	s10 =	sld [smem:$0x3FA4];
	_ =	sdelay $0x3  }
0x37: {  	[smem:$0x3FA4] =	sst s10  }
0x38: {  	s10 =	sld [smem:$0x3FA5]  }
0x39: {  	_ = 	snop;
	(pc) =	sbr.ind lr, $3  }
0x3a: {  	_ = 	snop  }
0x3b: {  	_ = 	snop  }
0x3c: {  	p2 =	seq.s32 s10, $0x1;
	s10 =	sld [smem:$0x3FA4]  }
0x3d: {  	_ =	shalt  }
0x3e: {  	_ =	shalt  }
0x3f: {  	_ =	shalt  }
0x40: {  	_ =	shalt  }
0x41: {  	_ =	shalt  }
0x42: {  	_ =	shalt  }
0x43: {  	_ =	shalt  }
0x44: {  	_ =	shalt  }
0x45: {  	_ =	shalt  }
0x46: {  	_ =	shalt  }
0x47: {  	_ =	shalt  }
0x48: {  	_ =	shalt  }
0x49: {  	_ =	shalt  }
0x4a: {  	_ =	shalt  }
0x4b: {  	_ =	shalt  }
0x4c: {  	_ =	shalt  }
0x4d: {  	_ =	shalt  }
0x4e: {  	_ =	shalt  }
0x4f: {  	_ =	shalt  }
0x50: {  	_ =	shalt  }
0x51: {  	_ =	shalt  }
0x52: {  	_ =	shalt  }
0x53: {  	_ =	shalt  }
0x54: {  	_ =	shalt  }
0x55: {  	_ =	shalt  }
0x56: {  	_ =	shalt  }
0x57: {  	_ =	shalt  }
0x58: {  	_ =	shalt  }
0x59: {  	_ =	shalt  }
0x5a: {  	_ =	shalt  }
0x5b: {  	_ =	shalt  }
0x5c: {  	_ =	shalt  }
0x5d: {  	_ =	shalt  }
0x5e: {  	_ =	shalt  }
0x5f: {  	_ =	shalt  }
0x60: {  	_ =	shalt  }
0x61: {  	_ =	shalt  }
0x62: {  	_ =	shalt  }
0x63: {  	_ =	shalt  }
0x64: {  	_ =	shalt  }
0x65: {  	_ =	shalt  }
0x66: {  	_ =	shalt  }
0x67: {  	_ =	shalt  }
0x68: {  	_ =	shalt  }
0x69: {  	_ =	shalt  }
0x6a: {  	_ =	shalt  }
0x6b: {  	_ =	shalt  }
0x6c: {  	_ =	shalt  }
0x6d: {  	_ =	shalt  }
0x6e: {  	_ =	shalt  }
0x6f: {  	_ =	shalt  }
0x70: {  	_ =	shalt  }
0x71: {  	_ =	shalt  }
0x72: {  	_ =	shalt  }
0x73: {  	_ =	shalt  }
0x74: {  	_ =	shalt  }
0x75: {  	_ =	shalt  }
0x76: {  	_ =	shalt  }
0x77: {  	_ =	shalt  }
0x78: {  	_ =	shalt  }
0x79: {  	_ =	shalt  }
0x7a: {  	_ =	shalt  }
0x7b: {  	_ =	shalt  }
0x7c: {  	_ =	shalt  }
0x7d: {  	_ =	shalt  }
0x7e: {  	_ =	shalt  }
0x7f: {  	_ =	shalt  }
0x80: {  	_ =	shalt  }
0x81: {  	_ =	shalt  }
0x82: {  	_ =	shalt  }
0x83: {  	_ =	shalt  }
0x84: {  	_ =	shalt  }
0x85: {  	_ =	shalt  }
0x86: {  	_ =	shalt  }
0x87: {  	_ =	shalt  }
.Lfunc_end0:
.L_simem_size_0:
called_computation.3_lowered:
.L_overlay_start_0:
0x88: {  	s2 =	sld [smem:$0x3FD9]  }
0x89: {  	s3 =	sld [smem:$0x3FFE];
	_ =	sdelay $0x1  }
0x8a: {  	s1 =	srdreg.scid  }
0x8b: {  	s0 =	sand.u32 $0x1, s1  }
0x8c: {  	s16 =	sshll.u32 s0, $0xA;
	s2 =	sadd.s32 s3, s2  }
0x8d: {  	s2 =	sadd.s32 s2, s16  }
0x8e: {  	[smem:$0x3FB0] =	sst s2  }
0x8f: {  	_ = 	snop  }
0x90: {  	(tm) =	ssettm $0x1  }
0x91: {  	s17 =	sld [smem:$0x3FFB];
	_ =	sdelay $0x3  }
0x92: {  	_ =	strace s17  }
0x93: {  	s2 =	sld [smem:$0x3FFC];
	_ =	sdelay $0x3  }
0x94: {  	_ =	strace s2  }
0x95: {  	s2 =	sld [smem:$0x3FFD];
	_ =	sdelay $0x3  }
0x96: {  	_ =	strace s2  }
0x97: {  	_ =	strace $0x8FFFFFFF  }
0x98: {  	s18 =	sld [smem:$0x3FDB];
	_ =	sdelay $0x1  }
0x99: {  	s19 =	simm.s32 $_scs_section_size  }
0x9a: {  	s4 =	simm.s32 $_size__tile_overlayer_lowered;
	s5 =	simm.s32 $_tile_overlayer_lowered  }
0x9b: {  	s22 =	simm.s32 $0x1BFF;
	s21 =	sshll.u32 s5, $0x1;
	s2 =	sadd.s32 s19, s18  }
0x9c: {  	s6 =	simm.s32 $0x0;
	s20 =	sshll.u32 s4, $0x1;
	s4 =	sadd.s32 s21, s2  }
0x9d: {  	[timem:s6], [sflag:s22] =	dma.local [hbm:s4], s20  }
0x9e: {  	_ =	swait.ge [sflag:s22], s20  }
0x9f: {  	s3 =	ssub.s32 $0x0, s20;
	[sflag:s22] =	ssyncset.done $0x0  }
0xa0: {  	[sflag:s22] =	ssyncadd.s32 s3;
	_ =	sdelay $0x1  }
0xa1: {  	s23 =	simm.s32 $0x1B8B  }
0xa2: {  	_ =	swait.ge [sflag:s23], $0x1  }
0xa3: {  	[sflag:s23] =	ssyncset.done $0x0  }
0xa4: {  	s25 =	simm.s32 $0x1B8E;
	s24 =	sld [smem:$0x3FFE];
	[sflag:s23] =	ssyncadd.s32 $0xFFFFFFFF  }
0xa5: {  	s26 =	simm.s32 $execute0_lowered;
	[smem:$0x3FD2] =	sst s25  }
0xa6: {  	s4 =	sshll.u32 s26, $0x1;
	_ =	strace $0x8000004F;
	[dreg:$0x1] =	wrdreg $0xFFFFFFFF  }
0xa7: {  	s28 =	simm.s32 $_size_execute0_lowered;
	s2 =	sadd.s32 s2, s4;
	[dreg:$0x0] =	wrdreg $0x0  }
0xa8: {  	s4 =	sshll.u32 s28, $0x1;
	[dreg:$0x2] =	wrdreg s2  }
0xa9: {  	[dreg:$0x3] =	wrdreg s4  }
0xaa: {  	[dreg:$0x4] =	wrdreg $0xC0  }
0xab: {  	_ =	task [dreg:s6], $0x5FFFF  }
0xac: {  	[dreg:$0x1] =	wrdreg $0xFFFFFFFF  }
0xad: {  	[dreg:$0x0] =	wrdreg $0x60  }
0xae: {  	[dreg:$0x2] =	wrdreg s24  }
0xaf: {  	[dreg:$0x3] =	wrdreg $0xAA000  }
0xb0: {  	[dreg:$0x4] =	wrdreg $0x9  }
0xb1: {  	_ =	task.clear_ibuf [dreg:s6], $0x5FFFF;
	_ =	strace $0x9000004F  }
0xb2: {  	s29 =	simm.s32 $0x9;
	_ =	strace $0x80000051  }
0xb3: {  	_ =	swait.ge [sflag:s29], $0x1  }
0xb4: {  	[sflag:s29] =	ssyncadd.s32 $0xFFFFFFFF  }
0xb5: {  	_ =	strace $0x90000051  }
0xb6: {  	_ =	sfence  }
0xb7: {  	s30 =	sld [smem:$0x0];
	_ =	sdelay $0x2  }
0xb8: {  	s31 =	sshll.u32 s1, $0xD;
	s1 =	sshrl.u32 s1, $0x2  }
0xb9: {  	s3 =	sand.u32 $0x4000, s31;
	s1 =	sadd.s32 s1, s30  }
0xba: {  	s0 =	sor.u32 s3, s0;
	s1 =	sshll.u32 s1, $0x11  }
0xbb: {  	s0 =	sor.u32 s1, s0  }
0xbc: {  	s0 =	sadd.s32 $0x8F2B, s0  }
0xbd: {  	[sflag:s0] =	ssyncadd.remote.s32 $0x1  }
0xbe: {  	_ =	sfence.sel $0xFFFF  }
0xbf: {  	[dreg:$0x0] =	wrdreg $0xFFFFFFFF;
	(pc) =	sbr.abs _section_cstart, $3  }
0xc0: {  	[dreg:$0x1] =	wrdreg $0xFFFFFFFF  }
0xc1: {  	_ =	task.clear_ibuf [dreg:s6], $0x2FFFF;
	_ =	strace $0x9FFFFFFF  }
0xc2: {  	(tm) =	ssettm $0x7FFFFFFF  }
0xc3: {  	_ =	shalt  }
tec
execute0_lowered:
.L_overlay_start_1:
0x0: {  	(tag) =	ssettag $0x1  }
0x1: {  	s5 =	rddreg [dreg:$0x0]  }
0x2: {  	s2 =	rddreg [dreg:$0x1]  }
0x3: {  	s0 =	rddreg [dreg:$0x2]  }
0x4: {  	s1 =	stileid.u32;
	s4 =	srdreg.scid;
	s3 =	simm.s32 $0x0  }
0x5: {  	s19 =	simm.s32 $0x1;
	s20 =	simm.s32 $0x8A00;
	s21 =	simm.s32 $0x3500  }
0x6: {  	s22 =	simm.s32 $0x2;
	s9 =	smul.u32 $0xA000, s1;
	s7 =	sand.u32 $0x1, s4  }
0x7: {  	[smem:$0x7FF] =	sst s3;
	s8 =	smul.u32 $0x1400, s1;
	s4 =	sadd.s32 $0x76800, s5  }
0x8: {  	s12 =	sadd.s32 $0x1C800, s5;
	s14 =	sadd.s32 $0x3600, s5;
	s6 =	smul.u32 $0xFFFFFFCC, s7  }
0x9: {  	s31 =	sshll.u32 s1, $0x6;
	_ =	strace $0x80000050;
	s10 =	smul.u32 $0x14000, s7  }
0xa: {  	s24 =	ssub.s32 $0x2, s7;
	p0 =	seq.s32 s7, $0x1;
	s29 =	smul.u32 $0xFFFF9800, s7  }
0xb: {  	s23 =	sshrl.u32 s9, $0x3;
	s25 =	sshrl.u32 s24, $0x1;
	s18 =	sadd.s32 s9, s2  }
0xc: {  	s11 =	sadd.s32 $0x6A, s6;
	s15 =	sadd.s32 s23, s5;
	s8 =	sadd.s32 s8, s10  }
0xd: {  	s17 =	ssub.s32 s24, s25;
	s10 =	sshra.s32 s29, $0x2;
	s23 =	simm.s32 $0x0  }
0xe: {  	s13 =	smul.u32 s1, s11;
	s16 =	sadd.s32 s8, s5;
	s9 =	sadd.s32 $0xB2800, s15  }
0xf: {  	s30 =	sshrl.u32 s11, $0x1;
	s10 =	sadd.s32 $0x6980, s10;
	s15 =	sshrl.u32 s18, $0x3  }
0x10: {  	s18 =	simm.s32 $0x6A00;
	s11 =	sadd.s32 $0x8A800, s16;
	s13 =	sshll.u32 s13, $0x4  }
0x11: {  	s16 =	simm.s32 $0x3;
	s26 =	sand.u32 $0x1FFFFFE0, s13;
	s28 =	sadd.s32 $0x6A00, s13  }
0x12: {  	s13 =	ssub.s32 $0x1, s30;
	s5 =	sadd.s32 s12, s26;
	s8 =	sand.u32 $0x1FFFFFE0, s28  }
0x13: {  	s6 =	sadd.s32 s14, s26;
	s7 =	sadd.s32 s12, s8;
	s8 =	sadd.s32 s14, s8  }
0x14: {  	s12 =	smax.u32 s17, $0x1;
	s14 =	sor.u32 $0x1C03, s31;
	s17 =	simm.s32 $0x80  }
.LBB2_1:
0x15: {  	s24 =	simm.s32 @p0 $0x0;
	s25 =	simm.s32 @p0 $0x3  }
0x16: {  	[tilespmem:s24], [sflag:$0x3] =	stream.linear.gather @p0 [hbm4b:s7+s24], $0x1B00, $0x38;
	[tilespmem:$0x14A00] =	vst v63  }
0x17: {  	_ =	swait.ge @p0 [sflag:s25], $0x1B00  }
0x18: {  	[sflag:s25] =	ssyncset.done @p0 $0x0  }
0x19: {  	s26 =	simm.s32 @p0 $0x3500;
	[sflag:s25] =	ssyncadd.s32 @p0 $0xFFFFE500  }
0x1a: {  	[tilespmem:s26], [sflag:$0x3] =	stream.linear.gather @p0 [hbm4b:s8+s24], $0x1B00, $0x38;
	[tilespmem:$0x14A00] =	vst v63  }
0x1b: {  	_ =	swait.ge @p0 [sflag:s25], $0x1B00  }
0x1c: {  	[sflag:s25] =	ssyncset.done @p0 $0x0  }
0x1d: {  	s24 =	simm.s32 @!p0 $0x0;
	[sflag:s25] =	ssyncadd.s32 @p0 $0xFFFFE500;
	s25 =	simm.s32 @!p0 $0x3  }
0x1e: {  	[tilespmem:s24], [sflag:$0x3] =	stream.linear.gather @!p0 [hbm4b:s5+s24], $0x3500, $0x38;
	[tilespmem:$0x14A00] =	vst v63  }
0x1f: {  	_ =	swait.ge @!p0 [sflag:s25], $0x3500  }
0x20: {  	[sflag:s25] =	ssyncset.done @!p0 $0x0  }
0x21: {  	s26 =	simm.s32 @!p0 $0x3500;
	[sflag:s25] =	ssyncadd.s32 @!p0 $0xFFFFCB00  }
0x22: {  	[tilespmem:s26], [sflag:$0x3] =	stream.linear.gather @!p0 [hbm4b:s6+s24], $0x3500, $0x38;
	[tilespmem:$0x14A00] =	vst v63  }
0x23: {  	_ =	swait.ge @!p0 [sflag:s25], $0x3500  }
0x24: {  	[sflag:s25] =	ssyncset.done @!p0 $0x0  }
0x25: {  	[sflag:s25] =	ssyncadd.s32 @!p0 $0xFFFFCB00  }
0x26: {  	[spmem:s15], [sflag:s14] =	dma.local [hbm:s9], $0x1400  }
0x27: {  	_ =	swait.ge [sflag:s16], $0x1400  }
0x28: {  	[sflag:s16] =	ssyncset.done $0x0  }
0x29: {  	[sflag:s16] =	ssyncadd.s32 $0xFFFFEC00  }
0x2a: {  	[bflag:$0x0] =	sbarrier.arrive $0xFFFF  }
0x2b: {  	[tilespmem:s18], [sflag:$0x1] =	stream.indirect.gather [hbm4b:s4+s17], $0x40, s3, s17, $0xb8;
	[tilespmem:$0x14A00] =	vst v63  }
0x2c: {  	_ =	swait.ge [sflag:s19], $0x2000  }
0x2d: {  	[sflag:s19] =	ssyncset.done $0x0  }
0x2e: {  	[sflag:s19] =	ssyncadd.s32 $0xFFFFE000  }
0x2f: {  	[tilespmem:s20], [sflag:$0x2] =	stream.indirect.gather [hbm4b:s4+s17], $0x40, s17, s17, $0xb8;
	[tilespmem:$0x14A00] =	vst v63  }
0x30: {  	_ = 	snop  }
0x31: {  	[spmem:s2] =	stream.indirect.scatter.add.f32 [tilespmem:s18], [sflag:$0x3], $0x40, s21, s17, $0xb8;
	[tilespmem:$0x14A00] =	vst v63  }
0x32: {  	_ =	swait.ge [sflag:s16], $0x2000  }
0x33: {  	[sflag:s16] =	ssyncset.done $0x0  }
0x34: {  	[sflag:s16] =	ssyncadd.s32 $0xFFFFE000  }
0x35: {  	_ =	swait.ge [sflag:s22], $0x2000  }
0x36: {  	[sflag:s22] =	ssyncset.done $0x0  }
0x37: {  	s29 =	simm.s32 $0x100;
	[sflag:s22] =	ssyncadd.s32 $0xFFFFE000  }
0x38: {  	[tilespmem:s18], [sflag:$0x1] =	stream.indirect.gather [hbm4b:s4+s17], $0x40, s29, s17, $0xb8;
	[tilespmem:$0x14A00] =	vst v63  }
0x39: {  	s30 =	simm.s32 $0x3580  }
0x3a: {  	[spmem:s2] =	stream.indirect.scatter.add.f32 [tilespmem:s20], [sflag:$0x3], $0x40, s30, s17, $0xb8;
	[tilespmem:$0x14A00] =	vst v63  }
0x3b: {  	_ =	swait.ge [sflag:s16], $0x2000  }
0x3c: {  	[sflag:s16] =	ssyncset.done $0x0  }
0x3d: {  	[sflag:s16] =	ssyncadd.s32 $0xFFFFE000  }
0x3e: {  	_ =	swait.ge [sflag:s19], $0x2000  }
0x3f: {  	[sflag:s19] =	ssyncset.done $0x0  }
0x40: {  	s31 =	simm.s32 $0x180;
	s25 =	sadd.s32 $0x1, s13;
	[sflag:s19] =	ssyncadd.s32 $0xFFFFE000  }
0x41: {  	[tilespmem:s20], [sflag:$0x2] =	stream.indirect.gather [hbm4b:s4+s17], $0x40, s31, s17, $0xb8;
	[tilespmem:$0x14A00] =	vst v63  }
0x42: {  	s24 =	simm.s32 $0x3600;
	p1 =	seq.s32 s25, $0x0  }
0x43: {  	[spmem:s2] =	stream.indirect.scatter.add.f32 [tilespmem:s18], [sflag:$0x3], $0x40, s24, s17, $0xb8;
	[tilespmem:$0x14A00] =	vst v63  }
.Ltmp0:
0x44: {  	_ =	swait.ge [sflag:s16], $0x2000;
	(pc) =	sbr.rel @p1 .LBB2_3-.Ltmp0, $4  }
0x45: {  	[sflag:s16] =	ssyncset.done $0x0  }
0x46: {  	[sflag:s16] =	ssyncadd.s32 $0xFFFFE000  }
0x47: {  	_ =	swait.ge [sflag:s22], $0x2000  }
0x48: {  	s26 =	simm.s32 $0x200;
	[sflag:s22] =	ssyncset.done $0x0  }
.LBB2_2:
0x49: {  	s25 =	sadd.s32 $0x1, s25;
	[sflag:s22] =	ssyncadd.s32 $0xFFFFE000;
	s24 =	sadd.s32 $0x100, s24  }
0x4a: {  	[tilespmem:s18], [sflag:$0x1] =	stream.indirect.gather [hbm4b:s4+s17], $0x40, s26, s17, $0xb8;
	[tilespmem:$0x14A00] =	vst v63  }
0x4b: {  	s28 =	sadd.s32 $0xFFFFFF80, s24;
	p1 =	seq.s32 s25, $0x0  }
0x4c: {  	[spmem:s2] =	stream.indirect.scatter.add.f32 [tilespmem:s20], [sflag:$0x3], $0x40, s28, s17, $0xb8;
	[tilespmem:$0x14A00] =	vst v63  }
0x4d: {  	_ =	swait.ge [sflag:s16], $0x2000  }
0x4e: {  	[sflag:s16] =	ssyncset.done $0x0  }
0x4f: {  	[sflag:s16] =	ssyncadd.s32 $0xFFFFE000  }
0x50: {  	_ =	swait.ge [sflag:s19], $0x2000  }
0x51: {  	[sflag:s19] =	ssyncset.done $0x0  }
0x52: {  	s28 =	sadd.s32 $0x80, s26;
	[sflag:s19] =	ssyncadd.s32 $0xFFFFE000  }
0x53: {  	[tilespmem:s20], [sflag:$0x2] =	stream.indirect.gather [hbm4b:s4+s17], $0x40, s28, s17, $0xb8;
	[tilespmem:$0x14A00] =	vst v63  }
0x54: {  	_ = 	snop  }
0x55: {  	[spmem:s2] =	stream.indirect.scatter.add.f32 [tilespmem:s18], [sflag:$0x3], $0x40, s24, s17, $0xb8;
	[tilespmem:$0x14A00] =	vst v63  }
.Ltmp1:
0x56: {  	_ =	swait.ge [sflag:s16], $0x2000;
	(pc) =	sbr.rel @!p1 .LBB2_2-.Ltmp1, $4  }
0x57: {  	[sflag:s16] =	ssyncset.done $0x0  }
0x58: {  	[sflag:s16] =	ssyncadd.s32 $0xFFFFE000  }
0x59: {  	_ =	swait.ge [sflag:s22], $0x2000  }
0x5a: {  	s26 =	sadd.s32 $0x100, s26;
	[sflag:s22] =	ssyncset.done $0x0  }
.LBB2_3:
0x5b: {  	[sflag:s22] =	ssyncadd.s32 $0xFFFFE000  }
0x5c: {  	[spmem:s2] =	stream.indirect.scatter.add.f32 [tilespmem:s20], [sflag:$0x3], $0x40, s10, s17, $0xb8;
	[tilespmem:$0x14A00] =	vst v63  }
0x5d: {  	_ =	swait.ge [sflag:s16], $0x2000  }
0x5e: {  	s23 =	sadd.s32 $0x1, s23;
	[sflag:s16] =	ssyncset.done $0x0  }
0x5f: {  	p1 =	sne.s32 s23, s12;
	[sflag:s16] =	ssyncadd.s32 $0xFFFFE000  }
.Ltmp2:
0x60: {  	[bflag:$0x0] =	sbarrier.arrive $0xFFFF;
	(pc) =	sbr.rel @p1 .LBB2_1-.Ltmp2, $4  }
0x61: {  	[hbm:s11], [sflag:s14] =	dma.local [spmem:s15], $0x1400  }
0x62: {  	_ =	swait.ge [sflag:s16], $0x1400  }
0x63: {  	[sflag:s16] =	ssyncset.done $0x0  }
0x64: {  	[sflag:s16] =	ssyncadd.s32 $0xFFFFEC00  }
0x65: {  	_ =	sfence.sel $0x180000  }
0x66: {  	[bflag:$0x0] =	sbarrier.arrive $0xFFFF  }
0x67: {  	p0 =	sne.s32 s1, $0x0;
	_ =	strace $0x90000050  }
0x68: {  	s0 =	sadd.s32 @!p0 $0x100000, s0;
	[bflag:$0x2] =	sbarrier.arrive $0xFFFF  }
0x69: {  	[sflag:s0] =	ssyncadd.tile.s32 @!p0 $0x1;
	_ =	shalt  }
.Lfunc_end2:
_tile_overlayer_lowered:
.L_overlay_start_2:
0x6a: {  	(tag) =	ssettag $0x2  }
0x6b: {  	s0 =	rddreg [dreg:$0x0];
	s2 =	stileid.u32  }
0x6c: {  	s1 =	rddreg [dreg:$0x1];
	p0 =	sne.s32 s2, $0x0  }
0x6d: {  	s3 =	rddreg [dreg:$0x2];
	[bflag:$0x3] =	sbarrier.arrive $0xFFFF;
	s2 =	simm.s32 @!p0 $0x1C03  }
0x6e: {  	[timem:s3], [sflag:s2] =	dma.local @!p0 [hbm:s0], s1  }
0x6f: {  	s0 =	simm.s32 @!p0 $0x3  }
0x70: {  	_ =	swait.ge @!p0 [sflag:s0], s1  }
0x71: {  	s1 =	ssub.s32 @!p0 $0x0, s1;
	[sflag:s0] =	ssyncset.done @!p0 $0x0  }
0x72: {  	[sflag:s0] =	ssyncadd.s32 @!p0 s1  }
0x73: {  	[bflag:$0x3] =	sbarrier.arrive $0xFFFF  }
0x74: {  	_ =	shalt  }

</sc_bundles>
